<compile_context>
chip_gen: v7x
topology: tpu7x:2x2x1
jax: 0.10.2.dev20260603
libtpu: 0.0.44.dev20260713+nightly
codegen_flags: <defaults>
</compile_context>

<pallas_src>
import functools

import jax
import jax.numpy as jnp
from jax.experimental import pallas as pl
from jax.experimental.pallas import tpu as pltpu
from jax.experimental.pallas import tpu_sc as plsc



def _stage_a_body(f2m_ref, maskf_ref, c2_ref, f_ref, cb_ref,
                  assign_ref, rowmin_ref, colmin_ref, rm_s, ra_s,
                  *, bn, bk, kb_total):
    nb = pl.program_id(0)
    kb = pl.program_id(1)
    ns = bk // 128

    fm2 = -2.0 * f_ref[...]

    f2m = f2m_ref[0]
    c2 = c2_ref[0, 0, :]

    @pl.when(kb == 0)
    def _():
        rm_s[...] = jnp.full((bn, 128), 3e38, jnp.float32)
        ra_s[...] = jnp.zeros((bn, 128), jnp.int32)

    m = rm_s[...]
    a = ra_s[...]
    cols = []
    nsplit = max(2, (bn * bk * 4) // (8 * 1024 * 1024))
    half = bk // nsplit
    nhs = half // 128
    for h in range(nsplit):
        cbh = cb_ref[pl.ds(h * half, half), :]
        t = jax.lax.dot_general(
            fm2, cbh, (((1,), (1,)), ((), ())),
            preferred_element_type=jnp.float32)
        for sh in range(nhs):
            s = h * nhs + sh
            ts = t[:, sh * 128:(sh + 1) * 128]
            ds = (f2m + ts) + c2[s * 128:(s + 1) * 128][None, :]
            better = ds < m
            m = jnp.where(better, ds, m)
            a = jnp.where(better, jnp.int32(kb * ns + s), a)
            cols.append(jnp.min(ds, axis=0)[None, :])
    rm_s[...] = m
    ra_s[...] = a

    tcol = jnp.concatenate(cols, axis=1)

    @pl.when(nb == 0)
    def _():
        colmin_ref[pl.ds(kb, 1), :] = tcol

    @pl.when(nb > 0)
    def _():
        old = colmin_ref[pl.ds(kb, 1), :]
        colmin_ref[pl.ds(kb, 1), :] = jnp.minimum(old, tcol)

    @pl.when(kb == kb_total - 1)
    def _():
        mfin = rm_s[...]
        afin = ra_s[...]
        tmin = jnp.min(mfin, axis=1)
        lane = jax.lax.broadcasted_iota(jnp.int32, (bn, 128), 1)
        kfull = afin * 128 + lane
        targ = jnp.min(jnp.where(mfin == tmin[:, None], kfull,
                                 jnp.int32(2**30)), axis=1)
        mk = maskf_ref[0, 0, :]
        valid = mk > 0.0
        assign_ref[0, 0, :] = jnp.where(valid, targ, 0)
        rowmin_ref[0, 0, :] = jnp.where(valid, tmin, 0.0)


def _stage_a(features, maskf, cb, f2m, c2, bn, bk):
    n, d_dim = features.shape
    k = cb.shape[0]
    nb_total, kb_total = n // bn, k // bk
    body = functools.partial(_stage_a_body, bn=bn, bk=bk, kb_total=kb_total)
    assign3, rowmin3, colmin2 = pl.pallas_call(
        body,
        grid=(nb_total, kb_total),
        in_specs=[
            pl.BlockSpec((1, bn, 1), lambda nb, kb: (nb, 0, 0)),
            pl.BlockSpec((1, 1, bn), lambda nb, kb: (nb, 0, 0)),
            pl.BlockSpec((1, 1, bk), lambda nb, kb: (kb, 0, 0)),
            pl.BlockSpec((bn, d_dim), lambda nb, kb: (nb, 0)),
            pl.BlockSpec((bk, d_dim), lambda nb, kb: (kb, 0)),
        ],
        out_specs=[
            pl.BlockSpec((1, 1, bn), lambda nb, kb: (nb, 0, 0)),
            pl.BlockSpec((1, 1, bn), lambda nb, kb: (nb, 0, 0)),
            pl.BlockSpec((kb_total, bk), lambda nb, kb: (0, 0)),
        ],
        out_shape=[
            jax.ShapeDtypeStruct((nb_total, 1, bn), jnp.int32),
            jax.ShapeDtypeStruct((nb_total, 1, bn), jnp.float32),
            jax.ShapeDtypeStruct((kb_total, bk), jnp.float32),
        ],
        scratch_shapes=[
            pltpu.VMEM((bn, 128), jnp.float32),
            pltpu.VMEM((bn, 128), jnp.int32),
        ],
    )(f2m.reshape(nb_total, bn, 1), maskf.reshape(nb_total, 1, bn),
      c2.reshape(kb_total, 1, bk), features, cb)
    return (assign3.reshape(n), rowmin3.reshape(n), colmin2.reshape(k))



_SC_CHUNK = 128


def _make_stage_b(n, d_dim, k):
    info = plsc.get_sparse_core_info()
    nc, ns = info.num_cores, info.num_subcores
    rows_per_w = n // (nc * ns)
    chunks = rows_per_w // _SC_CHUNK
    mesh = plsc.VectorSubcoreMesh(core_axis_name="c", subcore_axis_name="s")

    @functools.partial(
        pl.kernel, mesh=mesh,
        out_type=[
            jax.ShapeDtypeStruct((n, d_dim), jnp.float32),
            jax.ShapeDtypeStruct((nc, k), jnp.float32),
        ],
        scratch_types=[
            pltpu.VMEM((rows_per_w,), jnp.int32),
            pltpu.VMEM((rows_per_w,), jnp.float32),
            pltpu.VMEM((2, _SC_CHUNK, d_dim), jnp.float32),
            pltpu.VMEM_SHARED((k,), jnp.float32),
            pltpu.SemaphoreType.DMA,
            pltpu.SemaphoreType.DMA,
            pltpu.SemaphoreType.DMA,
            pltpu.SemaphoreType.DMA,
            pltpu.SemaphoreType.DMA,
    ],
    )
    def stage_b(cb_hbm, assign_hbm, maskf_hbm, zeros_hbm,
                outf_hbm, cnt_hbm, idx_v, val_v, rows_v, shist,
                gs0, gs1, ws0, ws1, hs):
        cid = jax.lax.axis_index("c")
        sid = jax.lax.axis_index("s")
        base = (sid * nc + cid) * rows_per_w
        gsems = (gs0, gs1)
        wsems = (ws0, ws1)

        @pl.when(sid == 0)
        def _():
            pltpu.sync_copy(zeros_hbm, shist)

        pltpu.sync_copy(assign_hbm.at[pl.ds(base, rows_per_w)], idx_v)
        pltpu.sync_copy(maskf_hbm.at[pl.ds(base, rows_per_w)], val_v)
        plsc.subcore_barrier()

        hadd = pltpu.async_copy(val_v, shist.at[idx_v], hs, add=True)

        gets = [None, None]
        puts = [None, None]
        for c in range(chunks):
            b = c % 2
            if puts[b] is not None:
                puts[b].wait()
            gets[b] = pltpu.async_copy(
                cb_hbm.at[idx_v.at[pl.ds(c * _SC_CHUNK, _SC_CHUNK)]],
                rows_v.at[b], gsems[b])
            gets[b].wait()
            puts[b] = pltpu.async_copy(
                rows_v.at[b],
                outf_hbm.at[pl.ds(base + c * _SC_CHUNK, _SC_CHUNK)],
                wsems[b])
        for b in range(2):
            if puts[b] is not None:
                puts[b].wait()
        hadd.wait()

        plsc.subcore_barrier()

        @pl.when(sid == 0)
        def _():
            pltpu.sync_copy(shist, cnt_hbm.at[cid])

    return stage_b



def _stage_c_body(rowmin_ref, maskf_ref, colmin_ref, cnt_ref,
                  cb_loss_ref, cm_loss_ref, ul_ref, pct_ref, *, d_dim, k):
    rm_sum = jnp.sum(rowmin_ref[...])
    nvalid = jnp.sum(maskf_ref[...])
    loss = rm_sum / jnp.float32(d_dim) / jnp.maximum(nvalid, 1.0)
    cb_loss_ref[...] = loss.reshape(1, 1)
    cm_loss_ref[...] = loss.reshape(1, 1)

    cnt = jnp.sum(cnt_ref[...], axis=0)
    colmin = colmin_ref[...].reshape(cnt.shape)
    um = jnp.where(cnt < 1.0, 1.0, 0.0)
    denom = jnp.maximum(jnp.sum(um), 1.0)
    ul = jnp.sum(um * colmin) / jnp.float32(d_dim) / denom
    ul_ref[...] = ul.reshape(1, 1)
    pct = jnp.sum(jnp.where(cnt > 0.0, 1.0, 0.0)) / jnp.float32(k)
    pct_ref[...] = pct.reshape(1, 1)


def _stage_c(rowmin, maskf, colmin, cnts, d_dim, k):
    n = rowmin.shape[0]
    body = functools.partial(_stage_c_body, d_dim=d_dim, k=k)
    outs = pl.pallas_call(
        body,
        out_shape=[jax.ShapeDtypeStruct((1, 1), jnp.float32)] * 4,
    )(rowmin.reshape(n // 128, 128), maskf.reshape(n // 128, 128),
      colmin.reshape(k // 128, 128), cnts)
    return [o.reshape(()) for o in outs]



def kernel(features, mask, codebook, codebook_mean, codebook_scale):
    n, d_dim = features.shape
    k = codebook.shape[0]

    cb = 10.0 * codebook
    scale = jnp.exp(codebook_scale)
    cb = codebook_mean + scale * cb
    f2 = (features ** 2).sum(axis=-1)
    c2 = (cb ** 2).sum(axis=-1)
    maskf = mask.astype(jnp.float32)
    f2m = jnp.where(mask, f2, jnp.float32(1e30))

    assign, rowmin, colmin = _stage_a(features, maskf, cb, f2m, c2,
                                      bn=4096, bk=8192)

    zeros_k = jnp.zeros((k,), jnp.float32)
    out_features, cnts = _make_stage_b(n, d_dim, k)(cb, assign, maskf, zeros_k)

    cb_loss, cm_loss, ul, pct = _stage_c(rowmin, maskf, colmin, cnts, d_dim, k)

    losses = dict(codebook=cb_loss, commitment=cm_loss,
                  unassigned=ul, unassigned_percent=pct)
    return (out_features, assign, losses)

# --- scband reference (transcript-rebuilt; emitter-appended) ---
"""Pipeline reference for scband-vq-25881472925808 (READ-ONLY COPY).

The authoritative reference and input builder live on the scoring server;
editing this copy changes nothing except your own understanding.
"""

import jax, jax.numpy as jnp
import numpy as np

N = 16384
D = 256
K = 8192

def setup_inputs(seed: int = 0) -> dict:
    key = jax.random.key(seed)
    k1, k2 = jax.random.split(key)
    features = jax.random.normal(k1, (N, D), dtype=jnp.float32)
    mask = jnp.ones((N,), dtype=bool)
    # learned params sized per init_kwargs (codebook_size=8192, affine=True)
    codebook = jax.random.uniform(k2, (K, D), minval=-0.1, maxval=0.1, dtype=jnp.float32)
    codebook_mean = jnp.zeros((1, D), dtype=jnp.float32)
    codebook_scale = jnp.zeros((1, D), dtype=jnp.float32)
    return {"features": features, "mask": mask, "codebook": codebook,
            "codebook_mean": codebook_mean, "codebook_scale": codebook_scale}

def reference(features, mask, codebook, codebook_mean, codebook_scale):
    def replace_gradient(x, y):
        return jax.lax.stop_gradient(x) + y - jax.lax.stop_gradient(y)
    cb = 10.0 * codebook
    # affine=True path
    scale = jnp.exp(codebook_scale)
    cb = codebook_mean + scale * cb
    # squared euclidean distance, expanded via matmul (same math as
    # ((f[:,None,:]-c[None,:,:])**2).sum(-1) without the N*K*D intermediate)
    f2 = (features ** 2).sum(axis=-1)
    c2 = (cb ** 2).sum(axis=-1)
    distance = f2[:, None] - 2.0 * (features @ cb.T) + c2[None, :]
    distance = jnp.where(mask[:, None], distance, jnp.inf)
    assign_fwd = jnp.argmin(distance, axis=1)
    assign_rev = jnp.argmin(distance, axis=0)
    features_fwd = cb[assign_fwd]
    features_rev = features[assign_rev]
    out_features = replace_gradient(features_fwd, features)
    codebook_loss = ((features_fwd - jax.lax.stop_gradient(features)) ** 2).mean(axis=-1)
    codebook_loss = jnp.where(mask, codebook_loss, 0).sum() / jnp.maximum(mask.sum(), 1)
    commitment_loss = ((jax.lax.stop_gradient(features_fwd) - features) ** 2).mean(axis=-1)
    commitment_loss = jnp.where(mask, commitment_loss, 0).sum() / jnp.maximum(mask.sum(), 1)
    assignment_count = jnp.zeros((K,), dtype=jnp.float32).at[assign_fwd].add(mask.astype(jnp.float32))
    local_assignment_count = assignment_count
    # mapped_axes = [] -> no psum
    assignment_mask = local_assignment_count < 1
    unassigned_loss = assignment_mask * ((cb - jax.lax.stop_gradient(features_rev)) ** 2).mean(axis=-1)
    unassigned_loss = unassigned_loss.sum() / jnp.maximum(assignment_mask.sum(), 1)
    losses = dict(codebook=codebook_loss, commitment=commitment_loss,
                  unassigned=unassigned_loss,
                  unassigned_percent=(assignment_count > 0).mean())
    return (out_features, assign_fwd, losses)

if __name__ == "__main__":
    import jax
    _d = setup_inputs()
    print(jax.jit(kernel)(*tuple(_d.values())))

</pallas_src>

<mosaic_0001>
#map = affine_map<(d0, d1) -> (0, 0)>
#map1 = affine_map<(d0, d1) -> (0)>
module attributes {stable_mosaic.version = 14 : i64} {
  func.func @stage_b(%arg0: i32, %arg1: i32, %arg2: memref<8192x256xf32, #tpu.memory_space<hbm>>, %arg3: memref<16384xi32, #tpu.memory_space<hbm>>, %arg4: memref<16384xf32, #tpu.memory_space<hbm>>, %arg5: memref<8192xf32, #tpu.memory_space<hbm>>, %arg6: memref<16384x256xf32, #tpu.memory_space<hbm>>, %arg7: memref<2x8192xf32, #tpu.memory_space<hbm>>, %arg8: memref<512xi32, #tpu.memory_space<vmem>>, %arg9: memref<512xf32, #tpu.memory_space<vmem>>, %arg10: memref<2x128x256xf32, #tpu.memory_space<vmem>>, %arg11: memref<8192xf32, #tpu.memory_space<vmem_shared>>, %arg12: memref<!tpu.dma_semaphore, #tpu.memory_space<semaphore_mem>>, %arg13: memref<!tpu.dma_semaphore, #tpu.memory_space<semaphore_mem>>, %arg14: memref<!tpu.dma_semaphore, #tpu.memory_space<semaphore_mem>>, %arg15: memref<!tpu.dma_semaphore, #tpu.memory_space<semaphore_mem>>, %arg16: memref<!tpu.dma_semaphore, #tpu.memory_space<semaphore_mem>>) attributes {dimension_semantics = [#tpu.dimension_semantics<core_parallel>, #tpu.dimension_semantics<subcore_parallel>], iteration_bounds = array<i64: 2, 16>, scalar_prefetch = 0 : i64, scratch_operands = 9 : i64, tpu.core_type = #tpu.core_type<sc_vector_subcore>, window_params = [{transform_indices = #map}, {transform_indices = #map1}, {transform_indices = #map1}, {transform_indices = #map1}, {transform_indices = #map}, {transform_indices = #map}]} {
    %mul3A = arith.constant 2 : i32
    %mul3A_0 = arith.muli %arg1, %mul3A : i32
    %add3A = arith.addi %mul3A_0, %arg0 : i32
    %mul3A_1 = arith.constant 512 : i32
    %mul3A_2 = arith.muli %add3A, %mul3A_1 : i32
    %eq3A = arith.constant 0 : i32
    %eq3A_3 = arith.cmpi eq, %arg1, %eq3A : i32
    %convert_element_type3A = arith.extui %eq3A_3 : i1 to i32
    %cond3A = arith.constant 0 : i32
    %cond3A_4 = arith.cmpi ne, %convert_element_type3A, %cond3A : i32
    scf.if %cond3A_4 {
      "tpu.region"() ({
        %run_scoped3A = tpu.sem_alloc : memref<!tpu.dma_semaphore, #tpu.memory_space<semaphore_mem>>
        tpu.enqueue_dma source(%arg5 : memref<8192xf32, #tpu.memory_space<hbm>>) target(%arg11 : memref<8192xf32, #tpu.memory_space<vmem_shared>>) target_semaphore(%run_scoped3A : memref<!tpu.dma_semaphore, #tpu.memory_space<semaphore_mem>>)
        tpu.wait_dma2 semaphore(%run_scoped3A : memref<!tpu.dma_semaphore, #tpu.memory_space<semaphore_mem>>) src(%arg5 : memref<8192xf32, #tpu.memory_space<hbm>>) dst(%arg11 : memref<8192xf32, #tpu.memory_space<vmem_shared>>)
        tpu.yield
      }) : () -> ()
    } else {
    }
    "tpu.region"() ({
      %run_scoped3A = tpu.sem_alloc : memref<!tpu.dma_semaphore, #tpu.memory_space<semaphore_mem>>
      %dma_start3A_205 = tpu.memref_slice %arg3[%mul3A_2] : memref<16384xi32, #tpu.memory_space<hbm>> -> memref<512xi32, #tpu.memory_space<hbm>>
      %dma_start3A_206 = tpu.memref_slice %arg3[%mul3A_2] : memref<16384xi32, #tpu.memory_space<hbm>> -> memref<512xi32, #tpu.memory_space<hbm>>
      tpu.enqueue_dma source(%dma_start3A_206 : memref<512xi32, #tpu.memory_space<hbm>>) target(%arg8 : memref<512xi32, #tpu.memory_space<vmem>>) target_semaphore(%run_scoped3A : memref<!tpu.dma_semaphore, #tpu.memory_space<semaphore_mem>>)
      %dma_wait3A_207 = tpu.memref_slice %arg3[%mul3A_2] : memref<16384xi32, #tpu.memory_space<hbm>> -> memref<512xi32, #tpu.memory_space<hbm>>
      %dma_wait3A_208 = tpu.memref_slice %arg3[%mul3A_2] : memref<16384xi32, #tpu.memory_space<hbm>> -> memref<512xi32, #tpu.memory_space<hbm>>
      tpu.wait_dma2 semaphore(%run_scoped3A : memref<!tpu.dma_semaphore, #tpu.memory_space<semaphore_mem>>) src(%dma_wait3A_208 : memref<512xi32, #tpu.memory_space<hbm>>) dst(%arg8 : memref<512xi32, #tpu.memory_space<vmem>>)
      tpu.yield
    }) : () -> ()
    "tpu.region"() ({
      %run_scoped3A = tpu.sem_alloc : memref<!tpu.dma_semaphore, #tpu.memory_space<semaphore_mem>>
      %dma_start3A_205 = tpu.memref_slice %arg4[%mul3A_2] : memref<16384xf32, #tpu.memory_space<hbm>> -> memref<512xf32, #tpu.memory_space<hbm>>
      %dma_start3A_206 = tpu.memref_slice %arg4[%mul3A_2] : memref<16384xf32, #tpu.memory_space<hbm>> -> memref<512xf32, #tpu.memory_space<hbm>>
      tpu.enqueue_dma source(%dma_start3A_206 : memref<512xf32, #tpu.memory_space<hbm>>) target(%arg9 : memref<512xf32, #tpu.memory_space<vmem>>) target_semaphore(%run_scoped3A : memref<!tpu.dma_semaphore, #tpu.memory_space<semaphore_mem>>)
      %dma_wait3A_207 = tpu.memref_slice %arg4[%mul3A_2] : memref<16384xf32, #tpu.memory_space<hbm>> -> memref<512xf32, #tpu.memory_space<hbm>>
      %dma_wait3A_208 = tpu.memref_slice %arg4[%mul3A_2] : memref<16384xf32, #tpu.memory_space<hbm>> -> memref<512xf32, #tpu.memory_space<hbm>>
      tpu.wait_dma2 semaphore(%run_scoped3A : memref<!tpu.dma_semaphore, #tpu.memory_space<semaphore_mem>>) src(%dma_wait3A_208 : memref<512xf32, #tpu.memory_space<hbm>>) dst(%arg9 : memref<512xf32, #tpu.memory_space<vmem>>)
      tpu.yield
    }) : () -> ()
    %barrier3A = arith.constant 0 : index
    tpu.barrier barrier_id(%barrier3A)
    %dma_start3A = arith.constant 0 : i32
    %dma_start3A_5 = tpu.memref_slice %arg11[%dma_start3A] : memref<8192xf32, #tpu.memory_space<vmem_shared>> -> memref<8192xf32, #tpu.memory_space<vmem_shared>>
    tpu.enqueue_indirect_dma source(%arg9 : memref<512xf32, #tpu.memory_space<vmem>>) target(%dma_start3A_5 : memref<8192xf32, #tpu.memory_space<vmem_shared>>) offsets(%arg8 : memref<512xi32, #tpu.memory_space<vmem>>) semaphore(%arg16 : memref<!tpu.dma_semaphore, #tpu.memory_space<semaphore_mem>>) {add = true}
    %dma_start3A_6 = arith.constant 0 : i32
    %dma_start3A_7 = arith.constant 0 : i32
    %dma_start3A_8 = arith.constant 0 : i32
    %dma_start3A_9 = tpu.memref_slice %arg10[%dma_start3A_6, %dma_start3A_7, %dma_start3A_8] : memref<2x128x256xf32, #tpu.memory_space<vmem>> -> memref<1x128x256xf32, #tpu.memory_space<vmem>>
    %dma_start3A_10 = tpu.memref_squeeze %dma_start3A_9 : memref<1x128x256xf32, #tpu.memory_space<vmem>> -> memref<128x256xf32, #tpu.memory_space<vmem>>
    %dma_start3A_11 = arith.constant 0 : i32
    %dma_start3A_12 = tpu.memref_slice %arg8[%dma_start3A_11] : memref<512xi32, #tpu.memory_space<vmem>> -> memref<128xi32, #tpu.memory_space<vmem>>
    %dma_start3A_13 = arith.constant 0 : i32
    %dma_start3A_14 = arith.constant 0 : i32
    %dma_start3A_15 = tpu.memref_slice %arg2[%dma_start3A_13, %dma_start3A_14] : memref<8192x256xf32, #tpu.memory_space<hbm>> -> memref<8192x256xf32, #tpu.memory_space<hbm>>
    tpu.enqueue_indirect_dma source(%dma_start3A_15 : memref<8192x256xf32, #tpu.memory_space<hbm>>) target(%dma_start3A_10 : memref<128x256xf32, #tpu.memory_space<vmem>>) offsets(%dma_start3A_12 : memref<128xi32, #tpu.memory_space<vmem>>) semaphore(%arg12 : memref<!tpu.dma_semaphore, #tpu.memory_space<semaphore_mem>>)
    %dma_wait3A = arith.constant 0 : i32
    %dma_wait3A_16 = arith.constant 0 : i32
    %dma_wait3A_17 = arith.constant 0 : i32
    %dma_wait3A_18 = tpu.memref_slice %arg10[%dma_wait3A, %dma_wait3A_16, %dma_wait3A_17] : memref<2x128x256xf32, #tpu.memory_space<vmem>> -> memref<1x128x256xf32, #tpu.memory_space<vmem>>
    %dma_wait3A_19 = tpu.memref_squeeze %dma_wait3A_18 : memref<1x128x256xf32, #tpu.memory_space<vmem>> -> memref<128x256xf32, #tpu.memory_space<vmem>>
    %dma_wait3A_20 = arith.constant 0 : i32
    %dma_wait3A_21 = tpu.memref_slice %arg8[%dma_wait3A_20] : memref<512xi32, #tpu.memory_space<vmem>> -> memref<128xi32, #tpu.memory_space<vmem>>
    %dma_wait3A_22 = arith.constant 0 : i32
    %dma_wait3A_23 = arith.constant 0 : i32
    %dma_wait3A_24 = tpu.memref_slice %arg2[%dma_wait3A_22, %dma_wait3A_23] : memref<8192x256xf32, #tpu.memory_space<hbm>> -> memref<8192x256xf32, #tpu.memory_space<hbm>>
    tpu.wait_indirect_dma semaphore(%arg12 : memref<!tpu.dma_semaphore, #tpu.memory_space<semaphore_mem>>) src(%dma_wait3A_24 : memref<8192x256xf32, #tpu.memory_space<hbm>>) dst(%dma_wait3A_19 : memref<128x256xf32, #tpu.memory_space<vmem>>)
    %add3A_25 = arith.constant 0 : i32
    %add3A_26 = arith.addi %mul3A_2, %add3A_25 : i32
    %dma_start3A_27 = arith.constant 0 : i32
    %dma_start3A_28 = arith.constant 0 : i32
    %dma_start3A_29 = arith.constant 0 : i32
    %dma_start3A_30 = tpu.memref_slice %arg10[%dma_start3A_27, %dma_start3A_28, %dma_start3A_29] : memref<2x128x256xf32, #tpu.memory_space<vmem>> -> memref<1x128x256xf32, #tpu.memory_space<vmem>>
    %dma_start3A_31 = tpu.memref_squeeze %dma_start3A_30 : memref<1x128x256xf32, #tpu.memory_space<vmem>> -> memref<128x256xf32, #tpu.memory_space<vmem>>
    %dma_start3A_32 = arith.constant 0 : i32
    %dma_start3A_33 = tpu.memref_slice %arg6[%add3A_26, %dma_start3A_32] : memref<16384x256xf32, #tpu.memory_space<hbm>> -> memref<128x256xf32, #tpu.memory_space<hbm>>
    %dma_start3A_34 = arith.constant 0 : i32
    %dma_start3A_35 = tpu.memref_slice %arg6[%add3A_26, %dma_start3A_34] : memref<16384x256xf32, #tpu.memory_space<hbm>> -> memref<128x256xf32, #tpu.memory_space<hbm>>
    %dma_start3A_36 = arith.constant 0 : i32
    %dma_start3A_37 = arith.constant 0 : i32
    %dma_start3A_38 = tpu.memref_slice %arg10[%dma_start3A_27, %dma_start3A_36, %dma_start3A_37] : memref<2x128x256xf32, #tpu.memory_space<vmem>> -> memref<1x128x256xf32, #tpu.memory_space<vmem>>
    %dma_start3A_39 = tpu.memref_squeeze %dma_start3A_38 : memref<1x128x256xf32, #tpu.memory_space<vmem>> -> memref<128x256xf32, #tpu.memory_space<vmem>>
    tpu.enqueue_dma source(%dma_start3A_39 : memref<128x256xf32, #tpu.memory_space<vmem>>) target(%dma_start3A_35 : memref<128x256xf32, #tpu.memory_space<hbm>>) target_semaphore(%arg14 : memref<!tpu.dma_semaphore, #tpu.memory_space<semaphore_mem>>)
    %dma_start3A_40 = arith.constant 1 : i32
    %dma_start3A_41 = arith.constant 0 : i32
    %dma_start3A_42 = arith.constant 0 : i32
    %dma_start3A_43 = tpu.memref_slice %arg10[%dma_start3A_40, %dma_start3A_41, %dma_start3A_42] : memref<2x128x256xf32, #tpu.memory_space<vmem>> -> memref<1x128x256xf32, #tpu.memory_space<vmem>>
    %dma_start3A_44 = tpu.memref_squeeze %dma_start3A_43 : memref<1x128x256xf32, #tpu.memory_space<vmem>> -> memref<128x256xf32, #tpu.memory_space<vmem>>
    %dma_start3A_45 = arith.constant 128 : i32
    %dma_start3A_46 = tpu.memref_slice %arg8[%dma_start3A_45] : memref<512xi32, #tpu.memory_space<vmem>> -> memref<128xi32, #tpu.memory_space<vmem>>
    %dma_start3A_47 = arith.constant 0 : i32
    %dma_start3A_48 = arith.constant 0 : i32
    %dma_start3A_49 = tpu.memref_slice %arg2[%dma_start3A_47, %dma_start3A_48] : memref<8192x256xf32, #tpu.memory_space<hbm>> -> memref<8192x256xf32, #tpu.memory_space<hbm>>
    tpu.enqueue_indirect_dma source(%dma_start3A_49 : memref<8192x256xf32, #tpu.memory_space<hbm>>) target(%dma_start3A_44 : memref<128x256xf32, #tpu.memory_space<vmem>>) offsets(%dma_start3A_46 : memref<128xi32, #tpu.memory_space<vmem>>) semaphore(%arg13 : memref<!tpu.dma_semaphore, #tpu.memory_space<semaphore_mem>>)
    %dma_wait3A_50 = arith.constant 1 : i32
    %dma_wait3A_51 = arith.constant 0 : i32
    %dma_wait3A_52 = arith.constant 0 : i32
    %dma_wait3A_53 = tpu.memref_slice %arg10[%dma_wait3A_50, %dma_wait3A_51, %dma_wait3A_52] : memref<2x128x256xf32, #tpu.memory_space<vmem>> -> memref<1x128x256xf32, #tpu.memory_space<vmem>>
    %dma_wait3A_54 = tpu.memref_squeeze %dma_wait3A_53 : memref<1x128x256xf32, #tpu.memory_space<vmem>> -> memref<128x256xf32, #tpu.memory_space<vmem>>
    %dma_wait3A_55 = arith.constant 128 : i32
    %dma_wait3A_56 = tpu.memref_slice %arg8[%dma_wait3A_55] : memref<512xi32, #tpu.memory_space<vmem>> -> memref<128xi32, #tpu.memory_space<vmem>>
    %dma_wait3A_57 = arith.constant 0 : i32
    %dma_wait3A_58 = arith.constant 0 : i32
    %dma_wait3A_59 = tpu.memref_slice %arg2[%dma_wait3A_57, %dma_wait3A_58] : memref<8192x256xf32, #tpu.memory_space<hbm>> -> memref<8192x256xf32, #tpu.memory_space<hbm>>
    tpu.wait_indirect_dma semaphore(%arg13 : memref<!tpu.dma_semaphore, #tpu.memory_space<semaphore_mem>>) src(%dma_wait3A_59 : memref<8192x256xf32, #tpu.memory_space<hbm>>) dst(%dma_wait3A_54 : memref<128x256xf32, #tpu.memory_space<vmem>>)
    %add3A_60 = arith.constant 128 : i32
    %add3A_61 = arith.addi %mul3A_2, %add3A_60 : i32
    %dma_start3A_62 = arith.constant 1 : i32
    %dma_start3A_63 = arith.constant 0 : i32
    %dma_start3A_64 = arith.constant 0 : i32
    %dma_start3A_65 = tpu.memref_slice %arg10[%dma_start3A_62, %dma_start3A_63, %dma_start3A_64] : memref<2x128x256xf32, #tpu.memory_space<vmem>> -> memref<1x128x256xf32, #tpu.memory_space<vmem>>
    %dma_start3A_66 = tpu.memref_squeeze %dma_start3A_65 : memref<1x128x256xf32, #tpu.memory_space<vmem>> -> memref<128x256xf32, #tpu.memory_space<vmem>>
    %dma_start3A_67 = arith.constant 0 : i32
    %dma_start3A_68 = tpu.memref_slice %arg6[%add3A_61, %dma_start3A_67] : memref<16384x256xf32, #tpu.memory_space<hbm>> -> memref<128x256xf32, #tpu.memory_space<hbm>>
    %dma_start3A_69 = arith.constant 0 : i32
    %dma_start3A_70 = tpu.memref_slice %arg6[%add3A_61, %dma_start3A_69] : memref<16384x256xf32, #tpu.memory_space<hbm>> -> memref<128x256xf32, #tpu.memory_space<hbm>>
    %dma_start3A_71 = arith.constant 0 : i32
    %dma_start3A_72 = arith.constant 0 : i32
    %dma_start3A_73 = tpu.memref_slice %arg10[%dma_start3A_62, %dma_start3A_71, %dma_start3A_72] : memref<2x128x256xf32, #tpu.memory_space<vmem>> -> memref<1x128x256xf32, #tpu.memory_space<vmem>>
    %dma_start3A_74 = tpu.memref_squeeze %dma_start3A_73 : memref<1x128x256xf32, #tpu.memory_space<vmem>> -> memref<128x256xf32, #tpu.memory_space<vmem>>
    tpu.enqueue_dma source(%dma_start3A_74 : memref<128x256xf32, #tpu.memory_space<vmem>>) target(%dma_start3A_70 : memref<128x256xf32, #tpu.memory_space<hbm>>) target_semaphore(%arg15 : memref<!tpu.dma_semaphore, #tpu.memory_space<semaphore_mem>>)
    %dma_wait3A_75 = arith.constant 0 : i32
    %dma_wait3A_76 = arith.constant 0 : i32
    %dma_wait3A_77 = arith.constant 0 : i32
    %dma_wait3A_78 = tpu.memref_slice %arg10[%dma_wait3A_75, %dma_wait3A_76, %dma_wait3A_77] : memref<2x128x256xf32, #tpu.memory_space<vmem>> -> memref<1x128x256xf32, #tpu.memory_space<vmem>>
    %dma_wait3A_79 = tpu.memref_squeeze %dma_wait3A_78 : memref<1x128x256xf32, #tpu.memory_space<vmem>> -> memref<128x256xf32, #tpu.memory_space<vmem>>
    %dma_wait3A_80 = arith.constant 0 : i32
    %dma_wait3A_81 = tpu.memref_slice %arg6[%add3A_26, %dma_wait3A_80] : memref<16384x256xf32, #tpu.memory_space<hbm>> -> memref<128x256xf32, #tpu.memory_space<hbm>>
    %dma_wait3A_82 = arith.constant 0 : i32
    %dma_wait3A_83 = tpu.memref_slice %arg6[%add3A_26, %dma_wait3A_82] : memref<16384x256xf32, #tpu.memory_space<hbm>> -> memref<128x256xf32, #tpu.memory_space<hbm>>
    %dma_wait3A_84 = arith.constant 0 : i32
    %dma_wait3A_85 = arith.constant 0 : i32
    %dma_wait3A_86 = tpu.memref_slice %arg10[%dma_wait3A_75, %dma_wait3A_84, %dma_wait3A_85] : memref<2x128x256xf32, #tpu.memory_space<vmem>> -> memref<1x128x256xf32, #tpu.memory_space<vmem>>
    %dma_wait3A_87 = tpu.memref_squeeze %dma_wait3A_86 : memref<1x128x256xf32, #tpu.memory_space<vmem>> -> memref<128x256xf32, #tpu.memory_space<vmem>>
    tpu.wait_dma2 semaphore(%arg14 : memref<!tpu.dma_semaphore, #tpu.memory_space<semaphore_mem>>) src(%dma_wait3A_87 : memref<128x256xf32, #tpu.memory_space<vmem>>) dst(%dma_wait3A_83 : memref<128x256xf32, #tpu.memory_space<hbm>>)
    %dma_start3A_88 = arith.constant 0 : i32
    %dma_start3A_89 = arith.constant 0 : i32
    %dma_start3A_90 = arith.constant 0 : i32
    %dma_start3A_91 = tpu.memref_slice %arg10[%dma_start3A_88, %dma_start3A_89, %dma_start3A_90] : memref<2x128x256xf32, #tpu.memory_space<vmem>> -> memref<1x128x256xf32, #tpu.memory_space<vmem>>
    %dma_start3A_92 = tpu.memref_squeeze %dma_start3A_91 : memref<1x128x256xf32, #tpu.memory_space<vmem>> -> memref<128x256xf32, #tpu.memory_space<vmem>>
    %dma_start3A_93 = arith.constant 256 : i32
    %dma_start3A_94 = tpu.memref_slice %arg8[%dma_start3A_93] : memref<512xi32, #tpu.memory_space<vmem>> -> memref<128xi32, #tpu.memory_space<vmem>>
    %dma_start3A_95 = arith.constant 0 : i32
    %dma_start3A_96 = arith.constant 0 : i32
    %dma_start3A_97 = tpu.memref_slice %arg2[%dma_start3A_95, %dma_start3A_96] : memref<8192x256xf32, #tpu.memory_space<hbm>> -> memref<8192x256xf32, #tpu.memory_space<hbm>>
    tpu.enqueue_indirect_dma source(%dma_start3A_97 : memref<8192x256xf32, #tpu.memory_space<hbm>>) target(%dma_start3A_92 : memref<128x256xf32, #tpu.memory_space<vmem>>) offsets(%dma_start3A_94 : memref<128xi32, #tpu.memory_space<vmem>>) semaphore(%arg12 : memref<!tpu.dma_semaphore, #tpu.memory_space<semaphore_mem>>)
    %dma_wait3A_98 = arith.constant 0 : i32
    %dma_wait3A_99 = arith.constant 0 : i32
    %dma_wait3A_100 = arith.constant 0 : i32
    %dma_wait3A_101 = tpu.memref_slice %arg10[%dma_wait3A_98, %dma_wait3A_99, %dma_wait3A_100] : memref<2x128x256xf32, #tpu.memory_space<vmem>> -> memref<1x128x256xf32, #tpu.memory_space<vmem>>
    %dma_wait3A_102 = tpu.memref_squeeze %dma_wait3A_101 : memref<1x128x256xf32, #tpu.memory_space<vmem>> -> memref<128x256xf32, #tpu.memory_space<vmem>>
    %dma_wait3A_103 = arith.constant 256 : i32
    %dma_wait3A_104 = tpu.memref_slice %arg8[%dma_wait3A_103] : memref<512xi32, #tpu.memory_space<vmem>> -> memref<128xi32, #tpu.memory_space<vmem>>
    %dma_wait3A_105 = arith.constant 0 : i32
    %dma_wait3A_106 = arith.constant 0 : i32
    %dma_wait3A_107 = tpu.memref_slice %arg2[%dma_wait3A_105, %dma_wait3A_106] : memref<8192x256xf32, #tpu.memory_space<hbm>> -> memref<8192x256xf32, #tpu.memory_space<hbm>>
    tpu.wait_indirect_dma semaphore(%arg12 : memref<!tpu.dma_semaphore, #tpu.memory_space<semaphore_mem>>) src(%dma_wait3A_107 : memref<8192x256xf32, #tpu.memory_space<hbm>>) dst(%dma_wait3A_102 : memref<128x256xf32, #tpu.memory_space<vmem>>)
    %add3A_108 = arith.constant 256 : i32
    %add3A_109 = arith.addi %mul3A_2, %add3A_108 : i32
    %dma_start3A_110 = arith.constant 0 : i32
    %dma_start3A_111 = arith.constant 0 : i32
    %dma_start3A_112 = arith.constant 0 : i32
    %dma_start3A_113 = tpu.memref_slice %arg10[%dma_start3A_110, %dma_start3A_111, %dma_start3A_112] : memref<2x128x256xf32, #tpu.memory_space<vmem>> -> memref<1x128x256xf32, #tpu.memory_space<vmem>>
    %dma_start3A_114 = tpu.memref_squeeze %dma_start3A_113 : memref<1x128x256xf32, #tpu.memory_space<vmem>> -> memref<128x256xf32, #tpu.memory_space<vmem>>
    %dma_start3A_115 = arith.constant 0 : i32
    %dma_start3A_116 = tpu.memref_slice %arg6[%add3A_109, %dma_start3A_115] : memref<16384x256xf32, #tpu.memory_space<hbm>> -> memref<128x256xf32, #tpu.memory_space<hbm>>
    %dma_start3A_117 = arith.constant 0 : i32
    %dma_start3A_118 = tpu.memref_slice %arg6[%add3A_109, %dma_start3A_117] : memref<16384x256xf32, #tpu.memory_space<hbm>> -> memref<128x256xf32, #tpu.memory_space<hbm>>
    %dma_start3A_119 = arith.constant 0 : i32
    %dma_start3A_120 = arith.constant 0 : i32
    %dma_start3A_121 = tpu.memref_slice %arg10[%dma_start3A_110, %dma_start3A_119, %dma_start3A_120] : memref<2x128x256xf32, #tpu.memory_space<vmem>> -> memref<1x128x256xf32, #tpu.memory_space<vmem>>
    %dma_start3A_122 = tpu.memref_squeeze %dma_start3A_121 : memref<1x128x256xf32, #tpu.memory_space<vmem>> -> memref<128x256xf32, #tpu.memory_space<vmem>>
    tpu.enqueue_dma source(%dma_start3A_122 : memref<128x256xf32, #tpu.memory_space<vmem>>) target(%dma_start3A_118 : memref<128x256xf32, #tpu.memory_space<hbm>>) target_semaphore(%arg14 : memref<!tpu.dma_semaphore, #tpu.memory_space<semaphore_mem>>)
    %dma_wait3A_123 = arith.constant 1 : i32
    %dma_wait3A_124 = arith.constant 0 : i32
    %dma_wait3A_125 = arith.constant 0 : i32
    %dma_wait3A_126 = tpu.memref_slice %arg10[%dma_wait3A_123, %dma_wait3A_124, %dma_wait3A_125] : memref<2x128x256xf32, #tpu.memory_space<vmem>> -> memref<1x128x256xf32, #tpu.memory_space<vmem>>
    %dma_wait3A_127 = tpu.memref_squeeze %dma_wait3A_126 : memref<1x128x256xf32, #tpu.memory_space<vmem>> -> memref<128x256xf32, #tpu.memory_space<vmem>>
    %dma_wait3A_128 = arith.constant 0 : i32
    %dma_wait3A_129 = tpu.memref_slice %arg6[%add3A_61, %dma_wait3A_128] : memref<16384x256xf32, #tpu.memory_space<hbm>> -> memref<128x256xf32, #tpu.memory_space<hbm>>
    %dma_wait3A_130 = arith.constant 0 : i32
    %dma_wait3A_131 = tpu.memref_slice %arg6[%add3A_61, %dma_wait3A_130] : memref<16384x256xf32, #tpu.memory_space<hbm>> -> memref<128x256xf32, #tpu.memory_space<hbm>>
    %dma_wait3A_132 = arith.constant 0 : i32
    %dma_wait3A_133 = arith.constant 0 : i32
    %dma_wait3A_134 = tpu.memref_slice %arg10[%dma_wait3A_123, %dma_wait3A_132, %dma_wait3A_133] : memref<2x128x256xf32, #tpu.memory_space<vmem>> -> memref<1x128x256xf32, #tpu.memory_space<vmem>>
    %dma_wait3A_135 = tpu.memref_squeeze %dma_wait3A_134 : memref<1x128x256xf32, #tpu.memory_space<vmem>> -> memref<128x256xf32, #tpu.memory_space<vmem>>
    tpu.wait_dma2 semaphore(%arg15 : memref<!tpu.dma_semaphore, #tpu.memory_space<semaphore_mem>>) src(%dma_wait3A_135 : memref<128x256xf32, #tpu.memory_space<vmem>>) dst(%dma_wait3A_131 : memref<128x256xf32, #tpu.memory_space<hbm>>)
    %dma_start3A_136 = arith.constant 1 : i32
    %dma_start3A_137 = arith.constant 0 : i32
    %dma_start3A_138 = arith.constant 0 : i32
    %dma_start3A_139 = tpu.memref_slice %arg10[%dma_start3A_136, %dma_start3A_137, %dma_start3A_138] : memref<2x128x256xf32, #tpu.memory_space<vmem>> -> memref<1x128x256xf32, #tpu.memory_space<vmem>>
    %dma_start3A_140 = tpu.memref_squeeze %dma_start3A_139 : memref<1x128x256xf32, #tpu.memory_space<vmem>> -> memref<128x256xf32, #tpu.memory_space<vmem>>
    %dma_start3A_141 = arith.constant 384 : i32
    %dma_start3A_142 = tpu.memref_slice %arg8[%dma_start3A_141] : memref<512xi32, #tpu.memory_space<vmem>> -> memref<128xi32, #tpu.memory_space<vmem>>
    %dma_start3A_143 = arith.constant 0 : i32
    %dma_start3A_144 = arith.constant 0 : i32
    %dma_start3A_145 = tpu.memref_slice %arg2[%dma_start3A_143, %dma_start3A_144] : memref<8192x256xf32, #tpu.memory_space<hbm>> -> memref<8192x256xf32, #tpu.memory_space<hbm>>
    tpu.enqueue_indirect_dma source(%dma_start3A_145 : memref<8192x256xf32, #tpu.memory_space<hbm>>) target(%dma_start3A_140 : memref<128x256xf32, #tpu.memory_space<vmem>>) offsets(%dma_start3A_142 : memref<128xi32, #tpu.memory_space<vmem>>) semaphore(%arg13 : memref<!tpu.dma_semaphore, #tpu.memory_space<semaphore_mem>>)
    %dma_wait3A_146 = arith.constant 1 : i32
    %dma_wait3A_147 = arith.constant 0 : i32
    %dma_wait3A_148 = arith.constant 0 : i32
    %dma_wait3A_149 = tpu.memref_slice %arg10[%dma_wait3A_146, %dma_wait3A_147, %dma_wait3A_148] : memref<2x128x256xf32, #tpu.memory_space<vmem>> -> memref<1x128x256xf32, #tpu.memory_space<vmem>>
    %dma_wait3A_150 = tpu.memref_squeeze %dma_wait3A_149 : memref<1x128x256xf32, #tpu.memory_space<vmem>> -> memref<128x256xf32, #tpu.memory_space<vmem>>
    %dma_wait3A_151 = arith.constant 384 : i32
    %dma_wait3A_152 = tpu.memref_slice %arg8[%dma_wait3A_151] : memref<512xi32, #tpu.memory_space<vmem>> -> memref<128xi32, #tpu.memory_space<vmem>>
    %dma_wait3A_153 = arith.constant 0 : i32
    %dma_wait3A_154 = arith.constant 0 : i32
    %dma_wait3A_155 = tpu.memref_slice %arg2[%dma_wait3A_153, %dma_wait3A_154] : memref<8192x256xf32, #tpu.memory_space<hbm>> -> memref<8192x256xf32, #tpu.memory_space<hbm>>
    tpu.wait_indirect_dma semaphore(%arg13 : memref<!tpu.dma_semaphore, #tpu.memory_space<semaphore_mem>>) src(%dma_wait3A_155 : memref<8192x256xf32, #tpu.memory_space<hbm>>) dst(%dma_wait3A_150 : memref<128x256xf32, #tpu.memory_space<vmem>>)
    %add3A_156 = arith.constant 384 : i32
    %add3A_157 = arith.addi %mul3A_2, %add3A_156 : i32
    %dma_start3A_158 = arith.constant 1 : i32
    %dma_start3A_159 = arith.constant 0 : i32
    %dma_start3A_160 = arith.constant 0 : i32
    %dma_start3A_161 = tpu.memref_slice %arg10[%dma_start3A_158, %dma_start3A_159, %dma_start3A_160] : memref<2x128x256xf32, #tpu.memory_space<vmem>> -> memref<1x128x256xf32, #tpu.memory_space<vmem>>
    %dma_start3A_162 = tpu.memref_squeeze %dma_start3A_161 : memref<1x128x256xf32, #tpu.memory_space<vmem>> -> memref<128x256xf32, #tpu.memory_space<vmem>>
    %dma_start3A_163 = arith.constant 0 : i32
    %dma_start3A_164 = tpu.memref_slice %arg6[%add3A_157, %dma_start3A_163] : memref<16384x256xf32, #tpu.memory_space<hbm>> -> memref<128x256xf32, #tpu.memory_space<hbm>>
    %dma_start3A_165 = arith.constant 0 : i32
    %dma_start3A_166 = tpu.memref_slice %arg6[%add3A_157, %dma_start3A_165] : memref<16384x256xf32, #tpu.memory_space<hbm>> -> memref<128x256xf32, #tpu.memory_space<hbm>>
    %dma_start3A_167 = arith.constant 0 : i32
    %dma_start3A_168 = arith.constant 0 : i32
    %dma_start3A_169 = tpu.memref_slice %arg10[%dma_start3A_158, %dma_start3A_167, %dma_start3A_168] : memref<2x128x256xf32, #tpu.memory_space<vmem>> -> memref<1x128x256xf32, #tpu.memory_space<vmem>>
    %dma_start3A_170 = tpu.memref_squeeze %dma_start3A_169 : memref<1x128x256xf32, #tpu.memory_space<vmem>> -> memref<128x256xf32, #tpu.memory_space<vmem>>
    tpu.enqueue_dma source(%dma_start3A_170 : memref<128x256xf32, #tpu.memory_space<vmem>>) target(%dma_start3A_166 : memref<128x256xf32, #tpu.memory_space<hbm>>) target_semaphore(%arg15 : memref<!tpu.dma_semaphore, #tpu.memory_space<semaphore_mem>>)
    %dma_wait3A_171 = arith.constant 0 : i32
    %dma_wait3A_172 = arith.constant 0 : i32
    %dma_wait3A_173 = arith.constant 0 : i32
    %dma_wait3A_174 = tpu.memref_slice %arg10[%dma_wait3A_171, %dma_wait3A_172, %dma_wait3A_173] : memref<2x128x256xf32, #tpu.memory_space<vmem>> -> memref<1x128x256xf32, #tpu.memory_space<vmem>>
    %dma_wait3A_175 = tpu.memref_squeeze %dma_wait3A_174 : memref<1x128x256xf32, #tpu.memory_space<vmem>> -> memref<128x256xf32, #tpu.memory_space<vmem>>
    %dma_wait3A_176 = arith.constant 0 : i32
    %dma_wait3A_177 = tpu.memref_slice %arg6[%add3A_109, %dma_wait3A_176] : memref<16384x256xf32, #tpu.memory_space<hbm>> -> memref<128x256xf32, #tpu.memory_space<hbm>>
    %dma_wait3A_178 = arith.constant 0 : i32
    %dma_wait3A_179 = tpu.memref_slice %arg6[%add3A_109, %dma_wait3A_178] : memref<16384x256xf32, #tpu.memory_space<hbm>> -> memref<128x256xf32, #tpu.memory_space<hbm>>
    %dma_wait3A_180 = arith.constant 0 : i32
    %dma_wait3A_181 = arith.constant 0 : i32
    %dma_wait3A_182 = tpu.memref_slice %arg10[%dma_wait3A_171, %dma_wait3A_180, %dma_wait3A_181] : memref<2x128x256xf32, #tpu.memory_space<vmem>> -> memref<1x128x256xf32, #tpu.memory_space<vmem>>
    %dma_wait3A_183 = tpu.memref_squeeze %dma_wait3A_182 : memref<1x128x256xf32, #tpu.memory_space<vmem>> -> memref<128x256xf32, #tpu.memory_space<vmem>>
    tpu.wait_dma2 semaphore(%arg14 : memref<!tpu.dma_semaphore, #tpu.memory_space<semaphore_mem>>) src(%dma_wait3A_183 : memref<128x256xf32, #tpu.memory_space<vmem>>) dst(%dma_wait3A_179 : memref<128x256xf32, #tpu.memory_space<hbm>>)
    %dma_wait3A_184 = arith.constant 1 : i32
    %dma_wait3A_185 = arith.constant 0 : i32
    %dma_wait3A_186 = arith.constant 0 : i32
    %dma_wait3A_187 = tpu.memref_slice %arg10[%dma_wait3A_184, %dma_wait3A_185, %dma_wait3A_186] : memref<2x128x256xf32, #tpu.memory_space<vmem>> -> memref<1x128x256xf32, #tpu.memory_space<vmem>>
    %dma_wait3A_188 = tpu.memref_squeeze %dma_wait3A_187 : memref<1x128x256xf32, #tpu.memory_space<vmem>> -> memref<128x256xf32, #tpu.memory_space<vmem>>
    %dma_wait3A_189 = arith.constant 0 : i32
    %dma_wait3A_190 = tpu.memref_slice %arg6[%add3A_157, %dma_wait3A_189] : memref<16384x256xf32, #tpu.memory_space<hbm>> -> memref<128x256xf32, #tpu.memory_space<hbm>>
    %dma_wait3A_191 = arith.constant 0 : i32
    %dma_wait3A_192 = tpu.memref_slice %arg6[%add3A_157, %dma_wait3A_191] : memref<16384x256xf32, #tpu.memory_space<hbm>> -> memref<128x256xf32, #tpu.memory_space<hbm>>
    %dma_wait3A_193 = arith.constant 0 : i32
    %dma_wait3A_194 = arith.constant 0 : i32
    %dma_wait3A_195 = tpu.memref_slice %arg10[%dma_wait3A_184, %dma_wait3A_193, %dma_wait3A_194] : memref<2x128x256xf32, #tpu.memory_space<vmem>> -> memref<1x128x256xf32, #tpu.memory_space<vmem>>
    %dma_wait3A_196 = tpu.memref_squeeze %dma_wait3A_195 : memref<1x128x256xf32, #tpu.memory_space<vmem>> -> memref<128x256xf32, #tpu.memory_space<vmem>>
    tpu.wait_dma2 semaphore(%arg15 : memref<!tpu.dma_semaphore, #tpu.memory_space<semaphore_mem>>) src(%dma_wait3A_196 : memref<128x256xf32, #tpu.memory_space<vmem>>) dst(%dma_wait3A_192 : memref<128x256xf32, #tpu.memory_space<hbm>>)
    %dma_wait3A_197 = arith.constant 0 : i32
    %dma_wait3A_198 = tpu.memref_slice %arg11[%dma_wait3A_197] : memref<8192xf32, #tpu.memory_space<vmem_shared>> -> memref<8192xf32, #tpu.memory_space<vmem_shared>>
    tpu.wait_indirect_dma semaphore(%arg16 : memref<!tpu.dma_semaphore, #tpu.memory_space<semaphore_mem>>) src(%arg9 : memref<512xf32, #tpu.memory_space<vmem>>) dst(%dma_wait3A_198 : memref<8192xf32, #tpu.memory_space<vmem_shared>>)
    %barrier3A_199 = arith.constant 0 : index
    tpu.barrier barrier_id(%barrier3A_199)
    %eq3A_200 = arith.constant 0 : i32
    %eq3A_201 = arith.cmpi eq, %arg1, %eq3A_200 : i32
    %convert_element_type3A_202 = arith.extui %eq3A_201 : i1 to i32
    %cond3A_203 = arith.constant 0 : i32
    %cond3A_204 = arith.cmpi ne, %convert_element_type3A_202, %cond3A_203 : i32
    scf.if %cond3A_204 {
      "tpu.region"() ({
        %run_scoped3A = tpu.sem_alloc : memref<!tpu.dma_semaphore, #tpu.memory_space<semaphore_mem>>
        %dma_start3A_205 = arith.constant 0 : i32
        %dma_start3A_206 = tpu.memref_slice %arg7[%arg0, %dma_start3A_205] : memref<2x8192xf32, #tpu.memory_space<hbm>> -> memref<1x8192xf32, #tpu.memory_space<hbm>>
        %dma_start3A_207 = tpu.memref_squeeze %dma_start3A_206 : memref<1x8192xf32, #tpu.memory_space<hbm>> -> memref<8192xf32, #tpu.memory_space<hbm>>
        tpu.enqueue_dma source(%arg11 : memref<8192xf32, #tpu.memory_space<vmem_shared>>) target(%dma_start3A_207 : memref<8192xf32, #tpu.memory_space<hbm>>) target_semaphore(%run_scoped3A : memref<!tpu.dma_semaphore, #tpu.memory_space<semaphore_mem>>)
        %dma_wait3A_208 = arith.constant 0 : i32
        %dma_wait3A_209 = tpu.memref_slice %arg7[%arg0, %dma_wait3A_208] : memref<2x8192xf32, #tpu.memory_space<hbm>> -> memref<1x8192xf32, #tpu.memory_space<hbm>>
        %dma_wait3A_210 = tpu.memref_squeeze %dma_wait3A_209 : memref<1x8192xf32, #tpu.memory_space<hbm>> -> memref<8192xf32, #tpu.memory_space<hbm>>
        tpu.wait_dma2 semaphore(%run_scoped3A : memref<!tpu.dma_semaphore, #tpu.memory_space<semaphore_mem>>) src(%arg11 : memref<8192xf32, #tpu.memory_space<vmem_shared>>) dst(%dma_wait3A_210 : memref<8192xf32, #tpu.memory_space<hbm>>)
        tpu.yield
      }) : () -> ()
    } else {
    }
    return
  }
}

module attributes {stable_mosaic.version = 14 : i64} {
  func.func @_stage_a_body(%arg0: i32, %arg1: i32, %arg2: memref<1x4096x1xf32, #tpu.memory_space<vmem>>, %arg3: memref<1x1x4096xf32, #tpu.memory_space<vmem>>, %arg4: memref<1x1x8192xf32, #tpu.memory_space<vmem>>, %arg5: memref<4096x256xf32, #tpu.memory_space<vmem>>, %arg6: memref<8192x256xf32, #tpu.memory_space<vmem>>, %arg7: memref<1x1x4096xi32, #tpu.memory_space<vmem>>, %arg8: memref<1x1x4096xf32, #tpu.memory_space<vmem>>, %arg9: memref<1x8192xf32, #tpu.memory_space<vmem>>, %arg10: memref<4096x128xf32, #tpu.memory_space<vmem>>, %arg11: memref<4096x128xi32, #tpu.memory_space<vmem>>) attributes {dimension_semantics = [#tpu.dimension_semantics<arbitrary>, #tpu.dimension_semantics<arbitrary>], iteration_bounds = array<i64: 4, 1>, scalar_prefetch = 0 : i64, scratch_operands = 2 : i64, tpu.core_type = #tpu.core_type<tc>, window_params = [{transform_indices = @transform_0, window_bounds = array<i64: 1, 4096, 1>}, {transform_indices = @transform_1, window_bounds = array<i64: 1, 1, 4096>}, {transform_indices = @transform_2, window_bounds = array<i64: 1, 1, 8192>}, {transform_indices = @transform_3, window_bounds = array<i64: 4096, 256>}, {transform_indices = @transform_4, window_bounds = array<i64: 8192, 256>}, {transform_indices = @transform_5, window_bounds = array<i64: 1, 1, 4096>}, {transform_indices = @transform_6, window_bounds = array<i64: 1, 1, 4096>}, {pipeline_mode = #tpu.pipeline_mode<synchronous>, transform_indices = @transform_7, window_bounds = array<i64: 1, 8192>}]} {
    %get3A = arith.constant 0 : index
    %get3A_0 = arith.constant 0 : index
    %get3A_1 = vector.load %arg5[%get3A, %get3A_0] : memref<4096x256xf32, #tpu.memory_space<vmem>>, vector<4096x256xf32>
    %mul3A = arith.constant -2.000000e+00 : f32
    %mul3A_2 = vector.broadcast %mul3A : f32 to vector<4096x256xf32>
    %mul3A_3 = arith.mulf %mul3A_2, %get3A_1 : vector<4096x256xf32>
    %get3A_4 = arith.constant 0 : index
    %get3A_5 = arith.constant 0 : index
    %get3A_6 = arith.constant 0 : index
    %get3A_7 = vector.load %arg2[%get3A_4, %get3A_5, %get3A_6] : memref<1x4096x1xf32, #tpu.memory_space<vmem>>, vector<1x4096x1xf32>
    %get3A_8 = vector.shape_cast %get3A_7 : vector<1x4096x1xf32> to vector<4096x1xf32>
    %get3A_9 = arith.constant 0 : index
    %get3A_10 = arith.constant 0 : index
    %get3A_11 = arith.constant 0 : index
    %get3A_12 = vector.load %arg4[%get3A_9, %get3A_10, %get3A_11] : memref<1x1x8192xf32, #tpu.memory_space<vmem>>, vector<1x1x8192xf32>
    %get3A_13 = vector.shape_cast %get3A_12 : vector<1x1x8192xf32> to vector<8192xf32>
    %eq3A = arith.constant 0 : i32
    %eq3A_14 = arith.cmpi eq, %arg1, %eq3A : i32
    %convert_element_type3A = arith.extui %eq3A_14 : i1 to i32
    %cond3A = arith.constant 0 : i32
    %cond3A_15 = arith.cmpi ne, %convert_element_type3A, %cond3A : i32
    scf.if %cond3A_15 {
      %broadcast_in_dim3A_1266 = arith.constant 3.000000e+38 : f32
      %broadcast_in_dim3A_1267 = vector.broadcast %broadcast_in_dim3A_1266 : f32 to vector<4096x128xf32>
      %swap3A_1268 = arith.constant 0 : index
      %swap3A_1269 = arith.constant 0 : index
      %swap3A_1270 = vector.load %arg10[%swap3A_1268, %swap3A_1269] : memref<4096x128xf32, #tpu.memory_space<vmem>>, vector<4096x128xf32>
      tpu.vector_store %arg10[%swap3A_1268, %swap3A_1269], %broadcast_in_dim3A_1267 {strides = array<i32>} : memref<4096x128xf32, #tpu.memory_space<vmem>>, vector<4096x128xf32>,
      %broadcast_in_dim3A_1271 = arith.constant 0 : i32
      %broadcast_in_dim3A_1272 = vector.broadcast %broadcast_in_dim3A_1271 : i32 to vector<4096x128xi32>
      %swap3A_1273 = arith.constant 0 : index
      %swap3A_1274 = arith.constant 0 : index
      %swap3A_1275 = vector.load %arg11[%swap3A_1273, %swap3A_1274] : memref<4096x128xi32, #tpu.memory_space<vmem>>, vector<4096x128xi32>
      tpu.vector_store %arg11[%swap3A_1273, %swap3A_1274], %broadcast_in_dim3A_1272 {strides = array<i32>} : memref<4096x128xi32, #tpu.memory_space<vmem>>, vector<4096x128xi32>,
    } else {
    }
    %get3A_16 = arith.constant 0 : index
    %get3A_17 = arith.constant 0 : index
    %get3A_18 = vector.load %arg10[%get3A_16, %get3A_17] : memref<4096x128xf32, #tpu.memory_space<vmem>>, vector<4096x128xf32>
    %get3A_19 = arith.constant 0 : index
    %get3A_20 = arith.constant 0 : index
    %get3A_21 = vector.load %arg11[%get3A_19, %get3A_20] : memref<4096x128xi32, #tpu.memory_space<vmem>>, vector<4096x128xi32>
    %get3A_22 = arith.constant 0 : index
    %get3A_23 = arith.constant 0 : index
    %get3A_24 = vector.load %arg6[%get3A_22, %get3A_23] : memref<8192x256xf32, #tpu.memory_space<vmem>>, vector<512x256xf32>
    %dot_general3A = arith.constant dense<0.000000e+00> : vector<4096x512xf32>
    %dot_general3A_25 = tpu.matmul %mul3A_3, %get3A_24, %dot_general3A {dimension_numbers = #tpu.dot_dimension_numbers<[1], [1], [0], [0], [0, 0, 1, 0], [], []>, transpose_lhs_hint = false} : vector<4096x256xf32>, vector<512x256xf32>, vector<4096x512xf32> -> vector<4096x512xf32>
    %slice3A = vector.extract_strided_slice %dot_general3A_25 {offsets = [0, 0], sizes = [4096, 128], strides = [1, 1]} : vector<4096x512xf32> to vector<4096x128xf32>
    %add3A = vector.broadcast %get3A_8 : vector<4096x1xf32> to vector<4096x128xf32>
    %add3A_26 = arith.addf %add3A, %slice3A : vector<4096x128xf32>
    %slice3A_27 = vector.extract_strided_slice %get3A_13 {offsets = [0], sizes = [128], strides = [1]} : vector<8192xf32> to vector<128xf32>
    %broadcast_in_dim3A = vector.shape_cast %slice3A_27 : vector<128xf32> to vector<1x128xf32>
    %add3A_28 = vector.broadcast %broadcast_in_dim3A : vector<1x128xf32> to vector<4096x128xf32>
    %add3A_29 = arith.addf %add3A_26, %add3A_28 : vector<4096x128xf32>
    %lt3A = arith.cmpf olt, %add3A_29, %get3A_18 : vector<4096x128xf32>
    %select_n3A = arith.select %lt3A, %add3A_29, %get3A_18 : vector<4096x128xi1>, vector<4096x128xf32>
    %mul3A_30 = arith.constant 64 : i32
    %mul3A_31 = arith.muli %arg1, %mul3A_30 : i32
    %add3A_32 = arith.constant 0 : i32
    %add3A_33 = arith.addi %mul3A_31, %add3A_32 : i32
    %broadcast_in_dim3A_34 = vector.broadcast %add3A_33 : i32 to vector<4096x128xi32>
    %select_n3A_35 = arith.select %lt3A, %broadcast_in_dim3A_34, %get3A_21 : vector<4096x128xi1>, vector<4096x128xi32>
    %reduce_min3A = arith.constant dense<0x7F800000> : vector<128xf32>
    %reduce_min3A_36 = vector.multi_reduction <minimumf>, %add3A_29, %reduce_min3A [0] : vector<4096x128xf32> to vector<128xf32>
    %broadcast_in_dim3A_37 = vector.shape_cast %reduce_min3A_36 : vector<128xf32> to vector<1x128xf32>
    %slice3A_38 = vector.extract_strided_slice %dot_general3A_25 {offsets = [0, 128], sizes = [4096, 128], strides = [1, 1]} : vector<4096x512xf32> to vector<4096x128xf32>
    %add3A_39 = vector.broadcast %get3A_8 : vector<4096x1xf32> to vector<4096x128xf32>
    %add3A_40 = arith.addf %add3A_39, %slice3A_38 : vector<4096x128xf32>
    %slice3A_41 = vector.extract_strided_slice %get3A_13 {offsets = [128], sizes = [128], strides = [1]} : vector<8192xf32> to vector<128xf32>
    %broadcast_in_dim3A_42 = vector.shape_cast %slice3A_41 : vector<128xf32> to vector<1x128xf32>
    %add3A_43 = vector.broadcast %broadcast_in_dim3A_42 : vector<1x128xf32> to vector<4096x128xf32>
    %add3A_44 = arith.addf %add3A_40, %add3A_43 : vector<4096x128xf32>
    %lt3A_45 = arith.cmpf olt, %add3A_44, %select_n3A : vector<4096x128xf32>
    %select_n3A_46 = arith.select %lt3A_45, %add3A_44, %select_n3A : vector<4096x128xi1>, vector<4096x128xf32>
    %mul3A_47 = arith.constant 64 : i32
    %mul3A_48 = arith.muli %arg1, %mul3A_47 : i32
    %add3A_49 = arith.constant 1 : i32
    %add3A_50 = arith.addi %mul3A_48, %add3A_49 : i32
    %broadcast_in_dim3A_51 = vector.broadcast %add3A_50 : i32 to vector<4096x128xi32>
    %select_n3A_52 = arith.select %lt3A_45, %broadcast_in_dim3A_51, %select_n3A_35 : vector<4096x128xi1>, vector<4096x128xi32>
    %reduce_min3A_53 = arith.constant dense<0x7F800000> : vector<128xf32>
    %reduce_min3A_54 = vector.multi_reduction <minimumf>, %add3A_44, %reduce_min3A_53 [0] : vector<4096x128xf32> to vector<128xf32>
    %broadcast_in_dim3A_55 = vector.shape_cast %reduce_min3A_54 : vector<128xf32> to vector<1x128xf32>
    %slice3A_56 = vector.extract_strided_slice %dot_general3A_25 {offsets = [0, 256], sizes = [4096, 128], strides = [1, 1]} : vector<4096x512xf32> to vector<4096x128xf32>
    %add3A_57 = vector.broadcast %get3A_8 : vector<4096x1xf32> to vector<4096x128xf32>
    %add3A_58 = arith.addf %add3A_57, %slice3A_56 : vector<4096x128xf32>
    %slice3A_59 = vector.extract_strided_slice %get3A_13 {offsets = [256], sizes = [128], strides = [1]} : vector<8192xf32> to vector<128xf32>
    %broadcast_in_dim3A_60 = vector.shape_cast %slice3A_59 : vector<128xf32> to vector<1x128xf32>
    %add3A_61 = vector.broadcast %broadcast_in_dim3A_60 : vector<1x128xf32> to vector<4096x128xf32>
    %add3A_62 = arith.addf %add3A_58, %add3A_61 : vector<4096x128xf32>
    %lt3A_63 = arith.cmpf olt, %add3A_62, %select_n3A_46 : vector<4096x128xf32>
    %select_n3A_64 = arith.select %lt3A_63, %add3A_62, %select_n3A_46 : vector<4096x128xi1>, vector<4096x128xf32>
    %mul3A_65 = arith.constant 64 : i32
    %mul3A_66 = arith.muli %arg1, %mul3A_65 : i32
    %add3A_67 = arith.constant 2 : i32
    %add3A_68 = arith.addi %mul3A_66, %add3A_67 : i32
    %broadcast_in_dim3A_69 = vector.broadcast %add3A_68 : i32 to vector<4096x128xi32>
    %select_n3A_70 = arith.select %lt3A_63, %broadcast_in_dim3A_69, %select_n3A_52 : vector<4096x128xi1>, vector<4096x128xi32>
    %reduce_min3A_71 = arith.constant dense<0x7F800000> : vector<128xf32>
    %reduce_min3A_72 = vector.multi_reduction <minimumf>, %add3A_62, %reduce_min3A_71 [0] : vector<4096x128xf32> to vector<128xf32>
    %broadcast_in_dim3A_73 = vector.shape_cast %reduce_min3A_72 : vector<128xf32> to vector<1x128xf32>
    %slice3A_74 = vector.extract_strided_slice %dot_general3A_25 {offsets = [0, 384], sizes = [4096, 128], strides = [1, 1]} : vector<4096x512xf32> to vector<4096x128xf32>
    %add3A_75 = vector.broadcast %get3A_8 : vector<4096x1xf32> to vector<4096x128xf32>
    %add3A_76 = arith.addf %add3A_75, %slice3A_74 : vector<4096x128xf32>
    %slice3A_77 = vector.extract_strided_slice %get3A_13 {offsets = [384], sizes = [128], strides = [1]} : vector<8192xf32> to vector<128xf32>
    %broadcast_in_dim3A_78 = vector.shape_cast %slice3A_77 : vector<128xf32> to vector<1x128xf32>
    %add3A_79 = vector.broadcast %broadcast_in_dim3A_78 : vector<1x128xf32> to vector<4096x128xf32>
    %add3A_80 = arith.addf %add3A_76, %add3A_79 : vector<4096x128xf32>
    %lt3A_81 = arith.cmpf olt, %add3A_80, %select_n3A_64 : vector<4096x128xf32>
    %select_n3A_82 = arith.select %lt3A_81, %add3A_80, %select_n3A_64 : vector<4096x128xi1>, vector<4096x128xf32>
    %mul3A_83 = arith.constant 64 : i32
    %mul3A_84 = arith.muli %arg1, %mul3A_83 : i32
    %add3A_85 = arith.constant 3 : i32
    %add3A_86 = arith.addi %mul3A_84, %add3A_85 : i32
    %broadcast_in_dim3A_87 = vector.broadcast %add3A_86 : i32 to vector<4096x128xi32>
    %select_n3A_88 = arith.select %lt3A_81, %broadcast_in_dim3A_87, %select_n3A_70 : vector<4096x128xi1>, vector<4096x128xi32>
    %reduce_min3A_89 = arith.constant dense<0x7F800000> : vector<128xf32>
    %reduce_min3A_90 = vector.multi_reduction <minimumf>, %add3A_80, %reduce_min3A_89 [0] : vector<4096x128xf32> to vector<128xf32>
    %broadcast_in_dim3A_91 = vector.shape_cast %reduce_min3A_90 : vector<128xf32> to vector<1x128xf32>
    %get3A_92 = arith.constant 512 : index
    %get3A_93 = arith.constant 0 : index
    %get3A_94 = vector.load %arg6[%get3A_92, %get3A_93] : memref<8192x256xf32, #tpu.memory_space<vmem>>, vector<512x256xf32>
    %dot_general3A_95 = arith.constant dense<0.000000e+00> : vector<4096x512xf32>
    %dot_general3A_96 = tpu.matmul %mul3A_3, %get3A_94, %dot_general3A_95 {dimension_numbers = #tpu.dot_dimension_numbers<[1], [1], [0], [0], [0, 0, 1, 0], [], []>, transpose_lhs_hint = false} : vector<4096x256xf32>, vector<512x256xf32>, vector<4096x512xf32> -> vector<4096x512xf32>
    %slice3A_97 = vector.extract_strided_slice %dot_general3A_96 {offsets = [0, 0], sizes = [4096, 128], strides = [1, 1]} : vector<4096x512xf32> to vector<4096x128xf32>
    %add3A_98 = vector.broadcast %get3A_8 : vector<4096x1xf32> to vector<4096x128xf32>
    %add3A_99 = arith.addf %add3A_98, %slice3A_97 : vector<4096x128xf32>
    %slice3A_100 = vector.extract_strided_slice %get3A_13 {offsets = [512], sizes = [128], strides = [1]} : vector<8192xf32> to vector<128xf32>
    %broadcast_in_dim3A_101 = vector.shape_cast %slice3A_100 : vector<128xf32> to vector<1x128xf32>
    %add3A_102 = vector.broadcast %broadcast_in_dim3A_101 : vector<1x128xf32> to vector<4096x128xf32>
    %add3A_103 = arith.addf %add3A_99, %add3A_102 : vector<4096x128xf32>
    %lt3A_104 = arith.cmpf olt, %add3A_103, %select_n3A_82 : vector<4096x128xf32>
    %select_n3A_105 = arith.select %lt3A_104, %add3A_103, %select_n3A_82 : vector<4096x128xi1>, vector<4096x128xf32>
    %mul3A_106 = arith.constant 64 : i32
    %mul3A_107 = arith.muli %arg1, %mul3A_106 : i32
    %add3A_108 = arith.constant 4 : i32
    %add3A_109 = arith.addi %mul3A_107, %add3A_108 : i32
    %broadcast_in_dim3A_110 = vector.broadcast %add3A_109 : i32 to vector<4096x128xi32>
    %select_n3A_111 = arith.select %lt3A_104, %broadcast_in_dim3A_110, %select_n3A_88 : vector<4096x128xi1>, vector<4096x128xi32>
    %reduce_min3A_112 = arith.constant dense<0x7F800000> : vector<128xf32>
    %reduce_min3A_113 = vector.multi_reduction <minimumf>, %add3A_103, %reduce_min3A_112 [0] : vector<4096x128xf32> to vector<128xf32>
    %broadcast_in_dim3A_114 = vector.shape_cast %reduce_min3A_113 : vector<128xf32> to vector<1x128xf32>
    %slice3A_115 = vector.extract_strided_slice %dot_general3A_96 {offsets = [0, 128], sizes = [4096, 128], strides = [1, 1]} : vector<4096x512xf32> to vector<4096x128xf32>
    %add3A_116 = vector.broadcast %get3A_8 : vector<4096x1xf32> to vector<4096x128xf32>
    %add3A_117 = arith.addf %add3A_116, %slice3A_115 : vector<4096x128xf32>
    %slice3A_118 = vector.extract_strided_slice %get3A_13 {offsets = [640], sizes = [128], strides = [1]} : vector<8192xf32> to vector<128xf32>
    %broadcast_in_dim3A_119 = vector.shape_cast %slice3A_118 : vector<128xf32> to vector<1x128xf32>
    %add3A_120 = vector.broadcast %broadcast_in_dim3A_119 : vector<1x128xf32> to vector<4096x128xf32>
    %add3A_121 = arith.addf %add3A_117, %add3A_120 : vector<4096x128xf32>
    %lt3A_122 = arith.cmpf olt, %add3A_121, %select_n3A_105 : vector<4096x128xf32>
    %select_n3A_123 = arith.select %lt3A_122, %add3A_121, %select_n3A_105 : vector<4096x128xi1>, vector<4096x128xf32>
    %mul3A_124 = arith.constant 64 : i32
    %mul3A_125 = arith.muli %arg1, %mul3A_124 : i32
    %add3A_126 = arith.constant 5 : i32
    %add3A_127 = arith.addi %mul3A_125, %add3A_126 : i32
    %broadcast_in_dim3A_128 = vector.broadcast %add3A_127 : i32 to vector<4096x128xi32>
    %select_n3A_129 = arith.select %lt3A_122, %broadcast_in_dim3A_128, %select_n3A_111 : vector<4096x128xi1>, vector<4096x128xi32>
    %reduce_min3A_130 = arith.constant dense<0x7F800000> : vector<128xf32>
    %reduce_min3A_131 = vector.multi_reduction <minimumf>, %add3A_121, %reduce_min3A_130 [0] : vector<4096x128xf32> to vector<128xf32>
    %broadcast_in_dim3A_132 = vector.shape_cast %reduce_min3A_131 : vector<128xf32> to vector<1x128xf32>
    %slice3A_133 = vector.extract_strided_slice %dot_general3A_96 {offsets = [0, 256], sizes = [4096, 128], strides = [1, 1]} : vector<4096x512xf32> to vector<4096x128xf32>
    %add3A_134 = vector.broadcast %get3A_8 : vector<4096x1xf32> to vector<4096x128xf32>
    %add3A_135 = arith.addf %add3A_134, %slice3A_133 : vector<4096x128xf32>
    %slice3A_136 = vector.extract_strided_slice %get3A_13 {offsets = [768], sizes = [128], strides = [1]} : vector<8192xf32> to vector<128xf32>
    %broadcast_in_dim3A_137 = vector.shape_cast %slice3A_136 : vector<128xf32> to vector<1x128xf32>
    %add3A_138 = vector.broadcast %broadcast_in_dim3A_137 : vector<1x128xf32> to vector<4096x128xf32>
    %add3A_139 = arith.addf %add3A_135, %add3A_138 : vector<4096x128xf32>
    %lt3A_140 = arith.cmpf olt, %add3A_139, %select_n3A_123 : vector<4096x128xf32>
    %select_n3A_141 = arith.select %lt3A_140, %add3A_139, %select_n3A_123 : vector<4096x128xi1>, vector<4096x128xf32>
    %mul3A_142 = arith.constant 64 : i32
    %mul3A_143 = arith.muli %arg1, %mul3A_142 : i32
    %add3A_144 = arith.constant 6 : i32
    %add3A_145 = arith.addi %mul3A_143, %add3A_144 : i32
    %broadcast_in_dim3A_146 = vector.broadcast %add3A_145 : i32 to vector<4096x128xi32>
    %select_n3A_147 = arith.select %lt3A_140, %broadcast_in_dim3A_146, %select_n3A_129 : vector<4096x128xi1>, vector<4096x128xi32>
    %reduce_min3A_148 = arith.constant dense<0x7F800000> : vector<128xf32>
    %reduce_min3A_149 = vector.multi_reduction <minimumf>, %add3A_139, %reduce_min3A_148 [0] : vector<4096x128xf32> to vector<128xf32>
    %broadcast_in_dim3A_150 = vector.shape_cast %reduce_min3A_149 : vector<128xf32> to vector<1x128xf32>
    %slice3A_151 = vector.extract_strided_slice %dot_general3A_96 {offsets = [0, 384], sizes = [4096, 128], strides = [1, 1]} : vector<4096x512xf32> to vector<4096x128xf32>
    %add3A_152 = vector.broadcast %get3A_8 : vector<4096x1xf32> to vector<4096x128xf32>
    %add3A_153 = arith.addf %add3A_152, %slice3A_151 : vector<4096x128xf32>
    %slice3A_154 = vector.extract_strided_slice %get3A_13 {offsets = [896], sizes = [128], strides = [1]} : vector<8192xf32> to vector<128xf32>
    %broadcast_in_dim3A_155 = vector.shape_cast %slice3A_154 : vector<128xf32> to vector<1x128xf32>
    %add3A_156 = vector.broadcast %broadcast_in_dim3A_155 : vector<1x128xf32> to vector<4096x128xf32>
    %add3A_157 = arith.addf %add3A_153, %add3A_156 : vector<4096x128xf32>
    %lt3A_158 = arith.cmpf olt, %add3A_157, %select_n3A_141 : vector<4096x128xf32>
    %select_n3A_159 = arith.select %lt3A_158, %add3A_157, %select_n3A_141 : vector<4096x128xi1>, vector<4096x128xf32>
    %mul3A_160 = arith.constant 64 : i32
    %mul3A_161 = arith.muli %arg1, %mul3A_160 : i32
    %add3A_162 = arith.constant 7 : i32
    %add3A_163 = arith.addi %mul3A_161, %add3A_162 : i32
    %broadcast_in_dim3A_164 = vector.broadcast %add3A_163 : i32 to vector<4096x128xi32>
    %select_n3A_165 = arith.select %lt3A_158, %broadcast_in_dim3A_164, %select_n3A_147 : vector<4096x128xi1>, vector<4096x128xi32>
    %reduce_min3A_166 = arith.constant dense<0x7F800000> : vector<128xf32>
    %reduce_min3A_167 = vector.multi_reduction <minimumf>, %add3A_157, %reduce_min3A_166 [0] : vector<4096x128xf32> to vector<128xf32>
    %broadcast_in_dim3A_168 = vector.shape_cast %reduce_min3A_167 : vector<128xf32> to vector<1x128xf32>
    %get3A_169 = arith.constant 1024 : index
    %get3A_170 = arith.constant 0 : index
    %get3A_171 = vector.load %arg6[%get3A_169, %get3A_170] : memref<8192x256xf32, #tpu.memory_space<vmem>>, vector<512x256xf32>
    %dot_general3A_172 = arith.constant dense<0.000000e+00> : vector<4096x512xf32>
    %dot_general3A_173 = tpu.matmul %mul3A_3, %get3A_171, %dot_general3A_172 {dimension_numbers = #tpu.dot_dimension_numbers<[1], [1], [0], [0], [0, 0, 1, 0], [], []>, transpose_lhs_hint = false} : vector<4096x256xf32>, vector<512x256xf32>, vector<4096x512xf32> -> vector<4096x512xf32>
    %slice3A_174 = vector.extract_strided_slice %dot_general3A_173 {offsets = [0, 0], sizes = [4096, 128], strides = [1, 1]} : vector<4096x512xf32> to vector<4096x128xf32>
    %add3A_175 = vector.broadcast %get3A_8 : vector<4096x1xf32> to vector<4096x128xf32>
    %add3A_176 = arith.addf %add3A_175, %slice3A_174 : vector<4096x128xf32>
    %slice3A_177 = vector.extract_strided_slice %get3A_13 {offsets = [1024], sizes = [128], strides = [1]} : vector<8192xf32> to vector<128xf32>
    %broadcast_in_dim3A_178 = vector.shape_cast %slice3A_177 : vector<128xf32> to vector<1x128xf32>
    %add3A_179 = vector.broadcast %broadcast_in_dim3A_178 : vector<1x128xf32> to vector<4096x128xf32>
    %add3A_180 = arith.addf %add3A_176, %add3A_179 : vector<4096x128xf32>
    %lt3A_181 = arith.cmpf olt, %add3A_180, %select_n3A_159 : vector<4096x128xf32>
    %select_n3A_182 = arith.select %lt3A_181, %add3A_180, %select_n3A_159 : vector<4096x128xi1>, vector<4096x128xf32>
    %mul3A_183 = arith.constant 64 : i32
    %mul3A_184 = arith.muli %arg1, %mul3A_183 : i32
    %add3A_185 = arith.constant 8 : i32
    %add3A_186 = arith.addi %mul3A_184, %add3A_185 : i32
    %broadcast_in_dim3A_187 = vector.broadcast %add3A_186 : i32 to vector<4096x128xi32>
    %select_n3A_188 = arith.select %lt3A_181, %broadcast_in_dim3A_187, %select_n3A_165 : vector<4096x128xi1>, vector<4096x128xi32>
    %reduce_min3A_189 = arith.constant dense<0x7F800000> : vector<128xf32>
    %reduce_min3A_190 = vector.multi_reduction <minimumf>, %add3A_180, %reduce_min3A_189 [0] : vector<4096x128xf32> to vector<128xf32>
    %broadcast_in_dim3A_191 = vector.shape_cast %reduce_min3A_190 : vector<128xf32> to vector<1x128xf32>
    %slice3A_192 = vector.extract_strided_slice %dot_general3A_173 {offsets = [0, 128], sizes = [4096, 128], strides = [1, 1]} : vector<4096x512xf32> to vector<4096x128xf32>
    %add3A_193 = vector.broadcast %get3A_8 : vector<4096x1xf32> to vector<4096x128xf32>
    %add3A_194 = arith.addf %add3A_193, %slice3A_192 : vector<4096x128xf32>
    %slice3A_195 = vector.extract_strided_slice %get3A_13 {offsets = [1152], sizes = [128], strides = [1]} : vector<8192xf32> to vector<128xf32>
    %broadcast_in_dim3A_196 = vector.shape_cast %slice3A_195 : vector<128xf32> to vector<1x128xf32>
    %add3A_197 = vector.broadcast %broadcast_in_dim3A_196 : vector<1x128xf32> to vector<4096x128xf32>
    %add3A_198 = arith.addf %add3A_194, %add3A_197 : vector<4096x128xf32>
    %lt3A_199 = arith.cmpf olt, %add3A_198, %select_n3A_182 : vector<4096x128xf32>
    %select_n3A_200 = arith.select %lt3A_199, %add3A_198, %select_n3A_182 : vector<4096x128xi1>, vector<4096x128xf32>
    %mul3A_201 = arith.constant 64 : i32
    %mul3A_202 = arith.muli %arg1, %mul3A_201 : i32
    %add3A_203 = arith.constant 9 : i32
    %add3A_204 = arith.addi %mul3A_202, %add3A_203 : i32
    %broadcast_in_dim3A_205 = vector.broadcast %add3A_204 : i32 to vector<4096x128xi32>
    %select_n3A_206 = arith.select %lt3A_199, %broadcast_in_dim3A_205, %select_n3A_188 : vector<4096x128xi1>, vector<4096x128xi32>
    %reduce_min3A_207 = arith.constant dense<0x7F800000> : vector<128xf32>
    %reduce_min3A_208 = vector.multi_reduction <minimumf>, %add3A_198, %reduce_min3A_207 [0] : vector<4096x128xf32> to vector<128xf32>
    %broadcast_in_dim3A_209 = vector.shape_cast %reduce_min3A_208 : vector<128xf32> to vector<1x128xf32>
    %slice3A_210 = vector.extract_strided_slice %dot_general3A_173 {offsets = [0, 256], sizes = [4096, 128], strides = [1, 1]} : vector<4096x512xf32> to vector<4096x128xf32>
    %add3A_211 = vector.broadcast %get3A_8 : vector<4096x1xf32> to vector<4096x128xf32>
    %add3A_212 = arith.addf %add3A_211, %slice3A_210 : vector<4096x128xf32>
    %slice3A_213 = vector.extract_strided_slice %get3A_13 {offsets = [1280], sizes = [128], strides = [1]} : vector<8192xf32> to vector<128xf32>
    %broadcast_in_dim3A_214 = vector.shape_cast %slice3A_213 : vector<128xf32> to vector<1x128xf32>
    %add3A_215 = vector.broadcast %broadcast_in_dim3A_214 : vector<1x128xf32> to vector<4096x128xf32>
    %add3A_216 = arith.addf %add3A_212, %add3A_215 : vector<4096x128xf32>
    %lt3A_217 = arith.cmpf olt, %add3A_216, %select_n3A_200 : vector<4096x128xf32>
    %select_n3A_218 = arith.select %lt3A_217, %add3A_216, %select_n3A_200 : vector<4096x128xi1>, vector<4096x128xf32>
    %mul3A_219 = arith.constant 64 : i32
    %mul3A_220 = arith.muli %arg1, %mul3A_219 : i32
    %add3A_221 = arith.constant 10 : i32
    %add3A_222 = arith.addi %mul3A_220, %add3A_221 : i32
    %broadcast_in_dim3A_223 = vector.broadcast %add3A_222 : i32 to vector<4096x128xi32>
    %select_n3A_224 = arith.select %lt3A_217, %broadcast_in_dim3A_223, %select_n3A_206 : vector<4096x128xi1>, vector<4096x128xi32>
    %reduce_min3A_225 = arith.constant dense<0x7F800000> : vector<128xf32>
    %reduce_min3A_226 = vector.multi_reduction <minimumf>, %add3A_216, %reduce_min3A_225 [0] : vector<4096x128xf32> to vector<128xf32>
    %broadcast_in_dim3A_227 = vector.shape_cast %reduce_min3A_226 : vector<128xf32> to vector<1x128xf32>
    %slice3A_228 = vector.extract_strided_slice %dot_general3A_173 {offsets = [0, 384], sizes = [4096, 128], strides = [1, 1]} : vector<4096x512xf32> to vector<4096x128xf32>
    %add3A_229 = vector.broadcast %get3A_8 : vector<4096x1xf32> to vector<4096x128xf32>
    %add3A_230 = arith.addf %add3A_229, %slice3A_228 : vector<4096x128xf32>
    %slice3A_231 = vector.extract_strided_slice %get3A_13 {offsets = [1408], sizes = [128], strides = [1]} : vector<8192xf32> to vector<128xf32>
    %broadcast_in_dim3A_232 = vector.shape_cast %slice3A_231 : vector<128xf32> to vector<1x128xf32>
    %add3A_233 = vector.broadcast %broadcast_in_dim3A_232 : vector<1x128xf32> to vector<4096x128xf32>
    %add3A_234 = arith.addf %add3A_230, %add3A_233 : vector<4096x128xf32>
    %lt3A_235 = arith.cmpf olt, %add3A_234, %select_n3A_218 : vector<4096x128xf32>
    %select_n3A_236 = arith.select %lt3A_235, %add3A_234, %select_n3A_218 : vector<4096x128xi1>, vector<4096x128xf32>
    %mul3A_237 = arith.constant 64 : i32
    %mul3A_238 = arith.muli %arg1, %mul3A_237 : i32
    %add3A_239 = arith.constant 11 : i32
    %add3A_240 = arith.addi %mul3A_238, %add3A_239 : i32
    %broadcast_in_dim3A_241 = vector.broadcast %add3A_240 : i32 to vector<4096x128xi32>
    %select_n3A_242 = arith.select %lt3A_235, %broadcast_in_dim3A_241, %select_n3A_224 : vector<4096x128xi1>, vector<4096x128xi32>
    %reduce_min3A_243 = arith.constant dense<0x7F800000> : vector<128xf32>
    %reduce_min3A_244 = vector.multi_reduction <minimumf>, %add3A_234, %reduce_min3A_243 [0] : vector<4096x128xf32> to vector<128xf32>
    %broadcast_in_dim3A_245 = vector.shape_cast %reduce_min3A_244 : vector<128xf32> to vector<1x128xf32>
    %get3A_246 = arith.constant 1536 : index
    %get3A_247 = arith.constant 0 : index
    %get3A_248 = vector.load %arg6[%get3A_246, %get3A_247] : memref<8192x256xf32, #tpu.memory_space<vmem>>, vector<512x256xf32>
    %dot_general3A_249 = arith.constant dense<0.000000e+00> : vector<4096x512xf32>
    %dot_general3A_250 = tpu.matmul %mul3A_3, %get3A_248, %dot_general3A_249 {dimension_numbers = #tpu.dot_dimension_numbers<[1], [1], [0], [0], [0, 0, 1, 0], [], []>, transpose_lhs_hint = false} : vector<4096x256xf32>, vector<512x256xf32>, vector<4096x512xf32> -> vector<4096x512xf32>
    %slice3A_251 = vector.extract_strided_slice %dot_general3A_250 {offsets = [0, 0], sizes = [4096, 128], strides = [1, 1]} : vector<4096x512xf32> to vector<4096x128xf32>
    %add3A_252 = vector.broadcast %get3A_8 : vector<4096x1xf32> to vector<4096x128xf32>
    %add3A_253 = arith.addf %add3A_252, %slice3A_251 : vector<4096x128xf32>
    %slice3A_254 = vector.extract_strided_slice %get3A_13 {offsets = [1536], sizes = [128], strides = [1]} : vector<8192xf32> to vector<128xf32>
    %broadcast_in_dim3A_255 = vector.shape_cast %slice3A_254 : vector<128xf32> to vector<1x128xf32>
    %add3A_256 = vector.broadcast %broadcast_in_dim3A_255 : vector<1x128xf32> to vector<4096x128xf32>
    %add3A_257 = arith.addf %add3A_253, %add3A_256 : vector<4096x128xf32>
    %lt3A_258 = arith.cmpf olt, %add3A_257, %select_n3A_236 : vector<4096x128xf32>
    %select_n3A_259 = arith.select %lt3A_258, %add3A_257, %select_n3A_236 : vector<4096x128xi1>, vector<4096x128xf32>
    %mul3A_260 = arith.constant 64 : i32
    %mul3A_261 = arith.muli %arg1, %mul3A_260 : i32
    %add3A_262 = arith.constant 12 : i32
    %add3A_263 = arith.addi %mul3A_261, %add3A_262 : i32
    %broadcast_in_dim3A_264 = vector.broadcast %add3A_263 : i32 to vector<4096x128xi32>
    %select_n3A_265 = arith.select %lt3A_258, %broadcast_in_dim3A_264, %select_n3A_242 : vector<4096x128xi1>, vector<4096x128xi32>
    %reduce_min3A_266 = arith.constant dense<0x7F800000> : vector<128xf32>
    %reduce_min3A_267 = vector.multi_reduction <minimumf>, %add3A_257, %reduce_min3A_266 [0] : vector<4096x128xf32> to vector<128xf32>
    %broadcast_in_dim3A_268 = vector.shape_cast %reduce_min3A_267 : vector<128xf32> to vector<1x128xf32>
    %slice3A_269 = vector.extract_strided_slice %dot_general3A_250 {offsets = [0, 128], sizes = [4096, 128], strides = [1, 1]} : vector<4096x512xf32> to vector<4096x128xf32>
    %add3A_270 = vector.broadcast %get3A_8 : vector<4096x1xf32> to vector<4096x128xf32>
    %add3A_271 = arith.addf %add3A_270, %slice3A_269 : vector<4096x128xf32>
    %slice3A_272 = vector.extract_strided_slice %get3A_13 {offsets = [1664], sizes = [128], strides = [1]} : vector<8192xf32> to vector<128xf32>
    %broadcast_in_dim3A_273 = vector.shape_cast %slice3A_272 : vector<128xf32> to vector<1x128xf32>
    %add3A_274 = vector.broadcast %broadcast_in_dim3A_273 : vector<1x128xf32> to vector<4096x128xf32>
    %add3A_275 = arith.addf %add3A_271, %add3A_274 : vector<4096x128xf32>
    %lt3A_276 = arith.cmpf olt, %add3A_275, %select_n3A_259 : vector<4096x128xf32>
    %select_n3A_277 = arith.select %lt3A_276, %add3A_275, %select_n3A_259 : vector<4096x128xi1>, vector<4096x128xf32>
    %mul3A_278 = arith.constant 64 : i32
    %mul3A_279 = arith.muli %arg1, %mul3A_278 : i32
    %add3A_280 = arith.constant 13 : i32
    %add3A_281 = arith.addi %mul3A_279, %add3A_280 : i32
    %broadcast_in_dim3A_282 = vector.broadcast %add3A_281 : i32 to vector<4096x128xi32>
    %select_n3A_283 = arith.select %lt3A_276, %broadcast_in_dim3A_282, %select_n3A_265 : vector<4096x128xi1>, vector<4096x128xi32>
    %reduce_min3A_284 = arith.constant dense<0x7F800000> : vector<128xf32>
    %reduce_min3A_285 = vector.multi_reduction <minimumf>, %add3A_275, %reduce_min3A_284 [0] : vector<4096x128xf32> to vector<128xf32>
    %broadcast_in_dim3A_286 = vector.shape_cast %reduce_min3A_285 : vector<128xf32> to vector<1x128xf32>
    %slice3A_287 = vector.extract_strided_slice %dot_general3A_250 {offsets = [0, 256], sizes = [4096, 128], strides = [1, 1]} : vector<4096x512xf32> to vector<4096x128xf32>
    %add3A_288 = vector.broadcast %get3A_8 : vector<4096x1xf32> to vector<4096x128xf32>
    %add3A_289 = arith.addf %add3A_288, %slice3A_287 : vector<4096x128xf32>
    %slice3A_290 = vector.extract_strided_slice %get3A_13 {offsets = [1792], sizes = [128], strides = [1]} : vector<8192xf32> to vector<128xf32>
    %broadcast_in_dim3A_291 = vector.shape_cast %slice3A_290 : vector<128xf32> to vector<1x128xf32>
    %add3A_292 = vector.broadcast %broadcast_in_dim3A_291 : vector<1x128xf32> to vector<4096x128xf32>
    %add3A_293 = arith.addf %add3A_289, %add3A_292 : vector<4096x128xf32>
    %lt3A_294 = arith.cmpf olt, %add3A_293, %select_n3A_277 : vector<4096x128xf32>
    %select_n3A_295 = arith.select %lt3A_294, %add3A_293, %select_n3A_277 : vector<4096x128xi1>, vector<4096x128xf32>
    %mul3A_296 = arith.constant 64 : i32
    %mul3A_297 = arith.muli %arg1, %mul3A_296 : i32
    %add3A_298 = arith.constant 14 : i32
    %add3A_299 = arith.addi %mul3A_297, %add3A_298 : i32
    %broadcast_in_dim3A_300 = vector.broadcast %add3A_299 : i32 to vector<4096x128xi32>
    %select_n3A_301 = arith.select %lt3A_294, %broadcast_in_dim3A_300, %select_n3A_283 : vector<4096x128xi1>, vector<4096x128xi32>
    %reduce_min3A_302 = arith.constant dense<0x7F800000> : vector<128xf32>
    %reduce_min3A_303 = vector.multi_reduction <minimumf>, %add3A_293, %reduce_min3A_302 [0] : vector<4096x128xf32> to vector<128xf32>
    %broadcast_in_dim3A_304 = vector.shape_cast %reduce_min3A_303 : vector<128xf32> to vector<1x128xf32>
    %slice3A_305 = vector.extract_strided_slice %dot_general3A_250 {offsets = [0, 384], sizes = [4096, 128], strides = [1, 1]} : vector<4096x512xf32> to vector<4096x128xf32>
    %add3A_306 = vector.broadcast %get3A_8 : vector<4096x1xf32> to vector<4096x128xf32>
    %add3A_307 = arith.addf %add3A_306, %slice3A_305 : vector<4096x128xf32>
    %slice3A_308 = vector.extract_strided_slice %get3A_13 {offsets = [1920], sizes = [128], strides = [1]} : vector<8192xf32> to vector<128xf32>
    %broadcast_in_dim3A_309 = vector.shape_cast %slice3A_308 : vector<128xf32> to vector<1x128xf32>
    %add3A_310 = vector.broadcast %broadcast_in_dim3A_309 : vector<1x128xf32> to vector<4096x128xf32>
    %add3A_311 = arith.addf %add3A_307, %add3A_310 : vector<4096x128xf32>
    %lt3A_312 = arith.cmpf olt, %add3A_311, %select_n3A_295 : vector<4096x128xf32>
    %select_n3A_313 = arith.select %lt3A_312, %add3A_311, %select_n3A_295 : vector<4096x128xi1>, vector<4096x128xf32>
    %mul3A_314 = arith.constant 64 : i32
    %mul3A_315 = arith.muli %arg1, %mul3A_314 : i32
    %add3A_316 = arith.constant 15 : i32
    %add3A_317 = arith.addi %mul3A_315, %add3A_316 : i32
    %broadcast_in_dim3A_318 = vector.broadcast %add3A_317 : i32 to vector<4096x128xi32>
    %select_n3A_319 = arith.select %lt3A_312, %broadcast_in_dim3A_318, %select_n3A_301 : vector<4096x128xi1>, vector<4096x128xi32>
    %reduce_min3A_320 = arith.constant dense<0x7F800000> : vector<128xf32>
    %reduce_min3A_321 = vector.multi_reduction <minimumf>, %add3A_311, %reduce_min3A_320 [0] : vector<4096x128xf32> to vector<128xf32>
    %broadcast_in_dim3A_322 = vector.shape_cast %reduce_min3A_321 : vector<128xf32> to vector<1x128xf32>
    %get3A_323 = arith.constant 2048 : index
    %get3A_324 = arith.constant 0 : index
    %get3A_325 = vector.load %arg6[%get3A_323, %get3A_324] : memref<8192x256xf32, #tpu.memory_space<vmem>>, vector<512x256xf32>
    %dot_general3A_326 = arith.constant dense<0.000000e+00> : vector<4096x512xf32>
    %dot_general3A_327 = tpu.matmul %mul3A_3, %get3A_325, %dot_general3A_326 {dimension_numbers = #tpu.dot_dimension_numbers<[1], [1], [0], [0], [0, 0, 1, 0], [], []>, transpose_lhs_hint = false} : vector<4096x256xf32>, vector<512x256xf32>, vector<4096x512xf32> -> vector<4096x512xf32>
    %slice3A_328 = vector.extract_strided_slice %dot_general3A_327 {offsets = [0, 0], sizes = [4096, 128], strides = [1, 1]} : vector<4096x512xf32> to vector<4096x128xf32>
    %add3A_329 = vector.broadcast %get3A_8 : vector<4096x1xf32> to vector<4096x128xf32>
    %add3A_330 = arith.addf %add3A_329, %slice3A_328 : vector<4096x128xf32>
    %slice3A_331 = vector.extract_strided_slice %get3A_13 {offsets = [2048], sizes = [128], strides = [1]} : vector<8192xf32> to vector<128xf32>
    %broadcast_in_dim3A_332 = vector.shape_cast %slice3A_331 : vector<128xf32> to vector<1x128xf32>
    %add3A_333 = vector.broadcast %broadcast_in_dim3A_332 : vector<1x128xf32> to vector<4096x128xf32>
    %add3A_334 = arith.addf %add3A_330, %add3A_333 : vector<4096x128xf32>
    %lt3A_335 = arith.cmpf olt, %add3A_334, %select_n3A_313 : vector<4096x128xf32>
    %select_n3A_336 = arith.select %lt3A_335, %add3A_334, %select_n3A_313 : vector<4096x128xi1>, vector<4096x128xf32>
    %mul3A_337 = arith.constant 64 : i32
    %mul3A_338 = arith.muli %arg1, %mul3A_337 : i32
    %add3A_339 = arith.constant 16 : i32
    %add3A_340 = arith.addi %mul3A_338, %add3A_339 : i32
    %broadcast_in_dim3A_341 = vector.broadcast %add3A_340 : i32 to vector<4096x128xi32>
    %select_n3A_342 = arith.select %lt3A_335, %broadcast_in_dim3A_341, %select_n3A_319 : vector<4096x128xi1>, vector<4096x128xi32>
    %reduce_min3A_343 = arith.constant dense<0x7F800000> : vector<128xf32>
    %reduce_min3A_344 = vector.multi_reduction <minimumf>, %add3A_334, %reduce_min3A_343 [0] : vector<4096x128xf32> to vector<128xf32>
    %broadcast_in_dim3A_345 = vector.shape_cast %reduce_min3A_344 : vector<128xf32> to vector<1x128xf32>
    %slice3A_346 = vector.extract_strided_slice %dot_general3A_327 {offsets = [0, 128], sizes = [4096, 128], strides = [1, 1]} : vector<4096x512xf32> to vector<4096x128xf32>
    %add3A_347 = vector.broadcast %get3A_8 : vector<4096x1xf32> to vector<4096x128xf32>
    %add3A_348 = arith.addf %add3A_347, %slice3A_346 : vector<4096x128xf32>
    %slice3A_349 = vector.extract_strided_slice %get3A_13 {offsets = [2176], sizes = [128], strides = [1]} : vector<8192xf32> to vector<128xf32>
    %broadcast_in_dim3A_350 = vector.shape_cast %slice3A_349 : vector<128xf32> to vector<1x128xf32>
    %add3A_351 = vector.broadcast %broadcast_in_dim3A_350 : vector<1x128xf32> to vector<4096x128xf32>
    %add3A_352 = arith.addf %add3A_348, %add3A_351 : vector<4096x128xf32>
    %lt3A_353 = arith.cmpf olt, %add3A_352, %select_n3A_336 : vector<4096x128xf32>
    %select_n3A_354 = arith.select %lt3A_353, %add3A_352, %select_n3A_336 : vector<4096x128xi1>, vector<4096x128xf32>
    %mul3A_355 = arith.constant 64 : i32
    %mul3A_356 = arith.muli %arg1, %mul3A_355 : i32
    %add3A_357 = arith.constant 17 : i32
    %add3A_358 = arith.addi %mul3A_356, %add3A_357 : i32
    %broadcast_in_dim3A_359 = vector.broadcast %add3A_358 : i32 to vector<4096x128xi32>
    %select_n3A_360 = arith.select %lt3A_353, %broadcast_in_dim3A_359, %select_n3A_342 : vector<4096x128xi1>, vector<4096x128xi32>
    %reduce_min3A_361 = arith.constant dense<0x7F800000> : vector<128xf32>
    %reduce_min3A_362 = vector.multi_reduction <minimumf>, %add3A_352, %reduce_min3A_361 [0] : vector<4096x128xf32> to vector<128xf32>
    %broadcast_in_dim3A_363 = vector.shape_cast %reduce_min3A_362 : vector<128xf32> to vector<1x128xf32>
    %slice3A_364 = vector.extract_strided_slice %dot_general3A_327 {offsets = [0, 256], sizes = [4096, 128], strides = [1, 1]} : vector<4096x512xf32> to vector<4096x128xf32>
    %add3A_365 = vector.broadcast %get3A_8 : vector<4096x1xf32> to vector<4096x128xf32>
    %add3A_366 = arith.addf %add3A_365, %slice3A_364 : vector<4096x128xf32>
    %slice3A_367 = vector.extract_strided_slice %get3A_13 {offsets = [2304], sizes = [128], strides = [1]} : vector<8192xf32> to vector<128xf32>
    %broadcast_in_dim3A_368 = vector.shape_cast %slice3A_367 : vector<128xf32> to vector<1x128xf32>
    %add3A_369 = vector.broadcast %broadcast_in_dim3A_368 : vector<1x128xf32> to vector<4096x128xf32>
    %add3A_370 = arith.addf %add3A_366, %add3A_369 : vector<4096x128xf32>
    %lt3A_371 = arith.cmpf olt, %add3A_370, %select_n3A_354 : vector<4096x128xf32>
    %select_n3A_372 = arith.select %lt3A_371, %add3A_370, %select_n3A_354 : vector<4096x128xi1>, vector<4096x128xf32>
    %mul3A_373 = arith.constant 64 : i32
    %mul3A_374 = arith.muli %arg1, %mul3A_373 : i32
    %add3A_375 = arith.constant 18 : i32
    %add3A_376 = arith.addi %mul3A_374, %add3A_375 : i32
    %broadcast_in_dim3A_377 = vector.broadcast %add3A_376 : i32 to vector<4096x128xi32>
    %select_n3A_378 = arith.select %lt3A_371, %broadcast_in_dim3A_377, %select_n3A_360 : vector<4096x128xi1>, vector<4096x128xi32>
    %reduce_min3A_379 = arith.constant dense<0x7F800000> : vector<128xf32>
    %reduce_min3A_380 = vector.multi_reduction <minimumf>, %add3A_370, %reduce_min3A_379 [0] : vector<4096x128xf32> to vector<128xf32>
    %broadcast_in_dim3A_381 = vector.shape_cast %reduce_min3A_380 : vector<128xf32> to vector<1x128xf32>
    %slice3A_382 = vector.extract_strided_slice %dot_general3A_327 {offsets = [0, 384], sizes = [4096, 128], strides = [1, 1]} : vector<4096x512xf32> to vector<4096x128xf32>
    %add3A_383 = vector.broadcast %get3A_8 : vector<4096x1xf32> to vector<4096x128xf32>
    %add3A_384 = arith.addf %add3A_383, %slice3A_382 : vector<4096x128xf32>
    %slice3A_385 = vector.extract_strided_slice %get3A_13 {offsets = [2432], sizes = [128], strides = [1]} : vector<8192xf32> to vector<128xf32>
    %broadcast_in_dim3A_386 = vector.shape_cast %slice3A_385 : vector<128xf32> to vector<1x128xf32>
    %add3A_387 = vector.broadcast %broadcast_in_dim3A_386 : vector<1x128xf32> to vector<4096x128xf32>
    %add3A_388 = arith.addf %add3A_384, %add3A_387 : vector<4096x128xf32>
    %lt3A_389 = arith.cmpf olt, %add3A_388, %select_n3A_372 : vector<4096x128xf32>
    %select_n3A_390 = arith.select %lt3A_389, %add3A_388, %select_n3A_372 : vector<4096x128xi1>, vector<4096x128xf32>
    %mul3A_391 = arith.constant 64 : i32
    %mul3A_392 = arith.muli %arg1, %mul3A_391 : i32
    %add3A_393 = arith.constant 19 : i32
    %add3A_394 = arith.addi %mul3A_392, %add3A_393 : i32
    %broadcast_in_dim3A_395 = vector.broadcast %add3A_394 : i32 to vector<4096x128xi32>
    %select_n3A_396 = arith.select %lt3A_389, %broadcast_in_dim3A_395, %select_n3A_378 : vector<4096x128xi1>, vector<4096x128xi32>
    %reduce_min3A_397 = arith.constant dense<0x7F800000> : vector<128xf32>
    %reduce_min3A_398 = vector.multi_reduction <minimumf>, %add3A_388, %reduce_min3A_397 [0] : vector<4096x128xf32> to vector<128xf32>
    %broadcast_in_dim3A_399 = vector.shape_cast %reduce_min3A_398 : vector<128xf32> to vector<1x128xf32>
    %get3A_400 = arith.constant 2560 : index
    %get3A_401 = arith.constant 0 : index
    %get3A_402 = vector.load %arg6[%get3A_400, %get3A_401] : memref<8192x256xf32, #tpu.memory_space<vmem>>, vector<512x256xf32>
    %dot_general3A_403 = arith.constant dense<0.000000e+00> : vector<4096x512xf32>
    %dot_general3A_404 = tpu.matmul %mul3A_3, %get3A_402, %dot_general3A_403 {dimension_numbers = #tpu.dot_dimension_numbers<[1], [1], [0], [0], [0, 0, 1, 0], [], []>, transpose_lhs_hint = false} : vector<4096x256xf32>, vector<512x256xf32>, vector<4096x512xf32> -> vector<4096x512xf32>
    %slice3A_405 = vector.extract_strided_slice %dot_general3A_404 {offsets = [0, 0], sizes = [4096, 128], strides = [1, 1]} : vector<4096x512xf32> to vector<4096x128xf32>
    %add3A_406 = vector.broadcast %get3A_8 : vector<4096x1xf32> to vector<4096x128xf32>
    %add3A_407 = arith.addf %add3A_406, %slice3A_405 : vector<4096x128xf32>
    %slice3A_408 = vector.extract_strided_slice %get3A_13 {offsets = [2560], sizes = [128], strides = [1]} : vector<8192xf32> to vector<128xf32>
    %broadcast_in_dim3A_409 = vector.shape_cast %slice3A_408 : vector<128xf32> to vector<1x128xf32>
    %add3A_410 = vector.broadcast %broadcast_in_dim3A_409 : vector<1x128xf32> to vector<4096x128xf32>
    %add3A_411 = arith.addf %add3A_407, %add3A_410 : vector<4096x128xf32>
    %lt3A_412 = arith.cmpf olt, %add3A_411, %select_n3A_390 : vector<4096x128xf32>
    %select_n3A_413 = arith.select %lt3A_412, %add3A_411, %select_n3A_390 : vector<4096x128xi1>, vector<4096x128xf32>
    %mul3A_414 = arith.constant 64 : i32
    %mul3A_415 = arith.muli %arg1, %mul3A_414 : i32
    %add3A_416 = arith.constant 20 : i32
    %add3A_417 = arith.addi %mul3A_415, %add3A_416 : i32
    %broadcast_in_dim3A_418 = vector.broadcast %add3A_417 : i32 to vector<4096x128xi32>
    %select_n3A_419 = arith.select %lt3A_412, %broadcast_in_dim3A_418, %select_n3A_396 : vector<4096x128xi1>, vector<4096x128xi32>
    %reduce_min3A_420 = arith.constant dense<0x7F800000> : vector<128xf32>
    %reduce_min3A_421 = vector.multi_reduction <minimumf>, %add3A_411, %reduce_min3A_420 [0] : vector<4096x128xf32> to vector<128xf32>
    %broadcast_in_dim3A_422 = vector.shape_cast %reduce_min3A_421 : vector<128xf32> to vector<1x128xf32>
    %slice3A_423 = vector.extract_strided_slice %dot_general3A_404 {offsets = [0, 128], sizes = [4096, 128], strides = [1, 1]} : vector<4096x512xf32> to vector<4096x128xf32>
    %add3A_424 = vector.broadcast %get3A_8 : vector<4096x1xf32> to vector<4096x128xf32>
    %add3A_425 = arith.addf %add3A_424, %slice3A_423 : vector<4096x128xf32>
    %slice3A_426 = vector.extract_strided_slice %get3A_13 {offsets = [2688], sizes = [128], strides = [1]} : vector<8192xf32> to vector<128xf32>
    %broadcast_in_dim3A_427 = vector.shape_cast %slice3A_426 : vector<128xf32> to vector<1x128xf32>
    %add3A_428 = vector.broadcast %broadcast_in_dim3A_427 : vector<1x128xf32> to vector<4096x128xf32>
    %add3A_429 = arith.addf %add3A_425, %add3A_428 : vector<4096x128xf32>
    %lt3A_430 = arith.cmpf olt, %add3A_429, %select_n3A_413 : vector<4096x128xf32>
    %select_n3A_431 = arith.select %lt3A_430, %add3A_429, %select_n3A_413 : vector<4096x128xi1>, vector<4096x128xf32>
    %mul3A_432 = arith.constant 64 : i32
    %mul3A_433 = arith.muli %arg1, %mul3A_432 : i32
    %add3A_434 = arith.constant 21 : i32
    %add3A_435 = arith.addi %mul3A_433, %add3A_434 : i32
    %broadcast_in_dim3A_436 = vector.broadcast %add3A_435 : i32 to vector<4096x128xi32>
    %select_n3A_437 = arith.select %lt3A_430, %broadcast_in_dim3A_436, %select_n3A_419 : vector<4096x128xi1>, vector<4096x128xi32>
    %reduce_min3A_438 = arith.constant dense<0x7F800000> : vector<128xf32>
    %reduce_min3A_439 = vector.multi_reduction <minimumf>, %add3A_429, %reduce_min3A_438 [0] : vector<4096x128xf32> to vector<128xf32>
    %broadcast_in_dim3A_440 = vector.shape_cast %reduce_min3A_439 : vector<128xf32> to vector<1x128xf32>
    %slice3A_441 = vector.extract_strided_slice %dot_general3A_404 {offsets = [0, 256], sizes = [4096, 128], strides = [1, 1]} : vector<4096x512xf32> to vector<4096x128xf32>
    %add3A_442 = vector.broadcast %get3A_8 : vector<4096x1xf32> to vector<4096x128xf32>
    %add3A_443 = arith.addf %add3A_442, %slice3A_441 : vector<4096x128xf32>
    %slice3A_444 = vector.extract_strided_slice %get3A_13 {offsets = [2816], sizes = [128], strides = [1]} : vector<8192xf32> to vector<128xf32>
    %broadcast_in_dim3A_445 = vector.shape_cast %slice3A_444 : vector<128xf32> to vector<1x128xf32>
    %add3A_446 = vector.broadcast %broadcast_in_dim3A_445 : vector<1x128xf32> to vector<4096x128xf32>
    %add3A_447 = arith.addf %add3A_443, %add3A_446 : vector<4096x128xf32>
    %lt3A_448 = arith.cmpf olt, %add3A_447, %select_n3A_431 : vector<4096x128xf32>
    %select_n3A_449 = arith.select %lt3A_448, %add3A_447, %select_n3A_431 : vector<4096x128xi1>, vector<4096x128xf32>
    %mul3A_450 = arith.constant 64 : i32
    %mul3A_451 = arith.muli %arg1, %mul3A_450 : i32
    %add3A_452 = arith.constant 22 : i32
    %add3A_453 = arith.addi %mul3A_451, %add3A_452 : i32
    %broadcast_in_dim3A_454 = vector.broadcast %add3A_453 : i32 to vector<4096x128xi32>
    %select_n3A_455 = arith.select %lt3A_448, %broadcast_in_dim3A_454, %select_n3A_437 : vector<4096x128xi1>, vector<4096x128xi32>
    %reduce_min3A_456 = arith.constant dense<0x7F800000> : vector<128xf32>
    %reduce_min3A_457 = vector.multi_reduction <minimumf>, %add3A_447, %reduce_min3A_456 [0] : vector<4096x128xf32> to vector<128xf32>
    %broadcast_in_dim3A_458 = vector.shape_cast %reduce_min3A_457 : vector<128xf32> to vector<1x128xf32>
    %slice3A_459 = vector.extract_strided_slice %dot_general3A_404 {offsets = [0, 384], sizes = [4096, 128], strides = [1, 1]} : vector<4096x512xf32> to vector<4096x128xf32>
    %add3A_460 = vector.broadcast %get3A_8 : vector<4096x1xf32> to vector<4096x128xf32>
    %add3A_461 = arith.addf %add3A_460, %slice3A_459 : vector<4096x128xf32>
    %slice3A_462 = vector.extract_strided_slice %get3A_13 {offsets = [2944], sizes = [128], strides = [1]} : vector<8192xf32> to vector<128xf32>
    %broadcast_in_dim3A_463 = vector.shape_cast %slice3A_462 : vector<128xf32> to vector<1x128xf32>
    %add3A_464 = vector.broadcast %broadcast_in_dim3A_463 : vector<1x128xf32> to vector<4096x128xf32>
    %add3A_465 = arith.addf %add3A_461, %add3A_464 : vector<4096x128xf32>
    %lt3A_466 = arith.cmpf olt, %add3A_465, %select_n3A_449 : vector<4096x128xf32>
    %select_n3A_467 = arith.select %lt3A_466, %add3A_465, %select_n3A_449 : vector<4096x128xi1>, vector<4096x128xf32>
    %mul3A_468 = arith.constant 64 : i32
    %mul3A_469 = arith.muli %arg1, %mul3A_468 : i32
    %add3A_470 = arith.constant 23 : i32
    %add3A_471 = arith.addi %mul3A_469, %add3A_470 : i32
    %broadcast_in_dim3A_472 = vector.broadcast %add3A_471 : i32 to vector<4096x128xi32>
    %select_n3A_473 = arith.select %lt3A_466, %broadcast_in_dim3A_472, %select_n3A_455 : vector<4096x128xi1>, vector<4096x128xi32>
    %reduce_min3A_474 = arith.constant dense<0x7F800000> : vector<128xf32>
    %reduce_min3A_475 = vector.multi_reduction <minimumf>, %add3A_465, %reduce_min3A_474 [0] : vector<4096x128xf32> to vector<128xf32>
    %broadcast_in_dim3A_476 = vector.shape_cast %reduce_min3A_475 : vector<128xf32> to vector<1x128xf32>
    %get3A_477 = arith.constant 3072 : index
    %get3A_478 = arith.constant 0 : index
    %get3A_479 = vector.load %arg6[%get3A_477, %get3A_478] : memref<8192x256xf32, #tpu.memory_space<vmem>>, vector<512x256xf32>
    %dot_general3A_480 = arith.constant dense<0.000000e+00> : vector<4096x512xf32>
    %dot_general3A_481 = tpu.matmul %mul3A_3, %get3A_479, %dot_general3A_480 {dimension_numbers = #tpu.dot_dimension_numbers<[1], [1], [0], [0], [0, 0, 1, 0], [], []>, transpose_lhs_hint = false} : vector<4096x256xf32>, vector<512x256xf32>, vector<4096x512xf32> -> vector<4096x512xf32>
    %slice3A_482 = vector.extract_strided_slice %dot_general3A_481 {offsets = [0, 0], sizes = [4096, 128], strides = [1, 1]} : vector<4096x512xf32> to vector<4096x128xf32>
    %add3A_483 = vector.broadcast %get3A_8 : vector<4096x1xf32> to vector<4096x128xf32>
    %add3A_484 = arith.addf %add3A_483, %slice3A_482 : vector<4096x128xf32>
    %slice3A_485 = vector.extract_strided_slice %get3A_13 {offsets = [3072], sizes = [128], strides = [1]} : vector<8192xf32> to vector<128xf32>
    %broadcast_in_dim3A_486 = vector.shape_cast %slice3A_485 : vector<128xf32> to vector<1x128xf32>
    %add3A_487 = vector.broadcast %broadcast_in_dim3A_486 : vector<1x128xf32> to vector<4096x128xf32>
    %add3A_488 = arith.addf %add3A_484, %add3A_487 : vector<4096x128xf32>
    %lt3A_489 = arith.cmpf olt, %add3A_488, %select_n3A_467 : vector<4096x128xf32>
    %select_n3A_490 = arith.select %lt3A_489, %add3A_488, %select_n3A_467 : vector<4096x128xi1>, vector<4096x128xf32>
    %mul3A_491 = arith.constant 64 : i32
    %mul3A_492 = arith.muli %arg1, %mul3A_491 : i32
    %add3A_493 = arith.constant 24 : i32
    %add3A_494 = arith.addi %mul3A_492, %add3A_493 : i32
    %broadcast_in_dim3A_495 = vector.broadcast %add3A_494 : i32 to vector<4096x128xi32>
    %select_n3A_496 = arith.select %lt3A_489, %broadcast_in_dim3A_495, %select_n3A_473 : vector<4096x128xi1>, vector<4096x128xi32>
    %reduce_min3A_497 = arith.constant dense<0x7F800000> : vector<128xf32>
    %reduce_min3A_498 = vector.multi_reduction <minimumf>, %add3A_488, %reduce_min3A_497 [0] : vector<4096x128xf32> to vector<128xf32>
    %broadcast_in_dim3A_499 = vector.shape_cast %reduce_min3A_498 : vector<128xf32> to vector<1x128xf32>
    %slice3A_500 = vector.extract_strided_slice %dot_general3A_481 {offsets = [0, 128], sizes = [4096, 128], strides = [1, 1]} : vector<4096x512xf32> to vector<4096x128xf32>
    %add3A_501 = vector.broadcast %get3A_8 : vector<4096x1xf32> to vector<4096x128xf32>
    %add3A_502 = arith.addf %add3A_501, %slice3A_500 : vector<4096x128xf32>
    %slice3A_503 = vector.extract_strided_slice %get3A_13 {offsets = [3200], sizes = [128], strides = [1]} : vector<8192xf32> to vector<128xf32>
    %broadcast_in_dim3A_504 = vector.shape_cast %slice3A_503 : vector<128xf32> to vector<1x128xf32>
    %add3A_505 = vector.broadcast %broadcast_in_dim3A_504 : vector<1x128xf32> to vector<4096x128xf32>
    %add3A_506 = arith.addf %add3A_502, %add3A_505 : vector<4096x128xf32>
    %lt3A_507 = arith.cmpf olt, %add3A_506, %select_n3A_490 : vector<4096x128xf32>
    %select_n3A_508 = arith.select %lt3A_507, %add3A_506, %select_n3A_490 : vector<4096x128xi1>, vector<4096x128xf32>
    %mul3A_509 = arith.constant 64 : i32
    %mul3A_510 = arith.muli %arg1, %mul3A_509 : i32
    %add3A_511 = arith.constant 25 : i32
    %add3A_512 = arith.addi %mul3A_510, %add3A_511 : i32
    %broadcast_in_dim3A_513 = vector.broadcast %add3A_512 : i32 to vector<4096x128xi32>
    %select_n3A_514 = arith.select %lt3A_507, %broadcast_in_dim3A_513, %select_n3A_496 : vector<4096x128xi1>, vector<4096x128xi32>
    %reduce_min3A_515 = arith.constant dense<0x7F800000> : vector<128xf32>
    %reduce_min3A_516 = vector.multi_reduction <minimumf>, %add3A_506, %reduce_min3A_515 [0] : vector<4096x128xf32> to vector<128xf32>
    %broadcast_in_dim3A_517 = vector.shape_cast %reduce_min3A_516 : vector<128xf32> to vector<1x128xf32>
    %slice3A_518 = vector.extract_strided_slice %dot_general3A_481 {offsets = [0, 256], sizes = [4096, 128], strides = [1, 1]} : vector<4096x512xf32> to vector<4096x128xf32>
    %add3A_519 = vector.broadcast %get3A_8 : vector<4096x1xf32> to vector<4096x128xf32>
    %add3A_520 = arith.addf %add3A_519, %slice3A_518 : vector<4096x128xf32>
    %slice3A_521 = vector.extract_strided_slice %get3A_13 {offsets = [3328], sizes = [128], strides = [1]} : vector<8192xf32> to vector<128xf32>
    %broadcast_in_dim3A_522 = vector.shape_cast %slice3A_521 : vector<128xf32> to vector<1x128xf32>
    %add3A_523 = vector.broadcast %broadcast_in_dim3A_522 : vector<1x128xf32> to vector<4096x128xf32>
    %add3A_524 = arith.addf %add3A_520, %add3A_523 : vector<4096x128xf32>
    %lt3A_525 = arith.cmpf olt, %add3A_524, %select_n3A_508 : vector<4096x128xf32>
    %select_n3A_526 = arith.select %lt3A_525, %add3A_524, %select_n3A_508 : vector<4096x128xi1>, vector<4096x128xf32>
    %mul3A_527 = arith.constant 64 : i32
    %mul3A_528 = arith.muli %arg1, %mul3A_527 : i32
    %add3A_529 = arith.constant 26 : i32
    %add3A_530 = arith.addi %mul3A_528, %add3A_529 : i32
    %broadcast_in_dim3A_531 = vector.broadcast %add3A_530 : i32 to vector<4096x128xi32>
    %select_n3A_532 = arith.select %lt3A_525, %broadcast_in_dim3A_531, %select_n3A_514 : vector<4096x128xi1>, vector<4096x128xi32>
    %reduce_min3A_533 = arith.constant dense<0x7F800000> : vector<128xf32>
    %reduce_min3A_534 = vector.multi_reduction <minimumf>, %add3A_524, %reduce_min3A_533 [0] : vector<4096x128xf32> to vector<128xf32>
    %broadcast_in_dim3A_535 = vector.shape_cast %reduce_min3A_534 : vector<128xf32> to vector<1x128xf32>
    %slice3A_536 = vector.extract_strided_slice %dot_general3A_481 {offsets = [0, 384], sizes = [4096, 128], strides = [1, 1]} : vector<4096x512xf32> to vector<4096x128xf32>
    %add3A_537 = vector.broadcast %get3A_8 : vector<4096x1xf32> to vector<4096x128xf32>
    %add3A_538 = arith.addf %add3A_537, %slice3A_536 : vector<4096x128xf32>
    %slice3A_539 = vector.extract_strided_slice %get3A_13 {offsets = [3456], sizes = [128], strides = [1]} : vector<8192xf32> to vector<128xf32>
    %broadcast_in_dim3A_540 = vector.shape_cast %slice3A_539 : vector<128xf32> to vector<1x128xf32>
    %add3A_541 = vector.broadcast %broadcast_in_dim3A_540 : vector<1x128xf32> to vector<4096x128xf32>
    %add3A_542 = arith.addf %add3A_538, %add3A_541 : vector<4096x128xf32>
    %lt3A_543 = arith.cmpf olt, %add3A_542, %select_n3A_526 : vector<4096x128xf32>
    %select_n3A_544 = arith.select %lt3A_543, %add3A_542, %select_n3A_526 : vector<4096x128xi1>, vector<4096x128xf32>
    %mul3A_545 = arith.constant 64 : i32
    %mul3A_546 = arith.muli %arg1, %mul3A_545 : i32
    %add3A_547 = arith.constant 27 : i32
    %add3A_548 = arith.addi %mul3A_546, %add3A_547 : i32
    %broadcast_in_dim3A_549 = vector.broadcast %add3A_548 : i32 to vector<4096x128xi32>
    %select_n3A_550 = arith.select %lt3A_543, %broadcast_in_dim3A_549, %select_n3A_532 : vector<4096x128xi1>, vector<4096x128xi32>
    %reduce_min3A_551 = arith.constant dense<0x7F800000> : vector<128xf32>
    %reduce_min3A_552 = vector.multi_reduction <minimumf>, %add3A_542, %reduce_min3A_551 [0] : vector<4096x128xf32> to vector<128xf32>
    %broadcast_in_dim3A_553 = vector.shape_cast %reduce_min3A_552 : vector<128xf32> to vector<1x128xf32>
    %get3A_554 = arith.constant 3584 : index
    %get3A_555 = arith.constant 0 : index
    %get3A_556 = vector.load %arg6[%get3A_554, %get3A_555] : memref<8192x256xf32, #tpu.memory_space<vmem>>, vector<512x256xf32>
    %dot_general3A_557 = arith.constant dense<0.000000e+00> : vector<4096x512xf32>
    %dot_general3A_558 = tpu.matmul %mul3A_3, %get3A_556, %dot_general3A_557 {dimension_numbers = #tpu.dot_dimension_numbers<[1], [1], [0], [0], [0, 0, 1, 0], [], []>, transpose_lhs_hint = false} : vector<4096x256xf32>, vector<512x256xf32>, vector<4096x512xf32> -> vector<4096x512xf32>
    %slice3A_559 = vector.extract_strided_slice %dot_general3A_558 {offsets = [0, 0], sizes = [4096, 128], strides = [1, 1]} : vector<4096x512xf32> to vector<4096x128xf32>
    %add3A_560 = vector.broadcast %get3A_8 : vector<4096x1xf32> to vector<4096x128xf32>
    %add3A_561 = arith.addf %add3A_560, %slice3A_559 : vector<4096x128xf32>
    %slice3A_562 = vector.extract_strided_slice %get3A_13 {offsets = [3584], sizes = [128], strides = [1]} : vector<8192xf32> to vector<128xf32>
    %broadcast_in_dim3A_563 = vector.shape_cast %slice3A_562 : vector<128xf32> to vector<1x128xf32>
    %add3A_564 = vector.broadcast %broadcast_in_dim3A_563 : vector<1x128xf32> to vector<4096x128xf32>
    %add3A_565 = arith.addf %add3A_561, %add3A_564 : vector<4096x128xf32>
    %lt3A_566 = arith.cmpf olt, %add3A_565, %select_n3A_544 : vector<4096x128xf32>
    %select_n3A_567 = arith.select %lt3A_566, %add3A_565, %select_n3A_544 : vector<4096x128xi1>, vector<4096x128xf32>
    %mul3A_568 = arith.constant 64 : i32
    %mul3A_569 = arith.muli %arg1, %mul3A_568 : i32
    %add3A_570 = arith.constant 28 : i32
    %add3A_571 = arith.addi %mul3A_569, %add3A_570 : i32
    %broadcast_in_dim3A_572 = vector.broadcast %add3A_571 : i32 to vector<4096x128xi32>
    %select_n3A_573 = arith.select %lt3A_566, %broadcast_in_dim3A_572, %select_n3A_550 : vector<4096x128xi1>, vector<4096x128xi32>
    %reduce_min3A_574 = arith.constant dense<0x7F800000> : vector<128xf32>
    %reduce_min3A_575 = vector.multi_reduction <minimumf>, %add3A_565, %reduce_min3A_574 [0] : vector<4096x128xf32> to vector<128xf32>
    %broadcast_in_dim3A_576 = vector.shape_cast %reduce_min3A_575 : vector<128xf32> to vector<1x128xf32>
    %slice3A_577 = vector.extract_strided_slice %dot_general3A_558 {offsets = [0, 128], sizes = [4096, 128], strides = [1, 1]} : vector<4096x512xf32> to vector<4096x128xf32>
    %add3A_578 = vector.broadcast %get3A_8 : vector<4096x1xf32> to vector<4096x128xf32>
    %add3A_579 = arith.addf %add3A_578, %slice3A_577 : vector<4096x128xf32>
    %slice3A_580 = vector.extract_strided_slice %get3A_13 {offsets = [3712], sizes = [128], strides = [1]} : vector<8192xf32> to vector<128xf32>
    %broadcast_in_dim3A_581 = vector.shape_cast %slice3A_580 : vector<128xf32> to vector<1x128xf32>
    %add3A_582 = vector.broadcast %broadcast_in_dim3A_581 : vector<1x128xf32> to vector<4096x128xf32>
    %add3A_583 = arith.addf %add3A_579, %add3A_582 : vector<4096x128xf32>
    %lt3A_584 = arith.cmpf olt, %add3A_583, %select_n3A_567 : vector<4096x128xf32>
    %select_n3A_585 = arith.select %lt3A_584, %add3A_583, %select_n3A_567 : vector<4096x128xi1>, vector<4096x128xf32>
    %mul3A_586 = arith.constant 64 : i32
    %mul3A_587 = arith.muli %arg1, %mul3A_586 : i32
    %add3A_588 = arith.constant 29 : i32
    %add3A_589 = arith.addi %mul3A_587, %add3A_588 : i32
    %broadcast_in_dim3A_590 = vector.broadcast %add3A_589 : i32 to vector<4096x128xi32>
    %select_n3A_591 = arith.select %lt3A_584, %broadcast_in_dim3A_590, %select_n3A_573 : vector<4096x128xi1>, vector<4096x128xi32>
    %reduce_min3A_592 = arith.constant dense<0x7F800000> : vector<128xf32>
    %reduce_min3A_593 = vector.multi_reduction <minimumf>, %add3A_583, %reduce_min3A_592 [0] : vector<4096x128xf32> to vector<128xf32>
    %broadcast_in_dim3A_594 = vector.shape_cast %reduce_min3A_593 : vector<128xf32> to vector<1x128xf32>
    %slice3A_595 = vector.extract_strided_slice %dot_general3A_558 {offsets = [0, 256], sizes = [4096, 128], strides = [1, 1]} : vector<4096x512xf32> to vector<4096x128xf32>
    %add3A_596 = vector.broadcast %get3A_8 : vector<4096x1xf32> to vector<4096x128xf32>
    %add3A_597 = arith.addf %add3A_596, %slice3A_595 : vector<4096x128xf32>
    %slice3A_598 = vector.extract_strided_slice %get3A_13 {offsets = [3840], sizes = [128], strides = [1]} : vector<8192xf32> to vector<128xf32>
    %broadcast_in_dim3A_599 = vector.shape_cast %slice3A_598 : vector<128xf32> to vector<1x128xf32>
    %add3A_600 = vector.broadcast %broadcast_in_dim3A_599 : vector<1x128xf32> to vector<4096x128xf32>
    %add3A_601 = arith.addf %add3A_597, %add3A_600 : vector<4096x128xf32>
    %lt3A_602 = arith.cmpf olt, %add3A_601, %select_n3A_585 : vector<4096x128xf32>
    %select_n3A_603 = arith.select %lt3A_602, %add3A_601, %select_n3A_585 : vector<4096x128xi1>, vector<4096x128xf32>
    %mul3A_604 = arith.constant 64 : i32
    %mul3A_605 = arith.muli %arg1, %mul3A_604 : i32
    %add3A_606 = arith.constant 30 : i32
    %add3A_607 = arith.addi %mul3A_605, %add3A_606 : i32
    %broadcast_in_dim3A_608 = vector.broadcast %add3A_607 : i32 to vector<4096x128xi32>
    %select_n3A_609 = arith.select %lt3A_602, %broadcast_in_dim3A_608, %select_n3A_591 : vector<4096x128xi1>, vector<4096x128xi32>
    %reduce_min3A_610 = arith.constant dense<0x7F800000> : vector<128xf32>
    %reduce_min3A_611 = vector.multi_reduction <minimumf>, %add3A_601, %reduce_min3A_610 [0] : vector<4096x128xf32> to vector<128xf32>
    %broadcast_in_dim3A_612 = vector.shape_cast %reduce_min3A_611 : vector<128xf32> to vector<1x128xf32>
    %slice3A_613 = vector.extract_strided_slice %dot_general3A_558 {offsets = [0, 384], sizes = [4096, 128], strides = [1, 1]} : vector<4096x512xf32> to vector<4096x128xf32>
    %add3A_614 = vector.broadcast %get3A_8 : vector<4096x1xf32> to vector<4096x128xf32>
    %add3A_615 = arith.addf %add3A_614, %slice3A_613 : vector<4096x128xf32>
    %slice3A_616 = vector.extract_strided_slice %get3A_13 {offsets = [3968], sizes = [128], strides = [1]} : vector<8192xf32> to vector<128xf32>
    %broadcast_in_dim3A_617 = vector.shape_cast %slice3A_616 : vector<128xf32> to vector<1x128xf32>
    %add3A_618 = vector.broadcast %broadcast_in_dim3A_617 : vector<1x128xf32> to vector<4096x128xf32>
    %add3A_619 = arith.addf %add3A_615, %add3A_618 : vector<4096x128xf32>
    %lt3A_620 = arith.cmpf olt, %add3A_619, %select_n3A_603 : vector<4096x128xf32>
    %select_n3A_621 = arith.select %lt3A_620, %add3A_619, %select_n3A_603 : vector<4096x128xi1>, vector<4096x128xf32>
    %mul3A_622 = arith.constant 64 : i32
    %mul3A_623 = arith.muli %arg1, %mul3A_622 : i32
    %add3A_624 = arith.constant 31 : i32
    %add3A_625 = arith.addi %mul3A_623, %add3A_624 : i32
    %broadcast_in_dim3A_626 = vector.broadcast %add3A_625 : i32 to vector<4096x128xi32>
    %select_n3A_627 = arith.select %lt3A_620, %broadcast_in_dim3A_626, %select_n3A_609 : vector<4096x128xi1>, vector<4096x128xi32>
    %reduce_min3A_628 = arith.constant dense<0x7F800000> : vector<128xf32>
    %reduce_min3A_629 = vector.multi_reduction <minimumf>, %add3A_619, %reduce_min3A_628 [0] : vector<4096x128xf32> to vector<128xf32>
    %broadcast_in_dim3A_630 = vector.shape_cast %reduce_min3A_629 : vector<128xf32> to vector<1x128xf32>
    %get3A_631 = arith.constant 4096 : index
    %get3A_632 = arith.constant 0 : index
    %get3A_633 = vector.load %arg6[%get3A_631, %get3A_632] : memref<8192x256xf32, #tpu.memory_space<vmem>>, vector<512x256xf32>
    %dot_general3A_634 = arith.constant dense<0.000000e+00> : vector<4096x512xf32>
    %dot_general3A_635 = tpu.matmul %mul3A_3, %get3A_633, %dot_general3A_634 {dimension_numbers = #tpu.dot_dimension_numbers<[1], [1], [0], [0], [0, 0, 1, 0], [], []>, transpose_lhs_hint = false} : vector<4096x256xf32>, vector<512x256xf32>, vector<4096x512xf32> -> vector<4096x512xf32>
    %slice3A_636 = vector.extract_strided_slice %dot_general3A_635 {offsets = [0, 0], sizes = [4096, 128], strides = [1, 1]} : vector<4096x512xf32> to vector<4096x128xf32>
    %add3A_637 = vector.broadcast %get3A_8 : vector<4096x1xf32> to vector<4096x128xf32>
    %add3A_638 = arith.addf %add3A_637, %slice3A_636 : vector<4096x128xf32>
    %slice3A_639 = vector.extract_strided_slice %get3A_13 {offsets = [4096], sizes = [128], strides = [1]} : vector<8192xf32> to vector<128xf32>
    %broadcast_in_dim3A_640 = vector.shape_cast %slice3A_639 : vector<128xf32> to vector<1x128xf32>
    %add3A_641 = vector.broadcast %broadcast_in_dim3A_640 : vector<1x128xf32> to vector<4096x128xf32>
    %add3A_642 = arith.addf %add3A_638, %add3A_641 : vector<4096x128xf32>
    %lt3A_643 = arith.cmpf olt, %add3A_642, %select_n3A_621 : vector<4096x128xf32>
    %select_n3A_644 = arith.select %lt3A_643, %add3A_642, %select_n3A_621 : vector<4096x128xi1>, vector<4096x128xf32>
    %mul3A_645 = arith.constant 64 : i32
    %mul3A_646 = arith.muli %arg1, %mul3A_645 : i32
    %add3A_647 = arith.constant 32 : i32
    %add3A_648 = arith.addi %mul3A_646, %add3A_647 : i32
    %broadcast_in_dim3A_649 = vector.broadcast %add3A_648 : i32 to vector<4096x128xi32>
    %select_n3A_650 = arith.select %lt3A_643, %broadcast_in_dim3A_649, %select_n3A_627 : vector<4096x128xi1>, vector<4096x128xi32>
    %reduce_min3A_651 = arith.constant dense<0x7F800000> : vector<128xf32>
    %reduce_min3A_652 = vector.multi_reduction <minimumf>, %add3A_642, %reduce_min3A_651 [0] : vector<4096x128xf32> to vector<128xf32>
    %broadcast_in_dim3A_653 = vector.shape_cast %reduce_min3A_652 : vector<128xf32> to vector<1x128xf32>
    %slice3A_654 = vector.extract_strided_slice %dot_general3A_635 {offsets = [0, 128], sizes = [4096, 128], strides = [1, 1]} : vector<4096x512xf32> to vector<4096x128xf32>
    %add3A_655 = vector.broadcast %get3A_8 : vector<4096x1xf32> to vector<4096x128xf32>
    %add3A_656 = arith.addf %add3A_655, %slice3A_654 : vector<4096x128xf32>
    %slice3A_657 = vector.extract_strided_slice %get3A_13 {offsets = [4224], sizes = [128], strides = [1]} : vector<8192xf32> to vector<128xf32>
    %broadcast_in_dim3A_658 = vector.shape_cast %slice3A_657 : vector<128xf32> to vector<1x128xf32>
    %add3A_659 = vector.broadcast %broadcast_in_dim3A_658 : vector<1x128xf32> to vector<4096x128xf32>
    %add3A_660 = arith.addf %add3A_656, %add3A_659 : vector<4096x128xf32>
    %lt3A_661 = arith.cmpf olt, %add3A_660, %select_n3A_644 : vector<4096x128xf32>
    %select_n3A_662 = arith.select %lt3A_661, %add3A_660, %select_n3A_644 : vector<4096x128xi1>, vector<4096x128xf32>
    %mul3A_663 = arith.constant 64 : i32
    %mul3A_664 = arith.muli %arg1, %mul3A_663 : i32
    %add3A_665 = arith.constant 33 : i32
    %add3A_666 = arith.addi %mul3A_664, %add3A_665 : i32
    %broadcast_in_dim3A_667 = vector.broadcast %add3A_666 : i32 to vector<4096x128xi32>
    %select_n3A_668 = arith.select %lt3A_661, %broadcast_in_dim3A_667, %select_n3A_650 : vector<4096x128xi1>, vector<4096x128xi32>
    %reduce_min3A_669 = arith.constant dense<0x7F800000> : vector<128xf32>
    %reduce_min3A_670 = vector.multi_reduction <minimumf>, %add3A_660, %reduce_min3A_669 [0] : vector<4096x128xf32> to vector<128xf32>
    %broadcast_in_dim3A_671 = vector.shape_cast %reduce_min3A_670 : vector<128xf32> to vector<1x128xf32>
    %slice3A_672 = vector.extract_strided_slice %dot_general3A_635 {offsets = [0, 256], sizes = [4096, 128], strides = [1, 1]} : vector<4096x512xf32> to vector<4096x128xf32>
    %add3A_673 = vector.broadcast %get3A_8 : vector<4096x1xf32> to vector<4096x128xf32>
    %add3A_674 = arith.addf %add3A_673, %slice3A_672 : vector<4096x128xf32>
    %slice3A_675 = vector.extract_strided_slice %get3A_13 {offsets = [4352], sizes = [128], strides = [1]} : vector<8192xf32> to vector<128xf32>
    %broadcast_in_dim3A_676 = vector.shape_cast %slice3A_675 : vector<128xf32> to vector<1x128xf32>
    %add3A_677 = vector.broadcast %broadcast_in_dim3A_676 : vector<1x128xf32> to vector<4096x128xf32>
    %add3A_678 = arith.addf %add3A_674, %add3A_677 : vector<4096x128xf32>
    %lt3A_679 = arith.cmpf olt, %add3A_678, %select_n3A_662 : vector<4096x128xf32>
    %select_n3A_680 = arith.select %lt3A_679, %add3A_678, %select_n3A_662 : vector<4096x128xi1>, vector<4096x128xf32>
    %mul3A_681 = arith.constant 64 : i32
    %mul3A_682 = arith.muli %arg1, %mul3A_681 : i32
    %add3A_683 = arith.constant 34 : i32
    %add3A_684 = arith.addi %mul3A_682, %add3A_683 : i32
    %broadcast_in_dim3A_685 = vector.broadcast %add3A_684 : i32 to vector<4096x128xi32>
    %select_n3A_686 = arith.select %lt3A_679, %broadcast_in_dim3A_685, %select_n3A_668 : vector<4096x128xi1>, vector<4096x128xi32>
    %reduce_min3A_687 = arith.constant dense<0x7F800000> : vector<128xf32>
    %reduce_min3A_688 = vector.multi_reduction <minimumf>, %add3A_678, %reduce_min3A_687 [0] : vector<4096x128xf32> to vector<128xf32>
    %broadcast_in_dim3A_689 = vector.shape_cast %reduce_min3A_688 : vector<128xf32> to vector<1x128xf32>
    %slice3A_690 = vector.extract_strided_slice %dot_general3A_635 {offsets = [0, 384], sizes = [4096, 128], strides = [1, 1]} : vector<4096x512xf32> to vector<4096x128xf32>
    %add3A_691 = vector.broadcast %get3A_8 : vector<4096x1xf32> to vector<4096x128xf32>
    %add3A_692 = arith.addf %add3A_691, %slice3A_690 : vector<4096x128xf32>
    %slice3A_693 = vector.extract_strided_slice %get3A_13 {offsets = [4480], sizes = [128], strides = [1]} : vector<8192xf32> to vector<128xf32>
    %broadcast_in_dim3A_694 = vector.shape_cast %slice3A_693 : vector<128xf32> to vector<1x128xf32>
    %add3A_695 = vector.broadcast %broadcast_in_dim3A_694 : vector<1x128xf32> to vector<4096x128xf32>
    %add3A_696 = arith.addf %add3A_692, %add3A_695 : vector<4096x128xf32>
    %lt3A_697 = arith.cmpf olt, %add3A_696, %select_n3A_680 : vector<4096x128xf32>
    %select_n3A_698 = arith.select %lt3A_697, %add3A_696, %select_n3A_680 : vector<4096x128xi1>, vector<4096x128xf32>
    %mul3A_699 = arith.constant 64 : i32
    %mul3A_700 = arith.muli %arg1, %mul3A_699 : i32
    %add3A_701 = arith.constant 35 : i32
    %add3A_702 = arith.addi %mul3A_700, %add3A_701 : i32
    %broadcast_in_dim3A_703 = vector.broadcast %add3A_702 : i32 to vector<4096x128xi32>
    %select_n3A_704 = arith.select %lt3A_697, %broadcast_in_dim3A_703, %select_n3A_686 : vector<4096x128xi1>, vector<4096x128xi32>
    %reduce_min3A_705 = arith.constant dense<0x7F800000> : vector<128xf32>
    %reduce_min3A_706 = vector.multi_reduction <minimumf>, %add3A_696, %reduce_min3A_705 [0] : vector<4096x128xf32> to vector<128xf32>
    %broadcast_in_dim3A_707 = vector.shape_cast %reduce_min3A_706 : vector<128xf32> to vector<1x128xf32>
    %get3A_708 = arith.constant 4608 : index
    %get3A_709 = arith.constant 0 : index
    %get3A_710 = vector.load %arg6[%get3A_708, %get3A_709] : memref<8192x256xf32, #tpu.memory_space<vmem>>, vector<512x256xf32>
    %dot_general3A_711 = arith.constant dense<0.000000e+00> : vector<4096x512xf32>
    %dot_general3A_712 = tpu.matmul %mul3A_3, %get3A_710, %dot_general3A_711 {dimension_numbers = #tpu.dot_dimension_numbers<[1], [1], [0], [0], [0, 0, 1, 0], [], []>, transpose_lhs_hint = false} : vector<4096x256xf32>, vector<512x256xf32>, vector<4096x512xf32> -> vector<4096x512xf32>
    %slice3A_713 = vector.extract_strided_slice %dot_general3A_712 {offsets = [0, 0], sizes = [4096, 128], strides = [1, 1]} : vector<4096x512xf32> to vector<4096x128xf32>
    %add3A_714 = vector.broadcast %get3A_8 : vector<4096x1xf32> to vector<4096x128xf32>
    %add3A_715 = arith.addf %add3A_714, %slice3A_713 : vector<4096x128xf32>
    %slice3A_716 = vector.extract_strided_slice %get3A_13 {offsets = [4608], sizes = [128], strides = [1]} : vector<8192xf32> to vector<128xf32>
    %broadcast_in_dim3A_717 = vector.shape_cast %slice3A_716 : vector<128xf32> to vector<1x128xf32>
    %add3A_718 = vector.broadcast %broadcast_in_dim3A_717 : vector<1x128xf32> to vector<4096x128xf32>
    %add3A_719 = arith.addf %add3A_715, %add3A_718 : vector<4096x128xf32>
    %lt3A_720 = arith.cmpf olt, %add3A_719, %select_n3A_698 : vector<4096x128xf32>
    %select_n3A_721 = arith.select %lt3A_720, %add3A_719, %select_n3A_698 : vector<4096x128xi1>, vector<4096x128xf32>
    %mul3A_722 = arith.constant 64 : i32
    %mul3A_723 = arith.muli %arg1, %mul3A_722 : i32
    %add3A_724 = arith.constant 36 : i32
    %add3A_725 = arith.addi %mul3A_723, %add3A_724 : i32
    %broadcast_in_dim3A_726 = vector.broadcast %add3A_725 : i32 to vector<4096x128xi32>
    %select_n3A_727 = arith.select %lt3A_720, %broadcast_in_dim3A_726, %select_n3A_704 : vector<4096x128xi1>, vector<4096x128xi32>
    %reduce_min3A_728 = arith.constant dense<0x7F800000> : vector<128xf32>
    %reduce_min3A_729 = vector.multi_reduction <minimumf>, %add3A_719, %reduce_min3A_728 [0] : vector<4096x128xf32> to vector<128xf32>
    %broadcast_in_dim3A_730 = vector.shape_cast %reduce_min3A_729 : vector<128xf32> to vector<1x128xf32>
    %slice3A_731 = vector.extract_strided_slice %dot_general3A_712 {offsets = [0, 128], sizes = [4096, 128], strides = [1, 1]} : vector<4096x512xf32> to vector<4096x128xf32>
    %add3A_732 = vector.broadcast %get3A_8 : vector<4096x1xf32> to vector<4096x128xf32>
    %add3A_733 = arith.addf %add3A_732, %slice3A_731 : vector<4096x128xf32>
    %slice3A_734 = vector.extract_strided_slice %get3A_13 {offsets = [4736], sizes = [128], strides = [1]} : vector<8192xf32> to vector<128xf32>
    %broadcast_in_dim3A_735 = vector.shape_cast %slice3A_734 : vector<128xf32> to vector<1x128xf32>
    %add3A_736 = vector.broadcast %broadcast_in_dim3A_735 : vector<1x128xf32> to vector<4096x128xf32>
    %add3A_737 = arith.addf %add3A_733, %add3A_736 : vector<4096x128xf32>
    %lt3A_738 = arith.cmpf olt, %add3A_737, %select_n3A_721 : vector<4096x128xf32>
    %select_n3A_739 = arith.select %lt3A_738, %add3A_737, %select_n3A_721 : vector<4096x128xi1>, vector<4096x128xf32>
    %mul3A_740 = arith.constant 64 : i32
    %mul3A_741 = arith.muli %arg1, %mul3A_740 : i32
    %add3A_742 = arith.constant 37 : i32
    %add3A_743 = arith.addi %mul3A_741, %add3A_742 : i32
    %broadcast_in_dim3A_744 = vector.broadcast %add3A_743 : i32 to vector<4096x128xi32>
    %select_n3A_745 = arith.select %lt3A_738, %broadcast_in_dim3A_744, %select_n3A_727 : vector<4096x128xi1>, vector<4096x128xi32>
    %reduce_min3A_746 = arith.constant dense<0x7F800000> : vector<128xf32>
    %reduce_min3A_747 = vector.multi_reduction <minimumf>, %add3A_737, %reduce_min3A_746 [0] : vector<4096x128xf32> to vector<128xf32>
    %broadcast_in_dim3A_748 = vector.shape_cast %reduce_min3A_747 : vector<128xf32> to vector<1x128xf32>
    %slice3A_749 = vector.extract_strided_slice %dot_general3A_712 {offsets = [0, 256], sizes = [4096, 128], strides = [1, 1]} : vector<4096x512xf32> to vector<4096x128xf32>
    %add3A_750 = vector.broadcast %get3A_8 : vector<4096x1xf32> to vector<4096x128xf32>
    %add3A_751 = arith.addf %add3A_750, %slice3A_749 : vector<4096x128xf32>
    %slice3A_752 = vector.extract_strided_slice %get3A_13 {offsets = [4864], sizes = [128], strides = [1]} : vector<8192xf32> to vector<128xf32>
    %broadcast_in_dim3A_753 = vector.shape_cast %slice3A_752 : vector<128xf32> to vector<1x128xf32>
    %add3A_754 = vector.broadcast %broadcast_in_dim3A_753 : vector<1x128xf32> to vector<4096x128xf32>
    %add3A_755 = arith.addf %add3A_751, %add3A_754 : vector<4096x128xf32>
    %lt3A_756 = arith.cmpf olt, %add3A_755, %select_n3A_739 : vector<4096x128xf32>
    %select_n3A_757 = arith.select %lt3A_756, %add3A_755, %select_n3A_739 : vector<4096x128xi1>, vector<4096x128xf32>
    %mul3A_758 = arith.constant 64 : i32
    %mul3A_759 = arith.muli %arg1, %mul3A_758 : i32
    %add3A_760 = arith.constant 38 : i32
    %add3A_761 = arith.addi %mul3A_759, %add3A_760 : i32
    %broadcast_in_dim3A_762 = vector.broadcast %add3A_761 : i32 to vector<4096x128xi32>
    %select_n3A_763 = arith.select %lt3A_756, %broadcast_in_dim3A_762, %select_n3A_745 : vector<4096x128xi1>, vector<4096x128xi32>
    %reduce_min3A_764 = arith.constant dense<0x7F800000> : vector<128xf32>
    %reduce_min3A_765 = vector.multi_reduction <minimumf>, %add3A_755, %reduce_min3A_764 [0] : vector<4096x128xf32> to vector<128xf32>
    %broadcast_in_dim3A_766 = vector.shape_cast %reduce_min3A_765 : vector<128xf32> to vector<1x128xf32>
    %slice3A_767 = vector.extract_strided_slice %dot_general3A_712 {offsets = [0, 384], sizes = [4096, 128], strides = [1, 1]} : vector<4096x512xf32> to vector<4096x128xf32>
    %add3A_768 = vector.broadcast %get3A_8 : vector<4096x1xf32> to vector<4096x128xf32>
    %add3A_769 = arith.addf %add3A_768, %slice3A_767 : vector<4096x128xf32>
    %slice3A_770 = vector.extract_strided_slice %get3A_13 {offsets = [4992], sizes = [128], strides = [1]} : vector<8192xf32> to vector<128xf32>
    %broadcast_in_dim3A_771 = vector.shape_cast %slice3A_770 : vector<128xf32> to vector<1x128xf32>
    %add3A_772 = vector.broadcast %broadcast_in_dim3A_771 : vector<1x128xf32> to vector<4096x128xf32>
    %add3A_773 = arith.addf %add3A_769, %add3A_772 : vector<4096x128xf32>
    %lt3A_774 = arith.cmpf olt, %add3A_773, %select_n3A_757 : vector<4096x128xf32>
    %select_n3A_775 = arith.select %lt3A_774, %add3A_773, %select_n3A_757 : vector<4096x128xi1>, vector<4096x128xf32>
    %mul3A_776 = arith.constant 64 : i32
    %mul3A_777 = arith.muli %arg1, %mul3A_776 : i32
    %add3A_778 = arith.constant 39 : i32
    %add3A_779 = arith.addi %mul3A_777, %add3A_778 : i32
    %broadcast_in_dim3A_780 = vector.broadcast %add3A_779 : i32 to vector<4096x128xi32>
    %select_n3A_781 = arith.select %lt3A_774, %broadcast_in_dim3A_780, %select_n3A_763 : vector<4096x128xi1>, vector<4096x128xi32>
    %reduce_min3A_782 = arith.constant dense<0x7F800000> : vector<128xf32>
    %reduce_min3A_783 = vector.multi_reduction <minimumf>, %add3A_773, %reduce_min3A_782 [0] : vector<4096x128xf32> to vector<128xf32>
    %broadcast_in_dim3A_784 = vector.shape_cast %reduce_min3A_783 : vector<128xf32> to vector<1x128xf32>
    %get3A_785 = arith.constant 5120 : index
    %get3A_786 = arith.constant 0 : index
    %get3A_787 = vector.load %arg6[%get3A_785, %get3A_786] : memref<8192x256xf32, #tpu.memory_space<vmem>>, vector<512x256xf32>
    %dot_general3A_788 = arith.constant dense<0.000000e+00> : vector<4096x512xf32>
    %dot_general3A_789 = tpu.matmul %mul3A_3, %get3A_787, %dot_general3A_788 {dimension_numbers = #tpu.dot_dimension_numbers<[1], [1], [0], [0], [0, 0, 1, 0], [], []>, transpose_lhs_hint = false} : vector<4096x256xf32>, vector<512x256xf32>, vector<4096x512xf32> -> vector<4096x512xf32>
    %slice3A_790 = vector.extract_strided_slice %dot_general3A_789 {offsets = [0, 0], sizes = [4096, 128], strides = [1, 1]} : vector<4096x512xf32> to vector<4096x128xf32>
    %add3A_791 = vector.broadcast %get3A_8 : vector<4096x1xf32> to vector<4096x128xf32>
    %add3A_792 = arith.addf %add3A_791, %slice3A_790 : vector<4096x128xf32>
    %slice3A_793 = vector.extract_strided_slice %get3A_13 {offsets = [5120], sizes = [128], strides = [1]} : vector<8192xf32> to vector<128xf32>
    %broadcast_in_dim3A_794 = vector.shape_cast %slice3A_793 : vector<128xf32> to vector<1x128xf32>
    %add3A_795 = vector.broadcast %broadcast_in_dim3A_794 : vector<1x128xf32> to vector<4096x128xf32>
    %add3A_796 = arith.addf %add3A_792, %add3A_795 : vector<4096x128xf32>
    %lt3A_797 = arith.cmpf olt, %add3A_796, %select_n3A_775 : vector<4096x128xf32>
    %select_n3A_798 = arith.select %lt3A_797, %add3A_796, %select_n3A_775 : vector<4096x128xi1>, vector<4096x128xf32>
    %mul3A_799 = arith.constant 64 : i32
    %mul3A_800 = arith.muli %arg1, %mul3A_799 : i32
    %add3A_801 = arith.constant 40 : i32
    %add3A_802 = arith.addi %mul3A_800, %add3A_801 : i32
    %broadcast_in_dim3A_803 = vector.broadcast %add3A_802 : i32 to vector<4096x128xi32>
    %select_n3A_804 = arith.select %lt3A_797, %broadcast_in_dim3A_803, %select_n3A_781 : vector<4096x128xi1>, vector<4096x128xi32>
    %reduce_min3A_805 = arith.constant dense<0x7F800000> : vector<128xf32>
    %reduce_min3A_806 = vector.multi_reduction <minimumf>, %add3A_796, %reduce_min3A_805 [0] : vector<4096x128xf32> to vector<128xf32>
    %broadcast_in_dim3A_807 = vector.shape_cast %reduce_min3A_806 : vector<128xf32> to vector<1x128xf32>
    %slice3A_808 = vector.extract_strided_slice %dot_general3A_789 {offsets = [0, 128], sizes = [4096, 128], strides = [1, 1]} : vector<4096x512xf32> to vector<4096x128xf32>
    %add3A_809 = vector.broadcast %get3A_8 : vector<4096x1xf32> to vector<4096x128xf32>
    %add3A_810 = arith.addf %add3A_809, %slice3A_808 : vector<4096x128xf32>
    %slice3A_811 = vector.extract_strided_slice %get3A_13 {offsets = [5248], sizes = [128], strides = [1]} : vector<8192xf32> to vector<128xf32>
    %broadcast_in_dim3A_812 = vector.shape_cast %slice3A_811 : vector<128xf32> to vector<1x128xf32>
    %add3A_813 = vector.broadcast %broadcast_in_dim3A_812 : vector<1x128xf32> to vector<4096x128xf32>
    %add3A_814 = arith.addf %add3A_810, %add3A_813 : vector<4096x128xf32>
    %lt3A_815 = arith.cmpf olt, %add3A_814, %select_n3A_798 : vector<4096x128xf32>
    %select_n3A_816 = arith.select %lt3A_815, %add3A_814, %select_n3A_798 : vector<4096x128xi1>, vector<4096x128xf32>
    %mul3A_817 = arith.constant 64 : i32
    %mul3A_818 = arith.muli %arg1, %mul3A_817 : i32
    %add3A_819 = arith.constant 41 : i32
    %add3A_820 = arith.addi %mul3A_818, %add3A_819 : i32
    %broadcast_in_dim3A_821 = vector.broadcast %add3A_820 : i32 to vector<4096x128xi32>
    %select_n3A_822 = arith.select %lt3A_815, %broadcast_in_dim3A_821, %select_n3A_804 : vector<4096x128xi1>, vector<4096x128xi32>
    %reduce_min3A_823 = arith.constant dense<0x7F800000> : vector<128xf32>
    %reduce_min3A_824 = vector.multi_reduction <minimumf>, %add3A_814, %reduce_min3A_823 [0] : vector<4096x128xf32> to vector<128xf32>
    %broadcast_in_dim3A_825 = vector.shape_cast %reduce_min3A_824 : vector<128xf32> to vector<1x128xf32>
    %slice3A_826 = vector.extract_strided_slice %dot_general3A_789 {offsets = [0, 256], sizes = [4096, 128], strides = [1, 1]} : vector<4096x512xf32> to vector<4096x128xf32>
    %add3A_827 = vector.broadcast %get3A_8 : vector<4096x1xf32> to vector<4096x128xf32>
    %add3A_828 = arith.addf %add3A_827, %slice3A_826 : vector<4096x128xf32>
    %slice3A_829 = vector.extract_strided_slice %get3A_13 {offsets = [5376], sizes = [128], strides = [1]} : vector<8192xf32> to vector<128xf32>
    %broadcast_in_dim3A_830 = vector.shape_cast %slice3A_829 : vector<128xf32> to vector<1x128xf32>
    %add3A_831 = vector.broadcast %broadcast_in_dim3A_830 : vector<1x128xf32> to vector<4096x128xf32>
    %add3A_832 = arith.addf %add3A_828, %add3A_831 : vector<4096x128xf32>
    %lt3A_833 = arith.cmpf olt, %add3A_832, %select_n3A_816 : vector<4096x128xf32>
    %select_n3A_834 = arith.select %lt3A_833, %add3A_832, %select_n3A_816 : vector<4096x128xi1>, vector<4096x128xf32>
    %mul3A_835 = arith.constant 64 : i32
    %mul3A_836 = arith.muli %arg1, %mul3A_835 : i32
    %add3A_837 = arith.constant 42 : i32
    %add3A_838 = arith.addi %mul3A_836, %add3A_837 : i32
    %broadcast_in_dim3A_839 = vector.broadcast %add3A_838 : i32 to vector<4096x128xi32>
    %select_n3A_840 = arith.select %lt3A_833, %broadcast_in_dim3A_839, %select_n3A_822 : vector<4096x128xi1>, vector<4096x128xi32>
    %reduce_min3A_841 = arith.constant dense<0x7F800000> : vector<128xf32>
    %reduce_min3A_842 = vector.multi_reduction <minimumf>, %add3A_832, %reduce_min3A_841 [0] : vector<4096x128xf32> to vector<128xf32>
    %broadcast_in_dim3A_843 = vector.shape_cast %reduce_min3A_842 : vector<128xf32> to vector<1x128xf32>
    %slice3A_844 = vector.extract_strided_slice %dot_general3A_789 {offsets = [0, 384], sizes = [4096, 128], strides = [1, 1]} : vector<4096x512xf32> to vector<4096x128xf32>
    %add3A_845 = vector.broadcast %get3A_8 : vector<4096x1xf32> to vector<4096x128xf32>
    %add3A_846 = arith.addf %add3A_845, %slice3A_844 : vector<4096x128xf32>
    %slice3A_847 = vector.extract_strided_slice %get3A_13 {offsets = [5504], sizes = [128], strides = [1]} : vector<8192xf32> to vector<128xf32>
    %broadcast_in_dim3A_848 = vector.shape_cast %slice3A_847 : vector<128xf32> to vector<1x128xf32>
    %add3A_849 = vector.broadcast %broadcast_in_dim3A_848 : vector<1x128xf32> to vector<4096x128xf32>
    %add3A_850 = arith.addf %add3A_846, %add3A_849 : vector<4096x128xf32>
    %lt3A_851 = arith.cmpf olt, %add3A_850, %select_n3A_834 : vector<4096x128xf32>
    %select_n3A_852 = arith.select %lt3A_851, %add3A_850, %select_n3A_834 : vector<4096x128xi1>, vector<4096x128xf32>
    %mul3A_853 = arith.constant 64 : i32
    %mul3A_854 = arith.muli %arg1, %mul3A_853 : i32
    %add3A_855 = arith.constant 43 : i32
    %add3A_856 = arith.addi %mul3A_854, %add3A_855 : i32
    %broadcast_in_dim3A_857 = vector.broadcast %add3A_856 : i32 to vector<4096x128xi32>
    %select_n3A_858 = arith.select %lt3A_851, %broadcast_in_dim3A_857, %select_n3A_840 : vector<4096x128xi1>, vector<4096x128xi32>
    %reduce_min3A_859 = arith.constant dense<0x7F800000> : vector<128xf32>
    %reduce_min3A_860 = vector.multi_reduction <minimumf>, %add3A_850, %reduce_min3A_859 [0] : vector<4096x128xf32> to vector<128xf32>
    %broadcast_in_dim3A_861 = vector.shape_cast %reduce_min3A_860 : vector<128xf32> to vector<1x128xf32>
    %get3A_862 = arith.constant 5632 : index
    %get3A_863 = arith.constant 0 : index
    %get3A_864 = vector.load %arg6[%get3A_862, %get3A_863] : memref<8192x256xf32, #tpu.memory_space<vmem>>, vector<512x256xf32>
    %dot_general3A_865 = arith.constant dense<0.000000e+00> : vector<4096x512xf32>
    %dot_general3A_866 = tpu.matmul %mul3A_3, %get3A_864, %dot_general3A_865 {dimension_numbers = #tpu.dot_dimension_numbers<[1], [1], [0], [0], [0, 0, 1, 0], [], []>, transpose_lhs_hint = false} : vector<4096x256xf32>, vector<512x256xf32>, vector<4096x512xf32> -> vector<4096x512xf32>
    %slice3A_867 = vector.extract_strided_slice %dot_general3A_866 {offsets = [0, 0], sizes = [4096, 128], strides = [1, 1]} : vector<4096x512xf32> to vector<4096x128xf32>
    %add3A_868 = vector.broadcast %get3A_8 : vector<4096x1xf32> to vector<4096x128xf32>
    %add3A_869 = arith.addf %add3A_868, %slice3A_867 : vector<4096x128xf32>
    %slice3A_870 = vector.extract_strided_slice %get3A_13 {offsets = [5632], sizes = [128], strides = [1]} : vector<8192xf32> to vector<128xf32>
    %broadcast_in_dim3A_871 = vector.shape_cast %slice3A_870 : vector<128xf32> to vector<1x128xf32>
    %add3A_872 = vector.broadcast %broadcast_in_dim3A_871 : vector<1x128xf32> to vector<4096x128xf32>
    %add3A_873 = arith.addf %add3A_869, %add3A_872 : vector<4096x128xf32>
    %lt3A_874 = arith.cmpf olt, %add3A_873, %select_n3A_852 : vector<4096x128xf32>
    %select_n3A_875 = arith.select %lt3A_874, %add3A_873, %select_n3A_852 : vector<4096x128xi1>, vector<4096x128xf32>
    %mul3A_876 = arith.constant 64 : i32
    %mul3A_877 = arith.muli %arg1, %mul3A_876 : i32
    %add3A_878 = arith.constant 44 : i32
    %add3A_879 = arith.addi %mul3A_877, %add3A_878 : i32
    %broadcast_in_dim3A_880 = vector.broadcast %add3A_879 : i32 to vector<4096x128xi32>
    %select_n3A_881 = arith.select %lt3A_874, %broadcast_in_dim3A_880, %select_n3A_858 : vector<4096x128xi1>, vector<4096x128xi32>
    %reduce_min3A_882 = arith.constant dense<0x7F800000> : vector<128xf32>
    %reduce_min3A_883 = vector.multi_reduction <minimumf>, %add3A_873, %reduce_min3A_882 [0] : vector<4096x128xf32> to vector<128xf32>
    %broadcast_in_dim3A_884 = vector.shape_cast %reduce_min3A_883 : vector<128xf32> to vector<1x128xf32>
    %slice3A_885 = vector.extract_strided_slice %dot_general3A_866 {offsets = [0, 128], sizes = [4096, 128], strides = [1, 1]} : vector<4096x512xf32> to vector<4096x128xf32>
    %add3A_886 = vector.broadcast %get3A_8 : vector<4096x1xf32> to vector<4096x128xf32>
    %add3A_887 = arith.addf %add3A_886, %slice3A_885 : vector<4096x128xf32>
    %slice3A_888 = vector.extract_strided_slice %get3A_13 {offsets = [5760], sizes = [128], strides = [1]} : vector<8192xf32> to vector<128xf32>
    %broadcast_in_dim3A_889 = vector.shape_cast %slice3A_888 : vector<128xf32> to vector<1x128xf32>
    %add3A_890 = vector.broadcast %broadcast_in_dim3A_889 : vector<1x128xf32> to vector<4096x128xf32>
    %add3A_891 = arith.addf %add3A_887, %add3A_890 : vector<4096x128xf32>
    %lt3A_892 = arith.cmpf olt, %add3A_891, %select_n3A_875 : vector<4096x128xf32>
    %select_n3A_893 = arith.select %lt3A_892, %add3A_891, %select_n3A_875 : vector<4096x128xi1>, vector<4096x128xf32>
    %mul3A_894 = arith.constant 64 : i32
    %mul3A_895 = arith.muli %arg1, %mul3A_894 : i32
    %add3A_896 = arith.constant 45 : i32
    %add3A_897 = arith.addi %mul3A_895, %add3A_896 : i32
    %broadcast_in_dim3A_898 = vector.broadcast %add3A_897 : i32 to vector<4096x128xi32>
    %select_n3A_899 = arith.select %lt3A_892, %broadcast_in_dim3A_898, %select_n3A_881 : vector<4096x128xi1>, vector<4096x128xi32>
    %reduce_min3A_900 = arith.constant dense<0x7F800000> : vector<128xf32>
    %reduce_min3A_901 = vector.multi_reduction <minimumf>, %add3A_891, %reduce_min3A_900 [0] : vector<4096x128xf32> to vector<128xf32>
    %broadcast_in_dim3A_902 = vector.shape_cast %reduce_min3A_901 : vector<128xf32> to vector<1x128xf32>
    %slice3A_903 = vector.extract_strided_slice %dot_general3A_866 {offsets = [0, 256], sizes = [4096, 128], strides = [1, 1]} : vector<4096x512xf32> to vector<4096x128xf32>
    %add3A_904 = vector.broadcast %get3A_8 : vector<4096x1xf32> to vector<4096x128xf32>
    %add3A_905 = arith.addf %add3A_904, %slice3A_903 : vector<4096x128xf32>
    %slice3A_906 = vector.extract_strided_slice %get3A_13 {offsets = [5888], sizes = [128], strides = [1]} : vector<8192xf32> to vector<128xf32>
    %broadcast_in_dim3A_907 = vector.shape_cast %slice3A_906 : vector<128xf32> to vector<1x128xf32>
    %add3A_908 = vector.broadcast %broadcast_in_dim3A_907 : vector<1x128xf32> to vector<4096x128xf32>
    %add3A_909 = arith.addf %add3A_905, %add3A_908 : vector<4096x128xf32>
    %lt3A_910 = arith.cmpf olt, %add3A_909, %select_n3A_893 : vector<4096x128xf32>
    %select_n3A_911 = arith.select %lt3A_910, %add3A_909, %select_n3A_893 : vector<4096x128xi1>, vector<4096x128xf32>
    %mul3A_912 = arith.constant 64 : i32
    %mul3A_913 = arith.muli %arg1, %mul3A_912 : i32
    %add3A_914 = arith.constant 46 : i32
    %add3A_915 = arith.addi %mul3A_913, %add3A_914 : i32
    %broadcast_in_dim3A_916 = vector.broadcast %add3A_915 : i32 to vector<4096x128xi32>
    %select_n3A_917 = arith.select %lt3A_910, %broadcast_in_dim3A_916, %select_n3A_899 : vector<4096x128xi1>, vector<4096x128xi32>
    %reduce_min3A_918 = arith.constant dense<0x7F800000> : vector<128xf32>
    %reduce_min3A_919 = vector.multi_reduction <minimumf>, %add3A_909, %reduce_min3A_918 [0] : vector<4096x128xf32> to vector<128xf32>
    %broadcast_in_dim3A_920 = vector.shape_cast %reduce_min3A_919 : vector<128xf32> to vector<1x128xf32>
    %slice3A_921 = vector.extract_strided_slice %dot_general3A_866 {offsets = [0, 384], sizes = [4096, 128], strides = [1, 1]} : vector<4096x512xf32> to vector<4096x128xf32>
    %add3A_922 = vector.broadcast %get3A_8 : vector<4096x1xf32> to vector<4096x128xf32>
    %add3A_923 = arith.addf %add3A_922, %slice3A_921 : vector<4096x128xf32>
    %slice3A_924 = vector.extract_strided_slice %get3A_13 {offsets = [6016], sizes = [128], strides = [1]} : vector<8192xf32> to vector<128xf32>
    %broadcast_in_dim3A_925 = vector.shape_cast %slice3A_924 : vector<128xf32> to vector<1x128xf32>
    %add3A_926 = vector.broadcast %broadcast_in_dim3A_925 : vector<1x128xf32> to vector<4096x128xf32>
    %add3A_927 = arith.addf %add3A_923, %add3A_926 : vector<4096x128xf32>
    %lt3A_928 = arith.cmpf olt, %add3A_927, %select_n3A_911 : vector<4096x128xf32>
    %select_n3A_929 = arith.select %lt3A_928, %add3A_927, %select_n3A_911 : vector<4096x128xi1>, vector<4096x128xf32>
    %mul3A_930 = arith.constant 64 : i32
    %mul3A_931 = arith.muli %arg1, %mul3A_930 : i32
    %add3A_932 = arith.constant 47 : i32
    %add3A_933 = arith.addi %mul3A_931, %add3A_932 : i32
    %broadcast_in_dim3A_934 = vector.broadcast %add3A_933 : i32 to vector<4096x128xi32>
    %select_n3A_935 = arith.select %lt3A_928, %broadcast_in_dim3A_934, %select_n3A_917 : vector<4096x128xi1>, vector<4096x128xi32>
    %reduce_min3A_936 = arith.constant dense<0x7F800000> : vector<128xf32>
    %reduce_min3A_937 = vector.multi_reduction <minimumf>, %add3A_927, %reduce_min3A_936 [0] : vector<4096x128xf32> to vector<128xf32>
    %broadcast_in_dim3A_938 = vector.shape_cast %reduce_min3A_937 : vector<128xf32> to vector<1x128xf32>
    %get3A_939 = arith.constant 6144 : index
    %get3A_940 = arith.constant 0 : index
    %get3A_941 = vector.load %arg6[%get3A_939, %get3A_940] : memref<8192x256xf32, #tpu.memory_space<vmem>>, vector<512x256xf32>
    %dot_general3A_942 = arith.constant dense<0.000000e+00> : vector<4096x512xf32>
    %dot_general3A_943 = tpu.matmul %mul3A_3, %get3A_941, %dot_general3A_942 {dimension_numbers = #tpu.dot_dimension_numbers<[1], [1], [0], [0], [0, 0, 1, 0], [], []>, transpose_lhs_hint = false} : vector<4096x256xf32>, vector<512x256xf32>, vector<4096x512xf32> -> vector<4096x512xf32>
    %slice3A_944 = vector.extract_strided_slice %dot_general3A_943 {offsets = [0, 0], sizes = [4096, 128], strides = [1, 1]} : vector<4096x512xf32> to vector<4096x128xf32>
    %add3A_945 = vector.broadcast %get3A_8 : vector<4096x1xf32> to vector<4096x128xf32>
    %add3A_946 = arith.addf %add3A_945, %slice3A_944 : vector<4096x128xf32>
    %slice3A_947 = vector.extract_strided_slice %get3A_13 {offsets = [6144], sizes = [128], strides = [1]} : vector<8192xf32> to vector<128xf32>
    %broadcast_in_dim3A_948 = vector.shape_cast %slice3A_947 : vector<128xf32> to vector<1x128xf32>
    %add3A_949 = vector.broadcast %broadcast_in_dim3A_948 : vector<1x128xf32> to vector<4096x128xf32>
    %add3A_950 = arith.addf %add3A_946, %add3A_949 : vector<4096x128xf32>
    %lt3A_951 = arith.cmpf olt, %add3A_950, %select_n3A_929 : vector<4096x128xf32>
    %select_n3A_952 = arith.select %lt3A_951, %add3A_950, %select_n3A_929 : vector<4096x128xi1>, vector<4096x128xf32>
    %mul3A_953 = arith.constant 64 : i32
    %mul3A_954 = arith.muli %arg1, %mul3A_953 : i32
    %add3A_955 = arith.constant 48 : i32
    %add3A_956 = arith.addi %mul3A_954, %add3A_955 : i32
    %broadcast_in_dim3A_957 = vector.broadcast %add3A_956 : i32 to vector<4096x128xi32>
    %select_n3A_958 = arith.select %lt3A_951, %broadcast_in_dim3A_957, %select_n3A_935 : vector<4096x128xi1>, vector<4096x128xi32>
    %reduce_min3A_959 = arith.constant dense<0x7F800000> : vector<128xf32>
    %reduce_min3A_960 = vector.multi_reduction <minimumf>, %add3A_950, %reduce_min3A_959 [0] : vector<4096x128xf32> to vector<128xf32>
    %broadcast_in_dim3A_961 = vector.shape_cast %reduce_min3A_960 : vector<128xf32> to vector<1x128xf32>
    %slice3A_962 = vector.extract_strided_slice %dot_general3A_943 {offsets = [0, 128], sizes = [4096, 128], strides = [1, 1]} : vector<4096x512xf32> to vector<4096x128xf32>
    %add3A_963 = vector.broadcast %get3A_8 : vector<4096x1xf32> to vector<4096x128xf32>
    %add3A_964 = arith.addf %add3A_963, %slice3A_962 : vector<4096x128xf32>
    %slice3A_965 = vector.extract_strided_slice %get3A_13 {offsets = [6272], sizes = [128], strides = [1]} : vector<8192xf32> to vector<128xf32>
    %broadcast_in_dim3A_966 = vector.shape_cast %slice3A_965 : vector<128xf32> to vector<1x128xf32>
    %add3A_967 = vector.broadcast %broadcast_in_dim3A_966 : vector<1x128xf32> to vector<4096x128xf32>
    %add3A_968 = arith.addf %add3A_964, %add3A_967 : vector<4096x128xf32>
    %lt3A_969 = arith.cmpf olt, %add3A_968, %select_n3A_952 : vector<4096x128xf32>
    %select_n3A_970 = arith.select %lt3A_969, %add3A_968, %select_n3A_952 : vector<4096x128xi1>, vector<4096x128xf32>
    %mul3A_971 = arith.constant 64 : i32
    %mul3A_972 = arith.muli %arg1, %mul3A_971 : i32
    %add3A_973 = arith.constant 49 : i32
    %add3A_974 = arith.addi %mul3A_972, %add3A_973 : i32
    %broadcast_in_dim3A_975 = vector.broadcast %add3A_974 : i32 to vector<4096x128xi32>
    %select_n3A_976 = arith.select %lt3A_969, %broadcast_in_dim3A_975, %select_n3A_958 : vector<4096x128xi1>, vector<4096x128xi32>
    %reduce_min3A_977 = arith.constant dense<0x7F800000> : vector<128xf32>
    %reduce_min3A_978 = vector.multi_reduction <minimumf>, %add3A_968, %reduce_min3A_977 [0] : vector<4096x128xf32> to vector<128xf32>
    %broadcast_in_dim3A_979 = vector.shape_cast %reduce_min3A_978 : vector<128xf32> to vector<1x128xf32>
    %slice3A_980 = vector.extract_strided_slice %dot_general3A_943 {offsets = [0, 256], sizes = [4096, 128], strides = [1, 1]} : vector<4096x512xf32> to vector<4096x128xf32>
    %add3A_981 = vector.broadcast %get3A_8 : vector<4096x1xf32> to vector<4096x128xf32>
    %add3A_982 = arith.addf %add3A_981, %slice3A_980 : vector<4096x128xf32>
    %slice3A_983 = vector.extract_strided_slice %get3A_13 {offsets = [6400], sizes = [128], strides = [1]} : vector<8192xf32> to vector<128xf32>
    %broadcast_in_dim3A_984 = vector.shape_cast %slice3A_983 : vector<128xf32> to vector<1x128xf32>
    %add3A_985 = vector.broadcast %broadcast_in_dim3A_984 : vector<1x128xf32> to vector<4096x128xf32>
    %add3A_986 = arith.addf %add3A_982, %add3A_985 : vector<4096x128xf32>
    %lt3A_987 = arith.cmpf olt, %add3A_986, %select_n3A_970 : vector<4096x128xf32>
    %select_n3A_988 = arith.select %lt3A_987, %add3A_986, %select_n3A_970 : vector<4096x128xi1>, vector<4096x128xf32>
    %mul3A_989 = arith.constant 64 : i32
    %mul3A_990 = arith.muli %arg1, %mul3A_989 : i32
    %add3A_991 = arith.constant 50 : i32
    %add3A_992 = arith.addi %mul3A_990, %add3A_991 : i32
    %broadcast_in_dim3A_993 = vector.broadcast %add3A_992 : i32 to vector<4096x128xi32>
    %select_n3A_994 = arith.select %lt3A_987, %broadcast_in_dim3A_993, %select_n3A_976 : vector<4096x128xi1>, vector<4096x128xi32>
    %reduce_min3A_995 = arith.constant dense<0x7F800000> : vector<128xf32>
    %reduce_min3A_996 = vector.multi_reduction <minimumf>, %add3A_986, %reduce_min3A_995 [0] : vector<4096x128xf32> to vector<128xf32>
    %broadcast_in_dim3A_997 = vector.shape_cast %reduce_min3A_996 : vector<128xf32> to vector<1x128xf32>
    %slice3A_998 = vector.extract_strided_slice %dot_general3A_943 {offsets = [0, 384], sizes = [4096, 128], strides = [1, 1]} : vector<4096x512xf32> to vector<4096x128xf32>
    %add3A_999 = vector.broadcast %get3A_8 : vector<4096x1xf32> to vector<4096x128xf32>
    %add3A_1000 = arith.addf %add3A_999, %slice3A_998 : vector<4096x128xf32>
    %slice3A_1001 = vector.extract_strided_slice %get3A_13 {offsets = [6528], sizes = [128], strides = [1]} : vector<8192xf32> to vector<128xf32>
    %broadcast_in_dim3A_1002 = vector.shape_cast %slice3A_1001 : vector<128xf32> to vector<1x128xf32>
    %add3A_1003 = vector.broadcast %broadcast_in_dim3A_1002 : vector<1x128xf32> to vector<4096x128xf32>
    %add3A_1004 = arith.addf %add3A_1000, %add3A_1003 : vector<4096x128xf32>
    %lt3A_1005 = arith.cmpf olt, %add3A_1004, %select_n3A_988 : vector<4096x128xf32>
    %select_n3A_1006 = arith.select %lt3A_1005, %add3A_1004, %select_n3A_988 : vector<4096x128xi1>, vector<4096x128xf32>
    %mul3A_1007 = arith.constant 64 : i32
    %mul3A_1008 = arith.muli %arg1, %mul3A_1007 : i32
    %add3A_1009 = arith.constant 51 : i32
    %add3A_1010 = arith.addi %mul3A_1008, %add3A_1009 : i32
    %broadcast_in_dim3A_1011 = vector.broadcast %add3A_1010 : i32 to vector<4096x128xi32>
    %select_n3A_1012 = arith.select %lt3A_1005, %broadcast_in_dim3A_1011, %select_n3A_994 : vector<4096x128xi1>, vector<4096x128xi32>
    %reduce_min3A_1013 = arith.constant dense<0x7F800000> : vector<128xf32>
    %reduce_min3A_1014 = vector.multi_reduction <minimumf>, %add3A_1004, %reduce_min3A_1013 [0] : vector<4096x128xf32> to vector<128xf32>
    %broadcast_in_dim3A_1015 = vector.shape_cast %reduce_min3A_1014 : vector<128xf32> to vector<1x128xf32>
    %get3A_1016 = arith.constant 6656 : index
    %get3A_1017 = arith.constant 0 : index
    %get3A_1018 = vector.load %arg6[%get3A_1016, %get3A_1017] : memref<8192x256xf32, #tpu.memory_space<vmem>>, vector<512x256xf32>
    %dot_general3A_1019 = arith.constant dense<0.000000e+00> : vector<4096x512xf32>
    %dot_general3A_1020 = tpu.matmul %mul3A_3, %get3A_1018, %dot_general3A_1019 {dimension_numbers = #tpu.dot_dimension_numbers<[1], [1], [0], [0], [0, 0, 1, 0], [], []>, transpose_lhs_hint = false} : vector<4096x256xf32>, vector<512x256xf32>, vector<4096x512xf32> -> vector<4096x512xf32>
    %slice3A_1021 = vector.extract_strided_slice %dot_general3A_1020 {offsets = [0, 0], sizes = [4096, 128], strides = [1, 1]} : vector<4096x512xf32> to vector<4096x128xf32>
    %add3A_1022 = vector.broadcast %get3A_8 : vector<4096x1xf32> to vector<4096x128xf32>
    %add3A_1023 = arith.addf %add3A_1022, %slice3A_1021 : vector<4096x128xf32>
    %slice3A_1024 = vector.extract_strided_slice %get3A_13 {offsets = [6656], sizes = [128], strides = [1]} : vector<8192xf32> to vector<128xf32>
    %broadcast_in_dim3A_1025 = vector.shape_cast %slice3A_1024 : vector<128xf32> to vector<1x128xf32>
    %add3A_1026 = vector.broadcast %broadcast_in_dim3A_1025 : vector<1x128xf32> to vector<4096x128xf32>
    %add3A_1027 = arith.addf %add3A_1023, %add3A_1026 : vector<4096x128xf32>
    %lt3A_1028 = arith.cmpf olt, %add3A_1027, %select_n3A_1006 : vector<4096x128xf32>
    %select_n3A_1029 = arith.select %lt3A_1028, %add3A_1027, %select_n3A_1006 : vector<4096x128xi1>, vector<4096x128xf32>
    %mul3A_1030 = arith.constant 64 : i32
    %mul3A_1031 = arith.muli %arg1, %mul3A_1030 : i32
    %add3A_1032 = arith.constant 52 : i32
    %add3A_1033 = arith.addi %mul3A_1031, %add3A_1032 : i32
    %broadcast_in_dim3A_1034 = vector.broadcast %add3A_1033 : i32 to vector<4096x128xi32>
    %select_n3A_1035 = arith.select %lt3A_1028, %broadcast_in_dim3A_1034, %select_n3A_1012 : vector<4096x128xi1>, vector<4096x128xi32>
    %reduce_min3A_1036 = arith.constant dense<0x7F800000> : vector<128xf32>
    %reduce_min3A_1037 = vector.multi_reduction <minimumf>, %add3A_1027, %reduce_min3A_1036 [0] : vector<4096x128xf32> to vector<128xf32>
    %broadcast_in_dim3A_1038 = vector.shape_cast %reduce_min3A_1037 : vector<128xf32> to vector<1x128xf32>
    %slice3A_1039 = vector.extract_strided_slice %dot_general3A_1020 {offsets = [0, 128], sizes = [4096, 128], strides = [1, 1]} : vector<4096x512xf32> to vector<4096x128xf32>
    %add3A_1040 = vector.broadcast %get3A_8 : vector<4096x1xf32> to vector<4096x128xf32>
    %add3A_1041 = arith.addf %add3A_1040, %slice3A_1039 : vector<4096x128xf32>
    %slice3A_1042 = vector.extract_strided_slice %get3A_13 {offsets = [6784], sizes = [128], strides = [1]} : vector<8192xf32> to vector<128xf32>
    %broadcast_in_dim3A_1043 = vector.shape_cast %slice3A_1042 : vector<128xf32> to vector<1x128xf32>
    %add3A_1044 = vector.broadcast %broadcast_in_dim3A_1043 : vector<1x128xf32> to vector<4096x128xf32>
    %add3A_1045 = arith.addf %add3A_1041, %add3A_1044 : vector<4096x128xf32>
    %lt3A_1046 = arith.cmpf olt, %add3A_1045, %select_n3A_1029 : vector<4096x128xf32>
    %select_n3A_1047 = arith.select %lt3A_1046, %add3A_1045, %select_n3A_1029 : vector<4096x128xi1>, vector<4096x128xf32>
    %mul3A_1048 = arith.constant 64 : i32
    %mul3A_1049 = arith.muli %arg1, %mul3A_1048 : i32
    %add3A_1050 = arith.constant 53 : i32
    %add3A_1051 = arith.addi %mul3A_1049, %add3A_1050 : i32
    %broadcast_in_dim3A_1052 = vector.broadcast %add3A_1051 : i32 to vector<4096x128xi32>
    %select_n3A_1053 = arith.select %lt3A_1046, %broadcast_in_dim3A_1052, %select_n3A_1035 : vector<4096x128xi1>, vector<4096x128xi32>
    %reduce_min3A_1054 = arith.constant dense<0x7F800000> : vector<128xf32>
    %reduce_min3A_1055 = vector.multi_reduction <minimumf>, %add3A_1045, %reduce_min3A_1054 [0] : vector<4096x128xf32> to vector<128xf32>
    %broadcast_in_dim3A_1056 = vector.shape_cast %reduce_min3A_1055 : vector<128xf32> to vector<1x128xf32>
    %slice3A_1057 = vector.extract_strided_slice %dot_general3A_1020 {offsets = [0, 256], sizes = [4096, 128], strides = [1, 1]} : vector<4096x512xf32> to vector<4096x128xf32>
    %add3A_1058 = vector.broadcast %get3A_8 : vector<4096x1xf32> to vector<4096x128xf32>
    %add3A_1059 = arith.addf %add3A_1058, %slice3A_1057 : vector<4096x128xf32>
    %slice3A_1060 = vector.extract_strided_slice %get3A_13 {offsets = [6912], sizes = [128], strides = [1]} : vector<8192xf32> to vector<128xf32>
    %broadcast_in_dim3A_1061 = vector.shape_cast %slice3A_1060 : vector<128xf32> to vector<1x128xf32>
    %add3A_1062 = vector.broadcast %broadcast_in_dim3A_1061 : vector<1x128xf32> to vector<4096x128xf32>
    %add3A_1063 = arith.addf %add3A_1059, %add3A_1062 : vector<4096x128xf32>
    %lt3A_1064 = arith.cmpf olt, %add3A_1063, %select_n3A_1047 : vector<4096x128xf32>
    %select_n3A_1065 = arith.select %lt3A_1064, %add3A_1063, %select_n3A_1047 : vector<4096x128xi1>, vector<4096x128xf32>
    %mul3A_1066 = arith.constant 64 : i32
    %mul3A_1067 = arith.muli %arg1, %mul3A_1066 : i32
    %add3A_1068 = arith.constant 54 : i32
    %add3A_1069 = arith.addi %mul3A_1067, %add3A_1068 : i32
    %broadcast_in_dim3A_1070 = vector.broadcast %add3A_1069 : i32 to vector<4096x128xi32>
    %select_n3A_1071 = arith.select %lt3A_1064, %broadcast_in_dim3A_1070, %select_n3A_1053 : vector<4096x128xi1>, vector<4096x128xi32>
    %reduce_min3A_1072 = arith.constant dense<0x7F800000> : vector<128xf32>
    %reduce_min3A_1073 = vector.multi_reduction <minimumf>, %add3A_1063, %reduce_min3A_1072 [0] : vector<4096x128xf32> to vector<128xf32>
    %broadcast_in_dim3A_1074 = vector.shape_cast %reduce_min3A_1073 : vector<128xf32> to vector<1x128xf32>
    %slice3A_1075 = vector.extract_strided_slice %dot_general3A_1020 {offsets = [0, 384], sizes = [4096, 128], strides = [1, 1]} : vector<4096x512xf32> to vector<4096x128xf32>
    %add3A_1076 = vector.broadcast %get3A_8 : vector<4096x1xf32> to vector<4096x128xf32>
    %add3A_1077 = arith.addf %add3A_1076, %slice3A_1075 : vector<4096x128xf32>
    %slice3A_1078 = vector.extract_strided_slice %get3A_13 {offsets = [7040], sizes = [128], strides = [1]} : vector<8192xf32> to vector<128xf32>
    %broadcast_in_dim3A_1079 = vector.shape_cast %slice3A_1078 : vector<128xf32> to vector<1x128xf32>
    %add3A_1080 = vector.broadcast %broadcast_in_dim3A_1079 : vector<1x128xf32> to vector<4096x128xf32>
    %add3A_1081 = arith.addf %add3A_1077, %add3A_1080 : vector<4096x128xf32>
    %lt3A_1082 = arith.cmpf olt, %add3A_1081, %select_n3A_1065 : vector<4096x128xf32>
    %select_n3A_1083 = arith.select %lt3A_1082, %add3A_1081, %select_n3A_1065 : vector<4096x128xi1>, vector<4096x128xf32>
    %mul3A_1084 = arith.constant 64 : i32
    %mul3A_1085 = arith.muli %arg1, %mul3A_1084 : i32
    %add3A_1086 = arith.constant 55 : i32
    %add3A_1087 = arith.addi %mul3A_1085, %add3A_1086 : i32
    %broadcast_in_dim3A_1088 = vector.broadcast %add3A_1087 : i32 to vector<4096x128xi32>
    %select_n3A_1089 = arith.select %lt3A_1082, %broadcast_in_dim3A_1088, %select_n3A_1071 : vector<4096x128xi1>, vector<4096x128xi32>
    %reduce_min3A_1090 = arith.constant dense<0x7F800000> : vector<128xf32>
    %reduce_min3A_1091 = vector.multi_reduction <minimumf>, %add3A_1081, %reduce_min3A_1090 [0] : vector<4096x128xf32> to vector<128xf32>
    %broadcast_in_dim3A_1092 = vector.shape_cast %reduce_min3A_1091 : vector<128xf32> to vector<1x128xf32>
    %get3A_1093 = arith.constant 7168 : index
    %get3A_1094 = arith.constant 0 : index
    %get3A_1095 = vector.load %arg6[%get3A_1093, %get3A_1094] : memref<8192x256xf32, #tpu.memory_space<vmem>>, vector<512x256xf32>
    %dot_general3A_1096 = arith.constant dense<0.000000e+00> : vector<4096x512xf32>
    %dot_general3A_1097 = tpu.matmul %mul3A_3, %get3A_1095, %dot_general3A_1096 {dimension_numbers = #tpu.dot_dimension_numbers<[1], [1], [0], [0], [0, 0, 1, 0], [], []>, transpose_lhs_hint = false} : vector<4096x256xf32>, vector<512x256xf32>, vector<4096x512xf32> -> vector<4096x512xf32>
    %slice3A_1098 = vector.extract_strided_slice %dot_general3A_1097 {offsets = [0, 0], sizes = [4096, 128], strides = [1, 1]} : vector<4096x512xf32> to vector<4096x128xf32>
    %add3A_1099 = vector.broadcast %get3A_8 : vector<4096x1xf32> to vector<4096x128xf32>
    %add3A_1100 = arith.addf %add3A_1099, %slice3A_1098 : vector<4096x128xf32>
    %slice3A_1101 = vector.extract_strided_slice %get3A_13 {offsets = [7168], sizes = [128], strides = [1]} : vector<8192xf32> to vector<128xf32>
    %broadcast_in_dim3A_1102 = vector.shape_cast %slice3A_1101 : vector<128xf32> to vector<1x128xf32>
    %add3A_1103 = vector.broadcast %broadcast_in_dim3A_1102 : vector<1x128xf32> to vector<4096x128xf32>
    %add3A_1104 = arith.addf %add3A_1100, %add3A_1103 : vector<4096x128xf32>
    %lt3A_1105 = arith.cmpf olt, %add3A_1104, %select_n3A_1083 : vector<4096x128xf32>
    %select_n3A_1106 = arith.select %lt3A_1105, %add3A_1104, %select_n3A_1083 : vector<4096x128xi1>, vector<4096x128xf32>
    %mul3A_1107 = arith.constant 64 : i32
    %mul3A_1108 = arith.muli %arg1, %mul3A_1107 : i32
    %add3A_1109 = arith.constant 56 : i32
    %add3A_1110 = arith.addi %mul3A_1108, %add3A_1109 : i32
    %broadcast_in_dim3A_1111 = vector.broadcast %add3A_1110 : i32 to vector<4096x128xi32>
    %select_n3A_1112 = arith.select %lt3A_1105, %broadcast_in_dim3A_1111, %select_n3A_1089 : vector<4096x128xi1>, vector<4096x128xi32>
    %reduce_min3A_1113 = arith.constant dense<0x7F800000> : vector<128xf32>
    %reduce_min3A_1114 = vector.multi_reduction <minimumf>, %add3A_1104, %reduce_min3A_1113 [0] : vector<4096x128xf32> to vector<128xf32>
    %broadcast_in_dim3A_1115 = vector.shape_cast %reduce_min3A_1114 : vector<128xf32> to vector<1x128xf32>
    %slice3A_1116 = vector.extract_strided_slice %dot_general3A_1097 {offsets = [0, 128], sizes = [4096, 128], strides = [1, 1]} : vector<4096x512xf32> to vector<4096x128xf32>
    %add3A_1117 = vector.broadcast %get3A_8 : vector<4096x1xf32> to vector<4096x128xf32>
    %add3A_1118 = arith.addf %add3A_1117, %slice3A_1116 : vector<4096x128xf32>
    %slice3A_1119 = vector.extract_strided_slice %get3A_13 {offsets = [7296], sizes = [128], strides = [1]} : vector<8192xf32> to vector<128xf32>
    %broadcast_in_dim3A_1120 = vector.shape_cast %slice3A_1119 : vector<128xf32> to vector<1x128xf32>
    %add3A_1121 = vector.broadcast %broadcast_in_dim3A_1120 : vector<1x128xf32> to vector<4096x128xf32>
    %add3A_1122 = arith.addf %add3A_1118, %add3A_1121 : vector<4096x128xf32>
    %lt3A_1123 = arith.cmpf olt, %add3A_1122, %select_n3A_1106 : vector<4096x128xf32>
    %select_n3A_1124 = arith.select %lt3A_1123, %add3A_1122, %select_n3A_1106 : vector<4096x128xi1>, vector<4096x128xf32>
    %mul3A_1125 = arith.constant 64 : i32
    %mul3A_1126 = arith.muli %arg1, %mul3A_1125 : i32
    %add3A_1127 = arith.constant 57 : i32
    %add3A_1128 = arith.addi %mul3A_1126, %add3A_1127 : i32
    %broadcast_in_dim3A_1129 = vector.broadcast %add3A_1128 : i32 to vector<4096x128xi32>
    %select_n3A_1130 = arith.select %lt3A_1123, %broadcast_in_dim3A_1129, %select_n3A_1112 : vector<4096x128xi1>, vector<4096x128xi32>
    %reduce_min3A_1131 = arith.constant dense<0x7F800000> : vector<128xf32>
    %reduce_min3A_1132 = vector.multi_reduction <minimumf>, %add3A_1122, %reduce_min3A_1131 [0] : vector<4096x128xf32> to vector<128xf32>
    %broadcast_in_dim3A_1133 = vector.shape_cast %reduce_min3A_1132 : vector<128xf32> to vector<1x128xf32>
    %slice3A_1134 = vector.extract_strided_slice %dot_general3A_1097 {offsets = [0, 256], sizes = [4096, 128], strides = [1, 1]} : vector<4096x512xf32> to vector<4096x128xf32>
    %add3A_1135 = vector.broadcast %get3A_8 : vector<4096x1xf32> to vector<4096x128xf32>
    %add3A_1136 = arith.addf %add3A_1135, %slice3A_1134 : vector<4096x128xf32>
    %slice3A_1137 = vector.extract_strided_slice %get3A_13 {offsets = [7424], sizes = [128], strides = [1]} : vector<8192xf32> to vector<128xf32>
    %broadcast_in_dim3A_1138 = vector.shape_cast %slice3A_1137 : vector<128xf32> to vector<1x128xf32>
    %add3A_1139 = vector.broadcast %broadcast_in_dim3A_1138 : vector<1x128xf32> to vector<4096x128xf32>
    %add3A_1140 = arith.addf %add3A_1136, %add3A_1139 : vector<4096x128xf32>
    %lt3A_1141 = arith.cmpf olt, %add3A_1140, %select_n3A_1124 : vector<4096x128xf32>
    %select_n3A_1142 = arith.select %lt3A_1141, %add3A_1140, %select_n3A_1124 : vector<4096x128xi1>, vector<4096x128xf32>
    %mul3A_1143 = arith.constant 64 : i32
    %mul3A_1144 = arith.muli %arg1, %mul3A_1143 : i32
    %add3A_1145 = arith.constant 58 : i32
    %add3A_1146 = arith.addi %mul3A_1144, %add3A_1145 : i32
    %broadcast_in_dim3A_1147 = vector.broadcast %add3A_1146 : i32 to vector<4096x128xi32>
    %select_n3A_1148 = arith.select %lt3A_1141, %broadcast_in_dim3A_1147, %select_n3A_1130 : vector<4096x128xi1>, vector<4096x128xi32>
    %reduce_min3A_1149 = arith.constant dense<0x7F800000> : vector<128xf32>
    %reduce_min3A_1150 = vector.multi_reduction <minimumf>, %add3A_1140, %reduce_min3A_1149 [0] : vector<4096x128xf32> to vector<128xf32>
    %broadcast_in_dim3A_1151 = vector.shape_cast %reduce_min3A_1150 : vector<128xf32> to vector<1x128xf32>
    %slice3A_1152 = vector.extract_strided_slice %dot_general3A_1097 {offsets = [0, 384], sizes = [4096, 128], strides = [1, 1]} : vector<4096x512xf32> to vector<4096x128xf32>
    %add3A_1153 = vector.broadcast %get3A_8 : vector<4096x1xf32> to vector<4096x128xf32>
    %add3A_1154 = arith.addf %add3A_1153, %slice3A_1152 : vector<4096x128xf32>
    %slice3A_1155 = vector.extract_strided_slice %get3A_13 {offsets = [7552], sizes = [128], strides = [1]} : vector<8192xf32> to vector<128xf32>
    %broadcast_in_dim3A_1156 = vector.shape_cast %slice3A_1155 : vector<128xf32> to vector<1x128xf32>
    %add3A_1157 = vector.broadcast %broadcast_in_dim3A_1156 : vector<1x128xf32> to vector<4096x128xf32>
    %add3A_1158 = arith.addf %add3A_1154, %add3A_1157 : vector<4096x128xf32>
    %lt3A_1159 = arith.cmpf olt, %add3A_1158, %select_n3A_1142 : vector<4096x128xf32>
    %select_n3A_1160 = arith.select %lt3A_1159, %add3A_1158, %select_n3A_1142 : vector<4096x128xi1>, vector<4096x128xf32>
    %mul3A_1161 = arith.constant 64 : i32
    %mul3A_1162 = arith.muli %arg1, %mul3A_1161 : i32
    %add3A_1163 = arith.constant 59 : i32
    %add3A_1164 = arith.addi %mul3A_1162, %add3A_1163 : i32
    %broadcast_in_dim3A_1165 = vector.broadcast %add3A_1164 : i32 to vector<4096x128xi32>
    %select_n3A_1166 = arith.select %lt3A_1159, %broadcast_in_dim3A_1165, %select_n3A_1148 : vector<4096x128xi1>, vector<4096x128xi32>
    %reduce_min3A_1167 = arith.constant dense<0x7F800000> : vector<128xf32>
    %reduce_min3A_1168 = vector.multi_reduction <minimumf>, %add3A_1158, %reduce_min3A_1167 [0] : vector<4096x128xf32> to vector<128xf32>
    %broadcast_in_dim3A_1169 = vector.shape_cast %reduce_min3A_1168 : vector<128xf32> to vector<1x128xf32>
    %get3A_1170 = arith.constant 7680 : index
    %get3A_1171 = arith.constant 0 : index
    %get3A_1172 = vector.load %arg6[%get3A_1170, %get3A_1171] : memref<8192x256xf32, #tpu.memory_space<vmem>>, vector<512x256xf32>
    %dot_general3A_1173 = arith.constant dense<0.000000e+00> : vector<4096x512xf32>
    %dot_general3A_1174 = tpu.matmul %mul3A_3, %get3A_1172, %dot_general3A_1173 {dimension_numbers = #tpu.dot_dimension_numbers<[1], [1], [0], [0], [0, 0, 1, 0], [], []>, transpose_lhs_hint = false} : vector<4096x256xf32>, vector<512x256xf32>, vector<4096x512xf32> -> vector<4096x512xf32>
    %slice3A_1175 = vector.extract_strided_slice %dot_general3A_1174 {offsets = [0, 0], sizes = [4096, 128], strides = [1, 1]} : vector<4096x512xf32> to vector<4096x128xf32>
    %add3A_1176 = vector.broadcast %get3A_8 : vector<4096x1xf32> to vector<4096x128xf32>
    %add3A_1177 = arith.addf %add3A_1176, %slice3A_1175 : vector<4096x128xf32>
    %slice3A_1178 = vector.extract_strided_slice %get3A_13 {offsets = [7680], sizes = [128], strides = [1]} : vector<8192xf32> to vector<128xf32>
    %broadcast_in_dim3A_1179 = vector.shape_cast %slice3A_1178 : vector<128xf32> to vector<1x128xf32>
    %add3A_1180 = vector.broadcast %broadcast_in_dim3A_1179 : vector<1x128xf32> to vector<4096x128xf32>
    %add3A_1181 = arith.addf %add3A_1177, %add3A_1180 : vector<4096x128xf32>
    %lt3A_1182 = arith.cmpf olt, %add3A_1181, %select_n3A_1160 : vector<4096x128xf32>
    %select_n3A_1183 = arith.select %lt3A_1182, %add3A_1181, %select_n3A_1160 : vector<4096x128xi1>, vector<4096x128xf32>
    %mul3A_1184 = arith.constant 64 : i32
    %mul3A_1185 = arith.muli %arg1, %mul3A_1184 : i32
    %add3A_1186 = arith.constant 60 : i32
    %add3A_1187 = arith.addi %mul3A_1185, %add3A_1186 : i32
    %broadcast_in_dim3A_1188 = vector.broadcast %add3A_1187 : i32 to vector<4096x128xi32>
    %select_n3A_1189 = arith.select %lt3A_1182, %broadcast_in_dim3A_1188, %select_n3A_1166 : vector<4096x128xi1>, vector<4096x128xi32>
    %reduce_min3A_1190 = arith.constant dense<0x7F800000> : vector<128xf32>
    %reduce_min3A_1191 = vector.multi_reduction <minimumf>, %add3A_1181, %reduce_min3A_1190 [0] : vector<4096x128xf32> to vector<128xf32>
    %broadcast_in_dim3A_1192 = vector.shape_cast %reduce_min3A_1191 : vector<128xf32> to vector<1x128xf32>
    %slice3A_1193 = vector.extract_strided_slice %dot_general3A_1174 {offsets = [0, 128], sizes = [4096, 128], strides = [1, 1]} : vector<4096x512xf32> to vector<4096x128xf32>
    %add3A_1194 = vector.broadcast %get3A_8 : vector<4096x1xf32> to vector<4096x128xf32>
    %add3A_1195 = arith.addf %add3A_1194, %slice3A_1193 : vector<4096x128xf32>
    %slice3A_1196 = vector.extract_strided_slice %get3A_13 {offsets = [7808], sizes = [128], strides = [1]} : vector<8192xf32> to vector<128xf32>
    %broadcast_in_dim3A_1197 = vector.shape_cast %slice3A_1196 : vector<128xf32> to vector<1x128xf32>
    %add3A_1198 = vector.broadcast %broadcast_in_dim3A_1197 : vector<1x128xf32> to vector<4096x128xf32>
    %add3A_1199 = arith.addf %add3A_1195, %add3A_1198 : vector<4096x128xf32>
    %lt3A_1200 = arith.cmpf olt, %add3A_1199, %select_n3A_1183 : vector<4096x128xf32>
    %select_n3A_1201 = arith.select %lt3A_1200, %add3A_1199, %select_n3A_1183 : vector<4096x128xi1>, vector<4096x128xf32>
    %mul3A_1202 = arith.constant 64 : i32
    %mul3A_1203 = arith.muli %arg1, %mul3A_1202 : i32
    %add3A_1204 = arith.constant 61 : i32
    %add3A_1205 = arith.addi %mul3A_1203, %add3A_1204 : i32
    %broadcast_in_dim3A_1206 = vector.broadcast %add3A_1205 : i32 to vector<4096x128xi32>
    %select_n3A_1207 = arith.select %lt3A_1200, %broadcast_in_dim3A_1206, %select_n3A_1189 : vector<4096x128xi1>, vector<4096x128xi32>
    %reduce_min3A_1208 = arith.constant dense<0x7F800000> : vector<128xf32>
    %reduce_min3A_1209 = vector.multi_reduction <minimumf>, %add3A_1199, %reduce_min3A_1208 [0] : vector<4096x128xf32> to vector<128xf32>
    %broadcast_in_dim3A_1210 = vector.shape_cast %reduce_min3A_1209 : vector<128xf32> to vector<1x128xf32>
    %slice3A_1211 = vector.extract_strided_slice %dot_general3A_1174 {offsets = [0, 256], sizes = [4096, 128], strides = [1, 1]} : vector<4096x512xf32> to vector<4096x128xf32>
    %add3A_1212 = vector.broadcast %get3A_8 : vector<4096x1xf32> to vector<4096x128xf32>
    %add3A_1213 = arith.addf %add3A_1212, %slice3A_1211 : vector<4096x128xf32>
    %slice3A_1214 = vector.extract_strided_slice %get3A_13 {offsets = [7936], sizes = [128], strides = [1]} : vector<8192xf32> to vector<128xf32>
    %broadcast_in_dim3A_1215 = vector.shape_cast %slice3A_1214 : vector<128xf32> to vector<1x128xf32>
    %add3A_1216 = vector.broadcast %broadcast_in_dim3A_1215 : vector<1x128xf32> to vector<4096x128xf32>
    %add3A_1217 = arith.addf %add3A_1213, %add3A_1216 : vector<4096x128xf32>
    %lt3A_1218 = arith.cmpf olt, %add3A_1217, %select_n3A_1201 : vector<4096x128xf32>
    %select_n3A_1219 = arith.select %lt3A_1218, %add3A_1217, %select_n3A_1201 : vector<4096x128xi1>, vector<4096x128xf32>
    %mul3A_1220 = arith.constant 64 : i32
    %mul3A_1221 = arith.muli %arg1, %mul3A_1220 : i32
    %add3A_1222 = arith.constant 62 : i32
    %add3A_1223 = arith.addi %mul3A_1221, %add3A_1222 : i32
    %broadcast_in_dim3A_1224 = vector.broadcast %add3A_1223 : i32 to vector<4096x128xi32>
    %select_n3A_1225 = arith.select %lt3A_1218, %broadcast_in_dim3A_1224, %select_n3A_1207 : vector<4096x128xi1>, vector<4096x128xi32>
    %reduce_min3A_1226 = arith.constant dense<0x7F800000> : vector<128xf32>
    %reduce_min3A_1227 = vector.multi_reduction <minimumf>, %add3A_1217, %reduce_min3A_1226 [0] : vector<4096x128xf32> to vector<128xf32>
    %broadcast_in_dim3A_1228 = vector.shape_cast %reduce_min3A_1227 : vector<128xf32> to vector<1x128xf32>
    %slice3A_1229 = vector.extract_strided_slice %dot_general3A_1174 {offsets = [0, 384], sizes = [4096, 128], strides = [1, 1]} : vector<4096x512xf32> to vector<4096x128xf32>
    %add3A_1230 = vector.broadcast %get3A_8 : vector<4096x1xf32> to vector<4096x128xf32>
    %add3A_1231 = arith.addf %add3A_1230, %slice3A_1229 : vector<4096x128xf32>
    %slice3A_1232 = vector.extract_strided_slice %get3A_13 {offsets = [8064], sizes = [128], strides = [1]} : vector<8192xf32> to vector<128xf32>
    %broadcast_in_dim3A_1233 = vector.shape_cast %slice3A_1232 : vector<128xf32> to vector<1x128xf32>
    %add3A_1234 = vector.broadcast %broadcast_in_dim3A_1233 : vector<1x128xf32> to vector<4096x128xf32>
    %add3A_1235 = arith.addf %add3A_1231, %add3A_1234 : vector<4096x128xf32>
    %lt3A_1236 = arith.cmpf olt, %add3A_1235, %select_n3A_1219 : vector<4096x128xf32>
    %select_n3A_1237 = arith.select %lt3A_1236, %add3A_1235, %select_n3A_1219 : vector<4096x128xi1>, vector<4096x128xf32>
    %mul3A_1238 = arith.constant 64 : i32
    %mul3A_1239 = arith.muli %arg1, %mul3A_1238 : i32
    %add3A_1240 = arith.constant 63 : i32
    %add3A_1241 = arith.addi %mul3A_1239, %add3A_1240 : i32
    %broadcast_in_dim3A_1242 = vector.broadcast %add3A_1241 : i32 to vector<4096x128xi32>
    %select_n3A_1243 = arith.select %lt3A_1236, %broadcast_in_dim3A_1242, %select_n3A_1225 : vector<4096x128xi1>, vector<4096x128xi32>
    %reduce_min3A_1244 = arith.constant dense<0x7F800000> : vector<128xf32>
    %reduce_min3A_1245 = vector.multi_reduction <minimumf>, %add3A_1235, %reduce_min3A_1244 [0] : vector<4096x128xf32> to vector<128xf32>
    %broadcast_in_dim3A_1246 = vector.shape_cast %reduce_min3A_1245 : vector<128xf32> to vector<1x128xf32>
    %swap3A = arith.constant 0 : index
    %swap3A_1247 = arith.constant 0 : index
    %swap3A_1248 = vector.load %arg10[%swap3A, %swap3A_1247] : memref<4096x128xf32, #tpu.memory_space<vmem>>, vector<4096x128xf32>
    tpu.vector_store %arg10[%swap3A, %swap3A_1247], %select_n3A_1237 {strides = array<i32>} : memref<4096x128xf32, #tpu.memory_space<vmem>>, vector<4096x128xf32>,
    %swap3A_1249 = arith.constant 0 : index
    %swap3A_1250 = arith.constant 0 : index
    %swap3A_1251 = vector.load %arg11[%swap3A_1249, %swap3A_1250] : memref<4096x128xi32, #tpu.memory_space<vmem>>, vector<4096x128xi32>
    tpu.vector_store %arg11[%swap3A_1249, %swap3A_1250], %select_n3A_1243 {strides = array<i32>} : memref<4096x128xi32, #tpu.memory_space<vmem>>, vector<4096x128xi32>,
    %concatenate3A = tpu.concatenate %broadcast_in_dim3A_37, %broadcast_in_dim3A_55, %broadcast_in_dim3A_73, %broadcast_in_dim3A_91, %broadcast_in_dim3A_114, %broadcast_in_dim3A_132, %broadcast_in_dim3A_150, %broadcast_in_dim3A_168, %broadcast_in_dim3A_191, %broadcast_in_dim3A_209, %broadcast_in_dim3A_227, %broadcast_in_dim3A_245, %broadcast_in_dim3A_268, %broadcast_in_dim3A_286, %broadcast_in_dim3A_304, %broadcast_in_dim3A_322, %broadcast_in_dim3A_345, %broadcast_in_dim3A_363, %broadcast_in_dim3A_381, %broadcast_in_dim3A_399, %broadcast_in_dim3A_422, %broadcast_in_dim3A_440, %broadcast_in_dim3A_458, %broadcast_in_dim3A_476, %broadcast_in_dim3A_499, %broadcast_in_dim3A_517, %broadcast_in_dim3A_535, %broadcast_in_dim3A_553, %broadcast_in_dim3A_576, %broadcast_in_dim3A_594, %broadcast_in_dim3A_612, %broadcast_in_dim3A_630, %broadcast_in_dim3A_653, %broadcast_in_dim3A_671, %broadcast_in_dim3A_689, %broadcast_in_dim3A_707, %broadcast_in_dim3A_730, %broadcast_in_dim3A_748, %broadcast_in_dim3A_766, %broadcast_in_dim3A_784, %broadcast_in_dim3A_807, %broadcast_in_dim3A_825, %broadcast_in_dim3A_843, %broadcast_in_dim3A_861, %broadcast_in_dim3A_884, %broadcast_in_dim3A_902, %broadcast_in_dim3A_920, %broadcast_in_dim3A_938, %broadcast_in_dim3A_961, %broadcast_in_dim3A_979, %broadcast_in_dim3A_997, %broadcast_in_dim3A_1015, %broadcast_in_dim3A_1038, %broadcast_in_dim3A_1056, %broadcast_in_dim3A_1074, %broadcast_in_dim3A_1092, %broadcast_in_dim3A_1115, %broadcast_in_dim3A_1133, %broadcast_in_dim3A_1151, %broadcast_in_dim3A_1169, %broadcast_in_dim3A_1192, %broadcast_in_dim3A_1210, %broadcast_in_dim3A_1228, %broadcast_in_dim3A_1246 in 1 : vector<1x128xf32>, vector<1x128xf32>, vector<1x128xf32>, vector<1x128xf32>, vector<1x128xf32>, vector<1x128xf32>, vector<1x128xf32>, vector<1x128xf32>, vector<1x128xf32>, vector<1x128xf32>, vector<1x128xf32>, vector<1x128xf32>, vector<1x128xf32>, vector<1x128xf32>, vector<1x128xf32>, vector<1x128xf32>, vector<1x128xf32>, vector<1x128xf32>, vector<1x128xf32>, vector<1x128xf32>, vector<1x128xf32>, vector<1x128xf32>, vector<1x128xf32>, vector<1x128xf32>, vector<1x128xf32>, vector<1x128xf32>, vector<1x128xf32>, vector<1x128xf32>, vector<1x128xf32>, vector<1x128xf32>, vector<1x128xf32>, vector<1x128xf32>, vector<1x128xf32>, vector<1x128xf32>, vector<1x128xf32>, vector<1x128xf32>, vector<1x128xf32>, vector<1x128xf32>, vector<1x128xf32>, vector<1x128xf32>, vector<1x128xf32>, vector<1x128xf32>, vector<1x128xf32>, vector<1x128xf32>, vector<1x128xf32>, vector<1x128xf32>, vector<1x128xf32>, vector<1x128xf32>, vector<1x128xf32>, vector<1x128xf32>, vector<1x128xf32>, vector<1x128xf32>, vector<1x128xf32>, vector<1x128xf32>, vector<1x128xf32>, vector<1x128xf32>, vector<1x128xf32>, vector<1x128xf32>, vector<1x128xf32>, vector<1x128xf32>, vector<1x128xf32>, vector<1x128xf32>, vector<1x128xf32>, vector<1x128xf32> -> vector<1x8192xf32>
    %eq3A_1252 = arith.constant 0 : i32
    %eq3A_1253 = arith.cmpi eq, %arg0, %eq3A_1252 : i32
    %convert_element_type3A_1254 = arith.extui %eq3A_1253 : i1 to i32
    %cond3A_1255 = arith.constant 0 : i32
    %cond3A_1256 = arith.cmpi ne, %convert_element_type3A_1254, %cond3A_1255 : i32
    scf.if %cond3A_1256 {
      %swap3A_1266 = arith.index_cast %arg1 : i32 to index
      %swap3A_1267 = arith.constant 0 : index
      %swap3A_1268 = vector.load %arg9[%swap3A_1266, %swap3A_1267] : memref<1x8192xf32, #tpu.memory_space<vmem>>, vector<1x8192xf32>
      tpu.vector_store %arg9[%swap3A_1266, %swap3A_1267], %concatenate3A {strides = array<i32>} : memref<1x8192xf32, #tpu.memory_space<vmem>>, vector<1x8192xf32>,
    } else {
    }
    %gt3A = arith.constant 0 : i32
    %gt3A_1257 = arith.cmpi sgt, %arg0, %gt3A : i32
    %convert_element_type3A_1258 = arith.extui %gt3A_1257 : i1 to i32
    %cond3A_1259 = arith.constant 0 : i32
    %cond3A_1260 = arith.cmpi ne, %convert_element_type3A_1258, %cond3A_1259 : i32
    scf.if %cond3A_1260 {
      %get3A_1266 = arith.index_cast %arg1 : i32 to index
      %get3A_1267 = arith.constant 0 : index
      %get3A_1268 = vector.load %arg9[%get3A_1266, %get3A_1267] : memref<1x8192xf32, #tpu.memory_space<vmem>>, vector<1x8192xf32>
      %min3A = arith.minimumf %get3A_1268, %concatenate3A : vector<1x8192xf32>
      %swap3A_1269 = arith.index_cast %arg1 : i32 to index
      %swap3A_1270 = arith.constant 0 : index
      %swap3A_1271 = vector.load %arg9[%swap3A_1269, %swap3A_1270] : memref<1x8192xf32, #tpu.memory_space<vmem>>, vector<1x8192xf32>
      tpu.vector_store %arg9[%swap3A_1269, %swap3A_1270], %min3A {strides = array<i32>} : memref<1x8192xf32, #tpu.memory_space<vmem>>, vector<1x8192xf32>,
    } else {
    }
    %eq3A_1261 = arith.constant 0 : i32
    %eq3A_1262 = arith.cmpi eq, %arg1, %eq3A_1261 : i32
    %convert_element_type3A_1263 = arith.extui %eq3A_1262 : i1 to i32
    %cond3A_1264 = arith.constant 0 : i32
    %cond3A_1265 = arith.cmpi ne, %convert_element_type3A_1263, %cond3A_1264 : i32
    scf.if %cond3A_1265 {
      %get3A_1266 = arith.constant 0 : index
      %get3A_1267 = arith.constant 0 : index
      %get3A_1268 = vector.load %arg10[%get3A_1266, %get3A_1267] : memref<4096x128xf32, #tpu.memory_space<vmem>>, vector<4096x128xf32>
      %get3A_1269 = arith.constant 0 : index
      %get3A_1270 = arith.constant 0 : index
      %get3A_1271 = vector.load %arg11[%get3A_1269, %get3A_1270] : memref<4096x128xi32, #tpu.memory_space<vmem>>, vector<4096x128xi32>
      %reduce_min3A_1272 = arith.constant dense<0x7F800000> : vector<4096xf32>
      %reduce_min3A_1273 = vector.multi_reduction <minimumf>, %get3A_1268, %reduce_min3A_1272 [1] : vector<4096x128xf32> to vector<4096xf32>
      %iota3A = tpu.iota {dimensions = array<i32: 1>} : vector<4096x128xi32>
      %mul3A_1274 = arith.constant 128 : i32
      %mul3A_1275 = vector.broadcast %mul3A_1274 : i32 to vector<4096x128xi32>
      %mul3A_1276 = arith.muli %get3A_1271, %mul3A_1275 : vector<4096x128xi32>
      %add3A_1277 = arith.addi %mul3A_1276, %iota3A : vector<4096x128xi32>
      %broadcast_in_dim3A_1278 = vector.shape_cast %reduce_min3A_1273 : vector<4096xf32> to vector<4096x1xf32>
      %eq3A_1279 = vector.broadcast %broadcast_in_dim3A_1278 : vector<4096x1xf32> to vector<4096x128xf32>
      %eq3A_1280 = arith.cmpf oeq, %get3A_1268, %eq3A_1279 : vector<4096x128xf32>
      %jit3A = arith.constant 1073741824 : i32
      %broadcast_in_dim3A_1281 = vector.broadcast %jit3A : i32 to vector<4096x128xi32>
      %select_n3A_1282 = arith.select %eq3A_1280, %add3A_1277, %broadcast_in_dim3A_1281 : vector<4096x128xi1>, vector<4096x128xi32>
      %reduce_min3A_1283 = arith.constant dense<2147483647> : vector<4096xi32>
      %reduce_min3A_1284 = vector.multi_reduction <minsi>, %select_n3A_1282, %reduce_min3A_1283 [1] : vector<4096x128xi32> to vector<4096xi32>
      %get3A_1285 = arith.constant 0 : index
      %get3A_1286 = arith.constant 0 : index
      %get3A_1287 = arith.constant 0 : index
      %get3A_1288 = vector.load %arg3[%get3A_1285, %get3A_1286, %get3A_1287] : memref<1x1x4096xf32, #tpu.memory_space<vmem>>, vector<1x1x4096xf32>
      %get3A_1289 = vector.shape_cast %get3A_1288 : vector<1x1x4096xf32> to vector<4096xf32>
      %gt3A_1290 = arith.constant 0.000000e+00 : f32
      %gt3A_1291 = vector.broadcast %gt3A_1290 : f32 to vector<4096xf32>
      %gt3A_1292 = arith.cmpf ogt, %get3A_1289, %gt3A_1291 : vector<4096xf32>
      %jit3A_1293 = arith.constant 0 : i32
      %broadcast_in_dim3A_1294 = vector.broadcast %jit3A_1293 : i32 to vector<4096xi32>
      %select_n3A_1295 = arith.select %gt3A_1292, %reduce_min3A_1284, %broadcast_in_dim3A_1294 : vector<4096xi1>, vector<4096xi32>
      %swap3A_1296 = arith.constant 0 : index
      %swap3A_1297 = arith.constant 0 : index
      %swap3A_1298 = arith.constant 0 : index
      %swap3A_1299 = vector.load %arg7[%swap3A_1296, %swap3A_1297, %swap3A_1298] : memref<1x1x4096xi32, #tpu.memory_space<vmem>>, vector<1x1x4096xi32>
      %swap3A_1300 = vector.shape_cast %swap3A_1299 : vector<1x1x4096xi32> to vector<4096xi32>
      %swap3A_1301 = vector.shape_cast %select_n3A_1295 : vector<4096xi32> to vector<1x1x4096xi32>
      tpu.vector_store %arg7[%swap3A_1296, %swap3A_1297, %swap3A_1298], %swap3A_1301 {strides = array<i32>} : memref<1x1x4096xi32, #tpu.memory_space<vmem>>, vector<1x1x4096xi32>,
      %jit3A_1302 = arith.constant 0.000000e+00 : f32
      %broadcast_in_dim3A_1303 = vector.broadcast %jit3A_1302 : f32 to vector<4096xf32>
      %select_n3A_1304 = arith.select %gt3A_1292, %reduce_min3A_1273, %broadcast_in_dim3A_1303 : vector<4096xi1>, vector<4096xf32>
      %swap3A_1305 = arith.constant 0 : index
      %swap3A_1306 = arith.constant 0 : index
      %swap3A_1307 = arith.constant 0 : index
      %swap3A_1308 = vector.load %arg8[%swap3A_1305, %swap3A_1306, %swap3A_1307] : memref<1x1x4096xf32, #tpu.memory_space<vmem>>, vector<1x1x4096xf32>
      %swap3A_1309 = vector.shape_cast %swap3A_1308 : vector<1x1x4096xf32> to vector<4096xf32>
      %swap3A_1310 = vector.shape_cast %select_n3A_1304 : vector<4096xf32> to vector<1x1x4096xf32>
      tpu.vector_store %arg8[%swap3A_1305, %swap3A_1306, %swap3A_1307], %swap3A_1310 {strides = array<i32>} : memref<1x1x4096xf32, #tpu.memory_space<vmem>>, vector<1x1x4096xf32>,
    } else {
    }
    return
  }
  func.func @transform_0(%arg0: i32, %arg1: i32) -> (i32, i32, i32) {
    %c0_i32 = arith.constant 0 : i32
    %c0_i32_0 = arith.constant 0 : i32
    %c0_i32_1 = arith.constant 0 : i32
    return %arg0, %c0_i32, %c0_i32_0 : i32, i32, i32
  }
  func.func @transform_1(%arg0: i32, %arg1: i32) -> (i32, i32, i32) {
    %c0_i32 = arith.constant 0 : i32
    %c0_i32_0 = arith.constant 0 : i32
    %c0_i32_1 = arith.constant 0 : i32
    return %arg0, %c0_i32, %c0_i32_0 : i32, i32, i32
  }
  func.func @transform_2(%arg0: i32, %arg1: i32) -> (i32, i32, i32) {
    %c0_i32 = arith.constant 0 : i32
    %c0_i32_0 = arith.constant 0 : i32
    %c0_i32_1 = arith.constant 0 : i32
    return %arg1, %c0_i32, %c0_i32_0 : i32, i32, i32
  }
  func.func @transform_3(%arg0: i32, %arg1: i32) -> (i32, i32) {
    %c0_i32 = arith.constant 0 : i32
    %c0_i32_0 = arith.constant 0 : i32
    return %arg0, %c0_i32 : i32, i32
  }
  func.func @transform_4(%arg0: i32, %arg1: i32) -> (i32, i32) {
    %c0_i32 = arith.constant 0 : i32
    %c0_i32_0 = arith.constant 0 : i32
    return %arg1, %c0_i32 : i32, i32
  }
  func.func @transform_5(%arg0: i32, %arg1: i32) -> (i32, i32, i32) {
    %c0_i32 = arith.constant 0 : i32
    %c0_i32_0 = arith.constant 0 : i32
    %c0_i32_1 = arith.constant 0 : i32
    return %arg0, %c0_i32, %c0_i32_0 : i32, i32, i32
  }
  func.func @transform_6(%arg0: i32, %arg1: i32) -> (i32, i32, i32) {
    %c0_i32 = arith.constant 0 : i32
    %c0_i32_0 = arith.constant 0 : i32
    %c0_i32_1 = arith.constant 0 : i32
    return %arg0, %c0_i32, %c0_i32_0 : i32, i32, i32
  }
  func.func @transform_7(%arg0: i32, %arg1: i32) -> (i32, i32) {
    %c0_i32 = arith.constant 0 : i32
    %c0_i32_0 = arith.constant 0 : i32
    %c0_i32_1 = arith.constant 0 : i32
    return %c0_i32, %c0_i32_0 : i32, i32
  }
}

module attributes {stable_mosaic.version = 14 : i64} {
  func.func @_stage_c_body(%arg0: memref<128x128xf32, #tpu.memory_space<vmem>>, %arg1: memref<128x128xf32, #tpu.memory_space<vmem>>, %arg2: memref<64x128xf32, #tpu.memory_space<vmem>>, %arg3: memref<2x8192xf32, #tpu.memory_space<vmem>>, %arg4: memref<1x1xf32, #tpu.memory_space<vmem>>, %arg5: memref<1x1xf32, #tpu.memory_space<vmem>>, %arg6: memref<1x1xf32, #tpu.memory_space<vmem>>, %arg7: memref<1x1xf32, #tpu.memory_space<vmem>>) attributes {dimension_semantics = [], scalar_prefetch = 0 : i64, scratch_operands = 0 : i64, tpu.core_type = #tpu.core_type<tc>} {
    %get3A = arith.constant 0 : index
    %get3A_0 = arith.constant 0 : index
    %get3A_1 = vector.load %arg0[%get3A, %get3A_0] : memref<128x128xf32, #tpu.memory_space<vmem>>, vector<128x128xf32>
    %reduce_sum3A = vector.shape_cast %get3A_1 : vector<128x128xf32> to vector<1x128x128xf32>
    %reduce_sum3A_2 = arith.constant dense<0.000000e+00> : vector<1xf32>
    %reduce_sum3A_3 = vector.multi_reduction <add>, %reduce_sum3A, %reduce_sum3A_2 [1, 2] : vector<1x128x128xf32> to vector<1xf32>
    %reduce_sum3A_4 = vector.shape_cast %reduce_sum3A_3 : vector<1xf32> to vector<1x1x1xf32>
    %reduce_sum3A_5 = vector.extract %reduce_sum3A_4[0, 0, 0] : f32 from vector<1x1x1xf32>
    %get3A_6 = arith.constant 0 : index
    %get3A_7 = arith.constant 0 : index
    %get3A_8 = vector.load %arg1[%get3A_6, %get3A_7] : memref<128x128xf32, #tpu.memory_space<vmem>>, vector<128x128xf32>
    %reduce_sum3A_9 = vector.shape_cast %get3A_8 : vector<128x128xf32> to vector<1x128x128xf32>
    %reduce_sum3A_10 = arith.constant dense<0.000000e+00> : vector<1xf32>
    %reduce_sum3A_11 = vector.multi_reduction <add>, %reduce_sum3A_9, %reduce_sum3A_10 [1, 2] : vector<1x128x128xf32> to vector<1xf32>
    %reduce_sum3A_12 = vector.shape_cast %reduce_sum3A_11 : vector<1xf32> to vector<1x1x1xf32>
    %reduce_sum3A_13 = vector.extract %reduce_sum3A_12[0, 0, 0] : f32 from vector<1x1x1xf32>
    %div3A = arith.constant 2.560000e+02 : f32
    %div3A_14 = arith.divf %reduce_sum3A_5, %div3A : f32
    %max3A = arith.constant 1.000000e+00 : f32
    %max3A_15 = arith.maximumf %reduce_sum3A_13, %max3A : f32
    %div3A_16 = arith.divf %div3A_14, %max3A_15 : f32
    %reshape3A = vector.broadcast %div3A_16 : f32 to vector<1x1xf32>
    %swap3A = arith.constant 0 : index
    %swap3A_17 = arith.constant 0 : index
    %swap3A_18 = vector.load %arg4[%swap3A, %swap3A_17] : memref<1x1xf32, #tpu.memory_space<vmem>>, vector<1x1xf32>
    tpu.vector_store %arg4[%swap3A, %swap3A_17], %reshape3A {strides = array<i32>} : memref<1x1xf32, #tpu.memory_space<vmem>>, vector<1x1xf32>,
    %reshape3A_19 = vector.broadcast %div3A_16 : f32 to vector<1x1xf32>
    %swap3A_20 = arith.constant 0 : index
    %swap3A_21 = arith.constant 0 : index
    %swap3A_22 = vector.load %arg5[%swap3A_20, %swap3A_21] : memref<1x1xf32, #tpu.memory_space<vmem>>, vector<1x1xf32>
    tpu.vector_store %arg5[%swap3A_20, %swap3A_21], %reshape3A_19 {strides = array<i32>} : memref<1x1xf32, #tpu.memory_space<vmem>>, vector<1x1xf32>,
    %get3A_23 = arith.constant 0 : index
    %get3A_24 = arith.constant 0 : index
    %get3A_25 = vector.load %arg3[%get3A_23, %get3A_24] : memref<2x8192xf32, #tpu.memory_space<vmem>>, vector<2x8192xf32>
    %reduce_sum3A_26 = arith.constant dense<0.000000e+00> : vector<8192xf32>
    %reduce_sum3A_27 = vector.multi_reduction <add>, %get3A_25, %reduce_sum3A_26 [0] : vector<2x8192xf32> to vector<8192xf32>
    %get3A_28 = arith.constant 0 : index
    %get3A_29 = arith.constant 0 : index
    %get3A_30 = vector.load %arg2[%get3A_28, %get3A_29] : memref<64x128xf32, #tpu.memory_space<vmem>>, vector<64x128xf32>
    %reshape3A_31 = vector.shape_cast %get3A_30 : vector<64x128xf32> to vector<8192xf32>
    %lt3A = arith.constant 1.000000e+00 : f32
    %lt3A_32 = vector.broadcast %lt3A : f32 to vector<8192xf32>
    %lt3A_33 = arith.cmpf olt, %reduce_sum3A_27, %lt3A_32 : vector<8192xf32>
    %jit3A = arith.constant 1.000000e+00 : f32
    %jit3A_34 = arith.constant 0.000000e+00 : f32
    %broadcast_in_dim3A = vector.broadcast %jit3A : f32 to vector<8192xf32>
    %broadcast_in_dim3A_35 = vector.broadcast %jit3A_34 : f32 to vector<8192xf32>
    %select_n3A = arith.select %lt3A_33, %broadcast_in_dim3A, %broadcast_in_dim3A_35 : vector<8192xi1>, vector<8192xf32>
    %reduce_sum3A_36 = vector.shape_cast %select_n3A : vector<8192xf32> to vector<1x8192xf32>
    %reduce_sum3A_37 = arith.constant dense<0.000000e+00> : vector<1xf32>
    %reduce_sum3A_38 = vector.multi_reduction <add>, %reduce_sum3A_36, %reduce_sum3A_37 [1] : vector<1x8192xf32> to vector<1xf32>
    %reduce_sum3A_39 = vector.shape_cast %reduce_sum3A_38 : vector<1xf32> to vector<1x1xf32>
    %reduce_sum3A_40 = vector.extract %reduce_sum3A_39[0, 0] : f32 from vector<1x1xf32>
    %max3A_41 = arith.constant 1.000000e+00 : f32
    %max3A_42 = arith.maximumf %reduce_sum3A_40, %max3A_41 : f32
    %mul3A = arith.mulf %select_n3A, %reshape3A_31 : vector<8192xf32>
    %reduce_sum3A_43 = vector.shape_cast %mul3A : vector<8192xf32> to vector<1x8192xf32>
    %reduce_sum3A_44 = arith.constant dense<0.000000e+00> : vector<1xf32>
    %reduce_sum3A_45 = vector.multi_reduction <add>, %reduce_sum3A_43, %reduce_sum3A_44 [1] : vector<1x8192xf32> to vector<1xf32>
    %reduce_sum3A_46 = vector.shape_cast %reduce_sum3A_45 : vector<1xf32> to vector<1x1xf32>
    %reduce_sum3A_47 = vector.extract %reduce_sum3A_46[0, 0] : f32 from vector<1x1xf32>
    %div3A_48 = arith.constant 2.560000e+02 : f32
    %div3A_49 = arith.divf %reduce_sum3A_47, %div3A_48 : f32
    %div3A_50 = arith.divf %div3A_49, %max3A_42 : f32
    %reshape3A_51 = vector.broadcast %div3A_50 : f32 to vector<1x1xf32>
    %swap3A_52 = arith.constant 0 : index
    %swap3A_53 = arith.constant 0 : index
    %swap3A_54 = vector.load %arg6[%swap3A_52, %swap3A_53] : memref<1x1xf32, #tpu.memory_space<vmem>>, vector<1x1xf32>
    tpu.vector_store %arg6[%swap3A_52, %swap3A_53], %reshape3A_51 {strides = array<i32>} : memref<1x1xf32, #tpu.memory_space<vmem>>, vector<1x1xf32>,
    %gt3A = arith.constant 0.000000e+00 : f32
    %gt3A_55 = vector.broadcast %gt3A : f32 to vector<8192xf32>
    %gt3A_56 = arith.cmpf ogt, %reduce_sum3A_27, %gt3A_55 : vector<8192xf32>
    %jit3A_57 = arith.constant 1.000000e+00 : f32
    %jit3A_58 = arith.constant 0.000000e+00 : f32
    %broadcast_in_dim3A_59 = vector.broadcast %jit3A_57 : f32 to vector<8192xf32>
    %broadcast_in_dim3A_60 = vector.broadcast %jit3A_58 : f32 to vector<8192xf32>
    %select_n3A_61 = arith.select %gt3A_56, %broadcast_in_dim3A_59, %broadcast_in_dim3A_60 : vector<8192xi1>, vector<8192xf32>
    %reduce_sum3A_62 = vector.shape_cast %select_n3A_61 : vector<8192xf32> to vector<1x8192xf32>
    %reduce_sum3A_63 = arith.constant dense<0.000000e+00> : vector<1xf32>
    %reduce_sum3A_64 = vector.multi_reduction <add>, %reduce_sum3A_62, %reduce_sum3A_63 [1] : vector<1x8192xf32> to vector<1xf32>
    %reduce_sum3A_65 = vector.shape_cast %reduce_sum3A_64 : vector<1xf32> to vector<1x1xf32>
    %reduce_sum3A_66 = vector.extract %reduce_sum3A_65[0, 0] : f32 from vector<1x1xf32>
    %div3A_67 = arith.constant 8.192000e+03 : f32
    %div3A_68 = arith.divf %reduce_sum3A_66, %div3A_67 : f32
    %reshape3A_69 = vector.broadcast %div3A_68 : f32 to vector<1x1xf32>
    %swap3A_70 = arith.constant 0 : index
    %swap3A_71 = arith.constant 0 : index
    %swap3A_72 = vector.load %arg7[%swap3A_70, %swap3A_71] : memref<1x1xf32, #tpu.memory_space<vmem>>, vector<1x1xf32>
    tpu.vector_store %arg7[%swap3A_70, %swap3A_71], %reshape3A_69 {strides = array<i32>} : memref<1x1xf32, #tpu.memory_space<vmem>>, vector<1x1xf32>,
    return
  }
}

</mosaic_0001>

<sc_bundles>
// kernel: kernel.5.cloned.1.call-start
scs
__scs_entry_jumppad:
0x0: {  	(pc) =	sbr.rel $0x88, $3  }
0x1: {  	(tag) =	ssettag $0x0;
	lr =	simm.s32 $0x1  }
0x2: {  	[smem:$0x3F9C] =	sst lr;
	_ =	strace $0xD0000000  }
0x3: {  	_ = 	snop  }
0x4: {  	_ = 	snop  }
0x5: {  	_ = 	snop  }
0x6: {  	_ = 	snop  }
0x7: {  	_ = 	snop  }
__scs_overlays_trampoline_lowered:
0x8: {  	[smem:$0x3FAB] =	sst s0  }
0x9: {  	[smem:$0x3FAC] =	sst s1  }
0xa: {  	[smem:$0x3FAD] =	sst s2  }
0xb: {  	[smem:$0x3FAE] =	sst s3  }
0xc: {  	[smem:$0x3FAF] =	sst s4  }
0xd: {  	[smem:$0x3FB0] =	sst s5  }
0xe: {  	[smem:$0x3FB1] =	sst s6  }
0xf: {  	[smem:$0x3FB2] =	sst s7  }
0x10: {  	[smem:$0x3FB3] =	sst s8  }
0x11: {  	[smem:$0x3FB4] =	sst s9;
	s0 =	simm.s32 @!p0 $0x0  }
0x12: {  	s1 =	sld [smem:$0x3F9A];
	s0 =	simm.s32 @p0 $0x1  }
0x13: {  	[smem:$0x3FB5] =	sst s0;
	s0 =	simm.s32 @!p1 $0x0  }
0x14: {  	s2 =	sld [smem:$0x3F99];
	s0 =	simm.s32 @p1 $0x1  }
0x15: {  	[smem:$0x3FB6] =	sst s0;
	s0 =	simm.s32 @!p2 $0x0  }
0x16: {  	s3 =	sld [smem:$0x3FDB];
	s0 =	simm.s32 @p2 $0x1  }
0x17: {  	s4 =	simm.s32 $0x1BF5;
	[smem:$0x3FB8] =	sst s0  }
0x18: {  	s0 =	sld [smem:$0x3F9B];
	_ =	swait.ge [sflag:s4], $0x0  }
0x19: {  	s7 =	sld [smem:$0x3F9C]  }
0x1a: {  	s8 =	sadd.s32 $0xFFFFE003, lr  }
0x1b: {  	s9 =	sadd.s32 $0xFFFFFEF7, lr;
	s5 =	simm.s32 $0xFFFFFFFF;
	p2 =	slt.u32 s8, $0xFFFFF086  }
0x1c: {  	p1 =	slt.u32 s9, $0xF7A;
	s5 =	simm.s32 @!p2 $0x0  }
0x1d: {  	s5 =	simm.s32 @p1 $0x1;
	p0 =	seq.s32 s7, s2  }
0x1e: {  	s7 =	smul.u32 @!p0 $0xF7A, s2;
	p2 =	seq.s32 @!p0 s5, $0x0  }
0x1f: {  	s9 =	smul.u32 $0xF7A, s1;
	s8 =	simm.s32 @!p0 $0x1BF5;
	p2 =	por !p2, p0  }
0x20: {  	[sflag:s8] =	ssyncset.s32 @!p0 $0xFFFFF086;
	s6 =	sadd.s32 @!p0 s3, s7;
	s7 =	simm.s32 @!p0 $0x108  }
0x21: {  	s3 =	sadd.s32 s3, s9;
	s6 =	sadd.s32 @!p0 $0x88, s6;
	s7 =	simm.s32 @p2 $0x1082  }
0x22: {  	[simem:s7], [sflag:s8] =	dma.local @!p0 [hbm:s6], $0xF7A  }
0x23: {  	s9 =	sor.u32 $0xD0000000, s2;
	s6 =	simm.s32 $0x108;
	_ =	swait.ge @!p0 [sflag:s8], $0x0  }
0x24: {  	s3 =	sadd.s32 $0x88, s3;
	s6 =	simm.s32 @!p1 $0x1082;
	[sflag:s4] =	ssyncset.s32 $0xFFFFF086  }
0x25: {  	[simem:s6], [sflag:s4] =	dma.local [hbm:s3], $0xF7A  }
0x26: {  	[smem:$0x3F9C] =	sst s1;
	(tag) =	ssettag s2;
	_ =	strace s9  }
0x27: {  	s1 =	sld [smem:$0x3FAC]  }
0x28: {  	s2 =	sld [smem:$0x3FAD]  }
0x29: {  	s4 =	sld [smem:$0x3FAF]  }
0x2a: {  	p0 =	seq.s32 s5, $0x0;
	s5 =	sld [smem:$0x3FB0]  }
0x2b: {  	s6 =	sld [smem:$0x3FB1]  }
0x2c: {  	s7 =	sld [smem:$0x3FB2]  }
0x2d: {  	s3 =	simm.s32 $0x108;
	s8 =	sld [smem:$0x3FB3]  }
0x2e: {  	s3 =	simm.s32 @!p0 $0x1082;
	s9 =	sld [smem:$0x3FB4]  }
0x2f: {  	lr =	sadd.s32 s0, s3;
	s0 =	sld [smem:$0x3FAB]  }
0x30: {  	s3 =	sld [smem:$0x3FAE]  }
0x31: {  	[smem:$0x3FB7] =	sst s10  }
0x32: {  	s10 =	sld [smem:$0x3FB5];
	_ =	sdelay $0x3  }
0x33: {  	p0 =	seq.s32 s10, $0x1;
	s10 =	sld [smem:$0x3FB7];
	_ =	sdelay $0x3  }
0x34: {  	[smem:$0x3FB7] =	sst s10  }
0x35: {  	s10 =	sld [smem:$0x3FB6];
	_ =	sdelay $0x3  }
0x36: {  	p1 =	seq.s32 s10, $0x1;
	s10 =	sld [smem:$0x3FB7];
	_ =	sdelay $0x3  }
0x37: {  	[smem:$0x3FB7] =	sst s10  }
0x38: {  	s10 =	sld [smem:$0x3FB8]  }
0x39: {  	_ = 	snop;
	(pc) =	sbr.ind lr, $3  }
0x3a: {  	_ = 	snop  }
0x3b: {  	_ = 	snop  }
0x3c: {  	p2 =	seq.s32 s10, $0x1;
	s10 =	sld [smem:$0x3FB7]  }
0x3d: {  	_ =	shalt  }
0x3e: {  	_ =	shalt  }
0x3f: {  	_ =	shalt  }
0x40: {  	_ =	shalt  }
0x41: {  	_ =	shalt  }
0x42: {  	_ =	shalt  }
0x43: {  	_ =	shalt  }
0x44: {  	_ =	shalt  }
0x45: {  	_ =	shalt  }
0x46: {  	_ =	shalt  }
0x47: {  	_ =	shalt  }
0x48: {  	_ =	shalt  }
0x49: {  	_ =	shalt  }
0x4a: {  	_ =	shalt  }
0x4b: {  	_ =	shalt  }
0x4c: {  	_ =	shalt  }
0x4d: {  	_ =	shalt  }
0x4e: {  	_ =	shalt  }
0x4f: {  	_ =	shalt  }
0x50: {  	_ =	shalt  }
0x51: {  	_ =	shalt  }
0x52: {  	_ =	shalt  }
0x53: {  	_ =	shalt  }
0x54: {  	_ =	shalt  }
0x55: {  	_ =	shalt  }
0x56: {  	_ =	shalt  }
0x57: {  	_ =	shalt  }
0x58: {  	_ =	shalt  }
0x59: {  	_ =	shalt  }
0x5a: {  	_ =	shalt  }
0x5b: {  	_ =	shalt  }
0x5c: {  	_ =	shalt  }
0x5d: {  	_ =	shalt  }
0x5e: {  	_ =	shalt  }
0x5f: {  	_ =	shalt  }
0x60: {  	_ =	shalt  }
0x61: {  	_ =	shalt  }
0x62: {  	_ =	shalt  }
0x63: {  	_ =	shalt  }
0x64: {  	_ =	shalt  }
0x65: {  	_ =	shalt  }
0x66: {  	_ =	shalt  }
0x67: {  	_ =	shalt  }
0x68: {  	_ =	shalt  }
0x69: {  	_ =	shalt  }
0x6a: {  	_ =	shalt  }
0x6b: {  	_ =	shalt  }
0x6c: {  	_ =	shalt  }
0x6d: {  	_ =	shalt  }
0x6e: {  	_ =	shalt  }
0x6f: {  	_ =	shalt  }
0x70: {  	_ =	shalt  }
0x71: {  	_ =	shalt  }
0x72: {  	_ =	shalt  }
0x73: {  	_ =	shalt  }
0x74: {  	_ =	shalt  }
0x75: {  	_ =	shalt  }
0x76: {  	_ =	shalt  }
0x77: {  	_ =	shalt  }
0x78: {  	_ =	shalt  }
0x79: {  	_ =	shalt  }
0x7a: {  	_ =	shalt  }
0x7b: {  	_ =	shalt  }
0x7c: {  	_ =	shalt  }
0x7d: {  	_ =	shalt  }
0x7e: {  	_ =	shalt  }
0x7f: {  	_ =	shalt  }
0x80: {  	_ =	shalt  }
0x81: {  	_ =	shalt  }
0x82: {  	_ =	shalt  }
0x83: {  	_ =	shalt  }
0x84: {  	_ =	shalt  }
0x85: {  	_ =	shalt  }
0x86: {  	_ =	shalt  }
0x87: {  	_ =	shalt  }
.Lfunc_end0:
.L_simem_size_0:
called_computation_lowered:
.L_overlay_start_0:
0x88: {  	s2 =	sld [smem:$0x3FD9]  }
0x89: {  	s3 =	sld [smem:$0x3FFE];
	_ =	sdelay $0x1  }
0x8a: {  	s1 =	srdreg.scid  }
0x8b: {  	s0 =	sand.u32 $0x1, s1  }
0x8c: {  	s14 =	sshll.u32 s0, $0xA;
	s2 =	sadd.s32 s3, s2  }
0x8d: {  	s2 =	sadd.s32 s2, s14  }
0x8e: {  	[smem:$0x3FC3] =	sst s2  }
0x8f: {  	_ = 	snop  }
0x90: {  	s2 =	sld [smem:$0x3FD0];
	_ =	sdelay $0x2  }
0x91: {  	s15 =	simm.s32 $0xA;
	s4 =	simm.s32 $0x10  }
0x92: {  	[smem:s4], [sflag:s15] =	dma.local [hbm:s2], $0x1  }
0x93: {  	_ =	swait.eq [sflag:s15], $0x1  }
0x94: {  	[sflag:s15] =	ssyncset.done $0x0  }
0x95: {  	s16 =	sld [smem:$0x10];
	[sflag:s15] =	ssyncadd.s32 $0xFFFFFFFF  }
0x96: {  	s17 =	sld [smem:$0x11];
	(tm) =	ssettm $0x1  }
0x97: {  	s18 =	sld [smem:$0x3FFB];
	_ =	sdelay $0x3  }
0x98: {  	_ =	strace s18  }
0x99: {  	s4 =	sld [smem:$0x3FFC];
	_ =	sdelay $0x3  }
0x9a: {  	_ =	strace s4  }
0x9b: {  	s4 =	sld [smem:$0x3FFD];
	_ =	sdelay $0x3  }
0x9c: {  	_ =	strace s4  }
0x9d: {  	_ =	strace $0x8FFFFFFF  }
0x9e: {  	s19 =	sld [smem:$0x3FDB];
	_ =	sdelay $0x1  }
0x9f: {  	s5 =	simm.s32 $_scs_section_size  }
0xa0: {  	s6 =	simm.s32 $_size__tile_overlayer_lowered;
	s7 =	simm.s32 $_tile_overlayer_lowered  }
0xa1: {  	s22 =	simm.s32 $0x1BFF;
	s21 =	sshll.u32 s7, $0x1;
	s4 =	sadd.s32 s5, s19  }
0xa2: {  	s8 =	simm.s32 $0x0;
	s20 =	sshll.u32 s6, $0x1;
	s6 =	sadd.s32 s21, s4  }
0xa3: {  	[timem:s8], [sflag:s22] =	dma.local [hbm:s6], s20  }
0xa4: {  	_ =	swait.ge [sflag:s22], s20  }
0xa5: {  	s5 =	ssub.s32 $0x0, s20;
	[sflag:s22] =	ssyncset.done $0x0  }
0xa6: {  	[sflag:s22] =	ssyncadd.s32 s5;
	_ =	sdelay $0x1  }
0xa7: {  	s23 =	simm.s32 $0x1B8B  }
0xa8: {  	_ =	swait.ge [sflag:s23], $0x1  }
0xa9: {  	[sflag:s23] =	ssyncset.done $0x0  }
0xaa: {  	s25 =	simm.s32 $0x1B8E;
	s24 =	sld [smem:$0x3FFE];
	[sflag:s23] =	ssyncadd.s32 $0xFFFFFFFF  }
0xab: {  	s26 =	simm.s32 $execute0_lowered;
	[smem:$0x3FD2] =	sst s25  }
0xac: {  	s6 =	sshll.u32 s26, $0x1;
	_ =	strace $0x80000046;
	[dreg:$0x1] =	wrdreg $0xFFFFFFFF  }
0xad: {  	s28 =	simm.s32 $_size_execute0_lowered;
	s4 =	sadd.s32 s4, s6;
	[dreg:$0x0] =	wrdreg $0x0  }
0xae: {  	s6 =	sshll.u32 s28, $0x1;
	[dreg:$0x2] =	wrdreg s4  }
0xaf: {  	[dreg:$0x3] =	wrdreg s6  }
0xb0: {  	[dreg:$0x4] =	wrdreg $0xC0  }
0xb1: {  	_ =	task [dreg:s8], $0x5FFFF  }
0xb2: {  	[dreg:$0x1] =	wrdreg $0xFFFFFFFF  }
0xb3: {  	[dreg:$0x0] =	wrdreg $0x60  }
0xb4: {  	[dreg:$0x2] =	wrdreg s24  }
0xb5: {  	[dreg:$0x3] =	wrdreg s17  }
0xb6: {  	[dreg:$0x4] =	wrdreg s16  }
0xb7: {  	[dreg:$0x5] =	wrdreg $0x104000  }
0xb8: {  	[dreg:$0x6] =	wrdreg $0x9  }
0xb9: {  	_ =	task.clear_ibuf [dreg:s8], $0x7FFFF;
	_ =	strace $0x90000046  }
0xba: {  	s29 =	simm.s32 $0x9;
	_ =	strace $0x80000048  }
0xbb: {  	_ =	swait.ge [sflag:s29], $0x1  }
0xbc: {  	[sflag:s29] =	ssyncadd.s32 $0xFFFFFFFF  }
0xbd: {  	_ =	strace $0x90000048  }
0xbe: {  	_ =	sfence  }
0xbf: {  	s30 =	sld [smem:$0x0];
	_ =	sdelay $0x2  }
0xc0: {  	s31 =	sshll.u32 s1, $0xD;
	s1 =	sshrl.u32 s1, $0x2  }
0xc1: {  	s3 =	sand.u32 $0x4000, s31;
	s1 =	sadd.s32 s1, s30  }
0xc2: {  	s0 =	sor.u32 s3, s0;
	s1 =	sshll.u32 s1, $0x11  }
0xc3: {  	s0 =	sor.u32 s1, s0  }
0xc4: {  	s0 =	sadd.s32 $0x8F2B, s0  }
0xc5: {  	[sflag:s0] =	ssyncadd.remote.s32 $0x1  }
0xc6: {  	_ =	sfence.sel $0xFFFF  }
0xc7: {  	[dreg:$0x0] =	wrdreg $0xFFFFFFFF;
	(pc) =	sbr.abs _section_cstart, $3  }
0xc8: {  	[dreg:$0x1] =	wrdreg $0xFFFFFFFF  }
0xc9: {  	_ =	task.clear_ibuf [dreg:s8], $0x2FFFF;
	_ =	strace $0x9FFFFFFF  }
0xca: {  	(tm) =	ssettm $0x7FFFFFFF  }
0xcb: {  	_ =	shalt  }
tec
execute0_lowered:
.L_overlay_start_1:
0x0: {  	(tag) =	ssettag $0x1  }
0x1: {  	s0 =	rddreg [dreg:$0x0]  }
0x2: {  	s1 =	rddreg [dreg:$0x1]  }
0x3: {  	s4 =	rddreg [dreg:$0x2]  }
0x4: {  	s11 =	rddreg [dreg:$0x3]  }
0x5: {  	s3 =	srdreg.scid;
	s2 =	simm.s32 $0x0;
	s5 =	stileid.u32  }
0x6: {  	s31 =	simm.s32 $0x2400;
	s12 =	simm.s32 $0x5400;
	s13 =	simm.s32 $0x5C00  }
0x7: {  	s14 =	simm.s32 $0x6400;
	s15 =	simm.s32 $0x6C00;
	s16 =	simm.s32 $0x7C00  }
0x8: {  	s18 =	simm.s32 $0x1;
	s21 =	simm.s32 $0x9400;
	s19 =	simm.s32 $0xB400  }
0x9: {  	s20 =	simm.s32 $0xBC00;
	s6 =	sand.u32 $0x1, s3;
	[smem:$0x7FF] =	sst s2  }
0xa: {  	s23 =	sshll.u32 s5, $0xA;
	s3 =	sadd.s32 $0x2000, s0;
	s9 =	sadd.s32 $0x42000, s0  }
0xb: {  	p0 =	sne.s32 s5, $0x0;
	s5 =	simm.s32 $0x3;
	s7 =	sshll.u32 s6, $0x9  }
0xc: {  	_ =	strace $0x80000047;
	[dreg:$0x5] =	wrdreg s9;
	s24 =	sshll.u32 s6, $0x4  }
0xd: {  	s6 =	ssub.s32 $0x2, s6;
	s9 =	simm.s32 $0x2C00;
	s7 =	sor.u32 s7, s23  }
0xe: {  	s28 =	sshrl.u32 s6, $0x1;
	s23 =	simm.s32 $0xA400;
	s8 =	sshrl.u32 s7, $0x3  }
0xf: {  	s7 =	sshll.u32 s7, $0x5;
	s6 =	ssub.s32 s6, s28;
	s1 =	sadd.s32 s1, s8  }
0x10: {  	s10 =	sadd.s32 s8, s0;
	s4 =	sadd.s32 s4, s7;
	[dreg:$0x6] =	wrdreg s1  }
0x11: {  	s0 =	sadd.s32 s24, s0;
	s25 =	sadd.s32 $0x1800, s10;
	[dreg:$0xc] =	wrdreg s4  }
0x12: {  	s17 =	smax.u32 s6, $0x1;
	s26 =	sadd.s32 $0x1000, s4;
	[dreg:$0x7] =	wrdreg s25  }
0x13: {  	s6 =	simm.s32 $0x400;
	s29 =	sadd.s32 $0x2000, s4;
	[dreg:$0x8] =	wrdreg s26  }
0x14: {  	s8 =	simm.s32 $0x3C00;
	s30 =	sadd.s32 $0x3000, s4;
	[dreg:$0x9] =	wrdreg s29  }
0x15: {  	v2 =	vlaneseq.u32;
	s7 =	simm.s32 $0x8400;
	s0 =	sadd.s32 $0x42400, s0;
	[dreg:$0xa] =	wrdreg s30  }
0x16: {  	vm0 =	vmmov $0xffff;
	v1 =	vshrl.u32 v2, $0x3;
	s10 =	simm.s32 $0x4400;
	[dreg:$0xb] =	wrdreg s0;
	s0 =	sshrl.u32 @!p0 s11, $0x3  }
0x17: {  	v0 =	vand.u32 $0x7, v2;
	v2 =	vor.u32 $0x8, v2;
	v1 =	vmul.u32 $0x8, v1;
	s11 =	simm.s32 $0x4C00;
	s25 =	simm.s32 $0xAC00;
	[dreg:$0xd] =	wrdreg s0  }
.LBB2_1:
0x18: {  	s22 =	rddreg [dreg:$0x5]  }
0x19: {  	s0 =	simm.s32 @!p0 $0x1C06;
	s26 =	rddreg [dreg:$0xd]  }
0x1a: {  	[spmem:s26], [sflag:s0] =	dma.local @!p0 [hbm:s22], $0x400  }
0x1b: {  	s22 =	simm.s32 @!p0 $0x6  }
0x1c: {  	_ =	swait.ge @!p0 [sflag:s22], $0x400  }
0x1d: {  	[sflag:s22] =	ssyncset.done @!p0 $0x0  }
0x1e: {  	s4 =	simm.s32 $0x6;
	s24 =	rddreg [dreg:$0x6];
	[sflag:s22] =	ssyncadd.s32 @!p0 $0xFFFFFC00  }
0x1f: {  	[tilespmem:s2], [sflag:$0x6] =	stream.linear.gather [hbm4b:s24+s2], $0x200, $0x38;
	[tilespmem:$0x10600] =	vst v63  }
0x20: {  	_ =	swait.ge [sflag:s4], $0x200  }
0x21: {  	[sflag:s4] =	ssyncset.done $0x0  }
0x22: {  	s28 =	simm.s32 $0x200;
	s29 =	rddreg [dreg:$0x7];
	[sflag:s4] =	ssyncadd.s32 $0xFFFFFE00  }
0x23: {  	[tilespmem:s28], [sflag:$0x6] =	stream.linear.gather [hbm4b:s29+s2], $0x200, $0x38;
	[tilespmem:$0x10600] =	vst v63  }
0x24: {  	_ =	swait.ge [sflag:s4], $0x200  }
0x25: {  	[sflag:s4] =	ssyncset.done $0x0  }
0x26: {  	[sflag:s4] =	ssyncadd.s32 $0xFFFFFE00  }
0x27: {  	[bflag:$0x0] =	sbarrier.arrive $0xFFFF  }
0x28: {  	s30 =	rddreg [dreg:$0x3]  }
0x29: {  	[spmem:s30] =	stream.indirect.scatter.add.f32 [tilespmem:s28], [sflag:$0x5], $0x1, s2, s28, $0xb8;
	[tilespmem:$0x10600] =	vst v63  }
0x2a: {  	v3 =	vld [tilespmem:$0x0];
	_ =	sdelay $0x4  }
0x2b: {  	v4 =	vshll.u32 v3, $0x1  }
0x2c: {  	v3 =	vand.u32 $0x7, v3;
	v4 =	vand.u32 $0xFFFFFFF0, v4  }
0x2d: {  	v3 =	vor.u32 v3, v4  }
0x2e: {  	v4 =	vperm.xlane v3, v0;
	_ =	sdelay $0x1  }
0x2f: {  	v3 =	vperm.xlane v3, v2;
	v4 =	vadd.s32 v1, v4;
	_ =	sdelay $0x1  }
0x30: {  	v3 =	vadd.s32 v1, v3;
	_ =	sdelay $0x2  }
0x31: {  	[tilespmem:s6], [sflag:$0x1] =	stream.indirect_vreg.gather [hbm4b:s3+s2], $0x80, v4, vm0, $0xb8;
	[tilespmem:$0x10600] =	vst v63  }
0x32: {  	s28 =	simm.s32 $0xC00  }
0x33: {  	[tilespmem:s28], [sflag:$0x1] =	stream.indirect_vreg.gather [hbm4b:s3+s2], $0x80, v3, vm0, $0xb8;
	[tilespmem:$0x10600] =	vst v63  }
0x34: {  	v3 =	vld [tilespmem:$0x10];
	_ =	sdelay $0x4  }
0x35: {  	v33 =	vshll.u32 v3, $0x1  }
0x36: {  	v3 =	vand.u32 $0x7, v3;
	v4 =	vand.u32 $0xFFFFFFF0, v33  }
0x37: {  	v3 =	vor.u32 v3, v4  }
0x38: {  	v4 =	vperm.xlane v3, v0;
	_ =	sdelay $0x1  }
0x39: {  	v3 =	vperm.xlane v3, v2;
	v4 =	vadd.s32 v1, v4;
	_ =	sdelay $0x1  }
0x3a: {  	v3 =	vadd.s32 v1, v3;
	_ =	sdelay $0x1  }
0x3b: {  	s29 =	simm.s32 $0x1400  }
0x3c: {  	[tilespmem:s29], [sflag:$0x1] =	stream.indirect_vreg.gather [hbm4b:s3+s2], $0x80, v4, vm0, $0xb8;
	[tilespmem:$0x10600] =	vst v63  }
0x3d: {  	s30 =	simm.s32 $0x1C00  }
0x3e: {  	[tilespmem:s30], [sflag:$0x1] =	stream.indirect_vreg.gather [hbm4b:s3+s2], $0x80, v3, vm0, $0xb8;
	[tilespmem:$0x10600] =	vst v63  }
0x3f: {  	v3 =	vld [tilespmem:$0x20];
	_ =	sdelay $0x4  }
0x40: {  	v34 =	vshll.u32 v3, $0x1  }
0x41: {  	v3 =	vand.u32 $0x7, v3;
	v4 =	vand.u32 $0xFFFFFFF0, v34  }
0x42: {  	v3 =	vor.u32 v3, v4  }
0x43: {  	v4 =	vperm.xlane v3, v0;
	_ =	sdelay $0x1  }
0x44: {  	v3 =	vperm.xlane v3, v2;
	v4 =	vadd.s32 v1, v4;
	_ =	sdelay $0x1  }
0x45: {  	v3 =	vadd.s32 v1, v3;
	_ =	sdelay $0x2  }
0x46: {  	[tilespmem:s31], [sflag:$0x1] =	stream.indirect_vreg.gather [hbm4b:s3+s2], $0x80, v4, vm0, $0xb8;
	[tilespmem:$0x10600] =	vst v63  }
0x47: {  	_ = 	snop  }
0x48: {  	[tilespmem:s9], [sflag:$0x1] =	stream.indirect_vreg.gather [hbm4b:s3+s2], $0x80, v3, vm0, $0xb8;
	[tilespmem:$0x10600] =	vst v63  }
0x49: {  	v3 =	vld [tilespmem:$0x30];
	_ =	sdelay $0x4  }
0x4a: {  	v35 =	vshll.u32 v3, $0x1  }
0x4b: {  	v3 =	vand.u32 $0x7, v3;
	v4 =	vand.u32 $0xFFFFFFF0, v35  }
0x4c: {  	v3 =	vor.u32 v3, v4  }
0x4d: {  	v4 =	vperm.xlane v3, v0;
	_ =	sdelay $0x1  }
0x4e: {  	v3 =	vperm.xlane v3, v2;
	v4 =	vadd.s32 v1, v4;
	_ =	sdelay $0x1  }
0x4f: {  	v3 =	vadd.s32 v1, v3;
	_ =	sdelay $0x1  }
0x50: {  	s1 =	simm.s32 $0x3400  }
0x51: {  	[tilespmem:s1], [sflag:$0x1] =	stream.indirect_vreg.gather [hbm4b:s3+s2], $0x80, v4, vm0, $0xb8;
	[tilespmem:$0x10600] =	vst v63  }
0x52: {  	_ = 	snop  }
0x53: {  	[tilespmem:s8], [sflag:$0x1] =	stream.indirect_vreg.gather [hbm4b:s3+s2], $0x80, v3, vm0, $0xb8;
	[tilespmem:$0x10600] =	vst v63  }
0x54: {  	v3 =	vld [tilespmem:$0x40];
	_ =	sdelay $0x4  }
0x55: {  	v36 =	vshll.u32 v3, $0x1  }
0x56: {  	v3 =	vand.u32 $0x7, v3;
	v4 =	vand.u32 $0xFFFFFFF0, v36  }
0x57: {  	v3 =	vor.u32 v3, v4  }
0x58: {  	v4 =	vperm.xlane v3, v0;
	_ =	sdelay $0x1  }
0x59: {  	v3 =	vperm.xlane v3, v2;
	v4 =	vadd.s32 v1, v4;
	_ =	sdelay $0x1  }
0x5a: {  	v3 =	vadd.s32 v1, v3;
	_ =	sdelay $0x2  }
0x5b: {  	[tilespmem:s10], [sflag:$0x1] =	stream.indirect_vreg.gather [hbm4b:s3+s2], $0x80, v4, vm0, $0xb8;
	[tilespmem:$0x10600] =	vst v63  }
0x5c: {  	_ = 	snop  }
0x5d: {  	[tilespmem:s11], [sflag:$0x1] =	stream.indirect_vreg.gather [hbm4b:s3+s2], $0x80, v3, vm0, $0xb8;
	[tilespmem:$0x10600] =	vst v63  }
0x5e: {  	v3 =	vld [tilespmem:$0x50];
	_ =	sdelay $0x4  }
0x5f: {  	v37 =	vshll.u32 v3, $0x1  }
0x60: {  	v3 =	vand.u32 $0x7, v3;
	v4 =	vand.u32 $0xFFFFFFF0, v37  }
0x61: {  	v3 =	vor.u32 v3, v4  }
0x62: {  	v4 =	vperm.xlane v3, v0;
	_ =	sdelay $0x1  }
0x63: {  	v3 =	vperm.xlane v3, v2;
	v4 =	vadd.s32 v1, v4;
	_ =	sdelay $0x1  }
0x64: {  	v3 =	vadd.s32 v1, v3;
	_ =	sdelay $0x2  }
0x65: {  	[tilespmem:s12], [sflag:$0x1] =	stream.indirect_vreg.gather [hbm4b:s3+s2], $0x80, v4, vm0, $0xb8;
	[tilespmem:$0x10600] =	vst v63  }
0x66: {  	_ = 	snop  }
0x67: {  	[tilespmem:s13], [sflag:$0x1] =	stream.indirect_vreg.gather [hbm4b:s3+s2], $0x80, v3, vm0, $0xb8;
	[tilespmem:$0x10600] =	vst v63  }
0x68: {  	v3 =	vld [tilespmem:$0x60];
	_ =	sdelay $0x4  }
0x69: {  	v38 =	vshll.u32 v3, $0x1  }
0x6a: {  	v3 =	vand.u32 $0x7, v3;
	v4 =	vand.u32 $0xFFFFFFF0, v38  }
0x6b: {  	v3 =	vor.u32 v3, v4  }
0x6c: {  	v4 =	vperm.xlane v3, v0;
	_ =	sdelay $0x1  }
0x6d: {  	v3 =	vperm.xlane v3, v2;
	v4 =	vadd.s32 v1, v4;
	_ =	sdelay $0x1  }
0x6e: {  	v3 =	vadd.s32 v1, v3;
	_ =	sdelay $0x2  }
0x6f: {  	[tilespmem:s14], [sflag:$0x1] =	stream.indirect_vreg.gather [hbm4b:s3+s2], $0x80, v4, vm0, $0xb8;
	[tilespmem:$0x10600] =	vst v63  }
0x70: {  	_ = 	snop  }
0x71: {  	[tilespmem:s15], [sflag:$0x1] =	stream.indirect_vreg.gather [hbm4b:s3+s2], $0x80, v3, vm0, $0xb8;
	[tilespmem:$0x10600] =	vst v63  }
0x72: {  	v3 =	vld [tilespmem:$0x70];
	_ =	sdelay $0x4  }
0x73: {  	v39 =	vshll.u32 v3, $0x1  }
0x74: {  	v3 =	vand.u32 $0x7, v3;
	v4 =	vand.u32 $0xFFFFFFF0, v39  }
0x75: {  	v3 =	vor.u32 v3, v4  }
0x76: {  	v4 =	vperm.xlane v3, v0;
	_ =	sdelay $0x1  }
0x77: {  	v3 =	vperm.xlane v3, v2;
	v4 =	vadd.s32 v1, v4;
	_ =	sdelay $0x1  }
0x78: {  	v3 =	vadd.s32 v1, v3;
	_ =	sdelay $0x1  }
0x79: {  	s4 =	simm.s32 $0x7400  }
0x7a: {  	[tilespmem:s4], [sflag:$0x1] =	stream.indirect_vreg.gather [hbm4b:s3+s2], $0x80, v4, vm0, $0xb8;
	[tilespmem:$0x10600] =	vst v63  }
0x7b: {  	_ = 	snop  }
0x7c: {  	[tilespmem:s16], [sflag:$0x1] =	stream.indirect_vreg.gather [hbm4b:s3+s2], $0x80, v3, vm0, $0xb8;
	[tilespmem:$0x10600] =	vst v63  }
0x7d: {  	_ =	swait.ge [sflag:s18], $0x8000  }
0x7e: {  	[sflag:s18] =	ssyncset.done $0x0  }
0x7f: {  	s0 =	rddreg [dreg:$0xc];
	[sflag:s18] =	ssyncadd.s32 $0xFFFF8000  }
0x80: {  	[hbm4b:s0+s2] =	stream.linear.scatter [tilespmem:s6], [sflag:$0x3], $0x8000, $0x38;
	[tilespmem:$0x10600] =	vst v63  }
0x81: {  	v3 =	vld [tilespmem:$0x80];
	_ =	sdelay $0x4  }
0x82: {  	v40 =	vshll.u32 v3, $0x1  }
0x83: {  	v3 =	vand.u32 $0x7, v3;
	v4 =	vand.u32 $0xFFFFFFF0, v40  }
0x84: {  	v3 =	vor.u32 v3, v4  }
0x85: {  	v4 =	vperm.xlane v3, v0;
	_ =	sdelay $0x1  }
0x86: {  	v3 =	vperm.xlane v3, v2;
	v4 =	vadd.s32 v1, v4;
	_ =	sdelay $0x1  }
0x87: {  	v3 =	vadd.s32 v1, v3;
	_ =	sdelay $0x2  }
0x88: {  	[tilespmem:s7], [sflag:$0x2] =	stream.indirect_vreg.gather [hbm4b:s3+s2], $0x80, v4, vm0, $0xb8;
	[tilespmem:$0x10600] =	vst v63  }
0x89: {  	s24 =	simm.s32 $0x8C00  }
0x8a: {  	[tilespmem:s24], [sflag:$0x2] =	stream.indirect_vreg.gather [hbm4b:s3+s2], $0x80, v3, vm0, $0xb8;
	[tilespmem:$0x10600] =	vst v63  }
0x8b: {  	v3 =	vld [tilespmem:$0x90];
	_ =	sdelay $0x4  }
0x8c: {  	v41 =	vshll.u32 v3, $0x1  }
0x8d: {  	v3 =	vand.u32 $0x7, v3;
	v4 =	vand.u32 $0xFFFFFFF0, v41  }
0x8e: {  	v3 =	vor.u32 v3, v4  }
0x8f: {  	v4 =	vperm.xlane v3, v0;
	_ =	sdelay $0x1  }
0x90: {  	v3 =	vperm.xlane v3, v2;
	v4 =	vadd.s32 v1, v4;
	_ =	sdelay $0x1  }
0x91: {  	v3 =	vadd.s32 v1, v3;
	_ =	sdelay $0x2  }
0x92: {  	[tilespmem:s21], [sflag:$0x2] =	stream.indirect_vreg.gather [hbm4b:s3+s2], $0x80, v4, vm0, $0xb8;
	[tilespmem:$0x10600] =	vst v63  }
0x93: {  	s24 =	simm.s32 $0x9C00  }
0x94: {  	[tilespmem:s24], [sflag:$0x2] =	stream.indirect_vreg.gather [hbm4b:s3+s2], $0x80, v3, vm0, $0xb8;
	[tilespmem:$0x10600] =	vst v63  }
0x95: {  	v3 =	vld [tilespmem:$0xA0];
	_ =	sdelay $0x4  }
0x96: {  	v42 =	vshll.u32 v3, $0x1  }
0x97: {  	v3 =	vand.u32 $0x7, v3;
	v4 =	vand.u32 $0xFFFFFFF0, v42  }
0x98: {  	v3 =	vor.u32 v3, v4  }
0x99: {  	v4 =	vperm.xlane v3, v0;
	_ =	sdelay $0x1  }
0x9a: {  	v3 =	vperm.xlane v3, v2;
	v4 =	vadd.s32 v1, v4;
	_ =	sdelay $0x1  }
0x9b: {  	v3 =	vadd.s32 v1, v3;
	_ =	sdelay $0x2  }
0x9c: {  	[tilespmem:s23], [sflag:$0x2] =	stream.indirect_vreg.gather [hbm4b:s3+s2], $0x80, v4, vm0, $0xb8;
	[tilespmem:$0x10600] =	vst v63  }
0x9d: {  	_ = 	snop  }
0x9e: {  	[tilespmem:s25], [sflag:$0x2] =	stream.indirect_vreg.gather [hbm4b:s3+s2], $0x80, v3, vm0, $0xb8;
	[tilespmem:$0x10600] =	vst v63  }
0x9f: {  	v3 =	vld [tilespmem:$0xB0];
	_ =	sdelay $0x4  }
0xa0: {  	v43 =	vshll.u32 v3, $0x1  }
0xa1: {  	v3 =	vand.u32 $0x7, v3;
	v4 =	vand.u32 $0xFFFFFFF0, v43  }
0xa2: {  	v3 =	vor.u32 v3, v4  }
0xa3: {  	v4 =	vperm.xlane v3, v0;
	_ =	sdelay $0x1  }
0xa4: {  	v3 =	vperm.xlane v3, v2;
	v4 =	vadd.s32 v1, v4;
	_ =	sdelay $0x1  }
0xa5: {  	v3 =	vadd.s32 v1, v3;
	_ =	sdelay $0x2  }
0xa6: {  	[tilespmem:s19], [sflag:$0x2] =	stream.indirect_vreg.gather [hbm4b:s3+s2], $0x80, v4, vm0, $0xb8;
	[tilespmem:$0x10600] =	vst v63  }
0xa7: {  	_ = 	snop  }
0xa8: {  	[tilespmem:s20], [sflag:$0x2] =	stream.indirect_vreg.gather [hbm4b:s3+s2], $0x80, v3, vm0, $0xb8;
	[tilespmem:$0x10600] =	vst v63  }
0xa9: {  	v3 =	vld [tilespmem:$0xC0];
	_ =	sdelay $0x4  }
0xaa: {  	v44 =	vshll.u32 v3, $0x1  }
0xab: {  	v3 =	vand.u32 $0x7, v3;
	v4 =	vand.u32 $0xFFFFFFF0, v44  }
0xac: {  	v3 =	vor.u32 v3, v4  }
0xad: {  	v4 =	vperm.xlane v3, v0;
	_ =	sdelay $0x1  }
0xae: {  	v3 =	vperm.xlane v3, v2;
	v4 =	vadd.s32 v1, v4;
	_ =	sdelay $0x1  }
0xaf: {  	v3 =	vadd.s32 v1, v3;
	_ =	sdelay $0x1  }
0xb0: {  	s24 =	simm.s32 $0xC400  }
0xb1: {  	[tilespmem:s24], [sflag:$0x2] =	stream.indirect_vreg.gather [hbm4b:s3+s2], $0x80, v4, vm0, $0xb8;
	[tilespmem:$0x10600] =	vst v63  }
0xb2: {  	s24 =	simm.s32 $0xCC00  }
0xb3: {  	[tilespmem:s24], [sflag:$0x2] =	stream.indirect_vreg.gather [hbm4b:s3+s2], $0x80, v3, vm0, $0xb8;
	[tilespmem:$0x10600] =	vst v63  }
0xb4: {  	v3 =	vld [tilespmem:$0xD0];
	_ =	sdelay $0x4  }
0xb5: {  	v45 =	vshll.u32 v3, $0x1  }
0xb6: {  	v3 =	vand.u32 $0x7, v3;
	v4 =	vand.u32 $0xFFFFFFF0, v45  }
0xb7: {  	v3 =	vor.u32 v3, v4  }
0xb8: {  	v4 =	vperm.xlane v3, v0;
	_ =	sdelay $0x1  }
0xb9: {  	v3 =	vperm.xlane v3, v2;
	v4 =	vadd.s32 v1, v4;
	_ =	sdelay $0x1  }
0xba: {  	v3 =	vadd.s32 v1, v3;
	_ =	sdelay $0x1  }
0xbb: {  	s24 =	simm.s32 $0xD400  }
0xbc: {  	[tilespmem:s24], [sflag:$0x2] =	stream.indirect_vreg.gather [hbm4b:s3+s2], $0x80, v4, vm0, $0xb8;
	[tilespmem:$0x10600] =	vst v63  }
0xbd: {  	s24 =	simm.s32 $0xDC00  }
0xbe: {  	[tilespmem:s24], [sflag:$0x2] =	stream.indirect_vreg.gather [hbm4b:s3+s2], $0x80, v3, vm0, $0xb8;
	[tilespmem:$0x10600] =	vst v63  }
0xbf: {  	v3 =	vld [tilespmem:$0xE0];
	_ =	sdelay $0x4  }
0xc0: {  	v46 =	vshll.u32 v3, $0x1  }
0xc1: {  	v3 =	vand.u32 $0x7, v3;
	v4 =	vand.u32 $0xFFFFFFF0, v46  }
0xc2: {  	v3 =	vor.u32 v3, v4  }
0xc3: {  	v4 =	vperm.xlane v3, v0;
	_ =	sdelay $0x1  }
0xc4: {  	v3 =	vperm.xlane v3, v2;
	v4 =	vadd.s32 v1, v4;
	_ =	sdelay $0x1  }
0xc5: {  	v3 =	vadd.s32 v1, v3;
	_ =	sdelay $0x1  }
0xc6: {  	s24 =	simm.s32 $0xE400  }
0xc7: {  	[tilespmem:s24], [sflag:$0x2] =	stream.indirect_vreg.gather [hbm4b:s3+s2], $0x80, v4, vm0, $0xb8;
	[tilespmem:$0x10600] =	vst v63  }
0xc8: {  	s24 =	simm.s32 $0xEC00  }
0xc9: {  	[tilespmem:s24], [sflag:$0x2] =	stream.indirect_vreg.gather [hbm4b:s3+s2], $0x80, v3, vm0, $0xb8;
	[tilespmem:$0x10600] =	vst v63  }
0xca: {  	v3 =	vld [tilespmem:$0xF0];
	_ =	sdelay $0x4  }
0xcb: {  	v47 =	vshll.u32 v3, $0x1  }
0xcc: {  	v3 =	vand.u32 $0x7, v3;
	v4 =	vand.u32 $0xFFFFFFF0, v47  }
0xcd: {  	v3 =	vor.u32 v3, v4  }
0xce: {  	v4 =	vperm.xlane v3, v0;
	_ =	sdelay $0x1  }
0xcf: {  	v3 =	vperm.xlane v3, v2;
	v4 =	vadd.s32 v1, v4;
	_ =	sdelay $0x1  }
0xd0: {  	v3 =	vadd.s32 v1, v3;
	_ =	sdelay $0x1  }
0xd1: {  	s24 =	simm.s32 $0xF400  }
0xd2: {  	[tilespmem:s24], [sflag:$0x2] =	stream.indirect_vreg.gather [hbm4b:s3+s2], $0x80, v4, vm0, $0xb8;
	[tilespmem:$0x10600] =	vst v63  }
0xd3: {  	s0 =	simm.s32 $0x2;
	s24 =	simm.s32 $0xFC00  }
0xd4: {  	[tilespmem:s24], [sflag:$0x2] =	stream.indirect_vreg.gather [hbm4b:s3+s2], $0x80, v3, vm0, $0xb8;
	[tilespmem:$0x10600] =	vst v63  }
0xd5: {  	_ =	swait.ge [sflag:s0], $0x8000  }
0xd6: {  	[sflag:s0] =	ssyncset.done $0x0  }
0xd7: {  	s24 =	rddreg [dreg:$0x8];
	[sflag:s0] =	ssyncadd.s32 $0xFFFF8000  }
0xd8: {  	[hbm4b:s24+s2] =	stream.linear.scatter [tilespmem:s7], [sflag:$0x4], $0x8000, $0x38;
	[tilespmem:$0x10600] =	vst v63  }
0xd9: {  	_ =	swait.ge [sflag:s5], $0x8000  }
0xda: {  	[sflag:s5] =	ssyncset.done $0x0  }
0xdb: {  	[sflag:s5] =	ssyncadd.s32 $0xFFFF8000  }
0xdc: {  	v3 =	vld [tilespmem:$0x100];
	_ =	sdelay $0x4  }
0xdd: {  	v48 =	vshll.u32 v3, $0x1  }
0xde: {  	v3 =	vand.u32 $0x7, v3;
	v4 =	vand.u32 $0xFFFFFFF0, v48  }
0xdf: {  	v3 =	vor.u32 v3, v4  }
0xe0: {  	v4 =	vperm.xlane v3, v0;
	_ =	sdelay $0x1  }
0xe1: {  	v3 =	vperm.xlane v3, v2;
	v4 =	vadd.s32 v1, v4;
	_ =	sdelay $0x1  }
0xe2: {  	v3 =	vadd.s32 v1, v3;
	_ =	sdelay $0x2  }
0xe3: {  	[tilespmem:s6], [sflag:$0x1] =	stream.indirect_vreg.gather [hbm4b:s3+s2], $0x80, v4, vm0, $0xb8;
	[tilespmem:$0x10600] =	vst v63  }
0xe4: {  	_ = 	snop  }
0xe5: {  	[tilespmem:s28], [sflag:$0x1] =	stream.indirect_vreg.gather [hbm4b:s3+s2], $0x80, v3, vm0, $0xb8;
	[tilespmem:$0x10600] =	vst v63  }
0xe6: {  	v3 =	vld [tilespmem:$0x110];
	_ =	sdelay $0x4  }
0xe7: {  	v49 =	vshll.u32 v3, $0x1  }
0xe8: {  	v3 =	vand.u32 $0x7, v3;
	v4 =	vand.u32 $0xFFFFFFF0, v49  }
0xe9: {  	v3 =	vor.u32 v3, v4  }
0xea: {  	v4 =	vperm.xlane v3, v0;
	_ =	sdelay $0x1  }
0xeb: {  	v3 =	vperm.xlane v3, v2;
	v4 =	vadd.s32 v1, v4;
	_ =	sdelay $0x1  }
0xec: {  	v3 =	vadd.s32 v1, v3;
	_ =	sdelay $0x2  }
0xed: {  	[tilespmem:s29], [sflag:$0x1] =	stream.indirect_vreg.gather [hbm4b:s3+s2], $0x80, v4, vm0, $0xb8;
	[tilespmem:$0x10600] =	vst v63  }
0xee: {  	_ = 	snop  }
0xef: {  	[tilespmem:s30], [sflag:$0x1] =	stream.indirect_vreg.gather [hbm4b:s3+s2], $0x80, v3, vm0, $0xb8;
	[tilespmem:$0x10600] =	vst v63  }
0xf0: {  	v3 =	vld [tilespmem:$0x120];
	_ =	sdelay $0x4  }
0xf1: {  	v50 =	vshll.u32 v3, $0x1  }
0xf2: {  	v3 =	vand.u32 $0x7, v3;
	v4 =	vand.u32 $0xFFFFFFF0, v50  }
0xf3: {  	v3 =	vor.u32 v3, v4  }
0xf4: {  	v4 =	vperm.xlane v3, v0;
	_ =	sdelay $0x1  }
0xf5: {  	v3 =	vperm.xlane v3, v2;
	v4 =	vadd.s32 v1, v4;
	_ =	sdelay $0x1  }
0xf6: {  	v3 =	vadd.s32 v1, v3;
	_ =	sdelay $0x2  }
0xf7: {  	[tilespmem:s31], [sflag:$0x1] =	stream.indirect_vreg.gather [hbm4b:s3+s2], $0x80, v4, vm0, $0xb8;
	[tilespmem:$0x10600] =	vst v63  }
0xf8: {  	_ = 	snop  }
0xf9: {  	[tilespmem:s9], [sflag:$0x1] =	stream.indirect_vreg.gather [hbm4b:s3+s2], $0x80, v3, vm0, $0xb8;
	[tilespmem:$0x10600] =	vst v63  }
0xfa: {  	v3 =	vld [tilespmem:$0x130];
	_ =	sdelay $0x4  }
0xfb: {  	v51 =	vshll.u32 v3, $0x1  }
0xfc: {  	v3 =	vand.u32 $0x7, v3;
	v4 =	vand.u32 $0xFFFFFFF0, v51  }
0xfd: {  	v3 =	vor.u32 v3, v4  }
0xfe: {  	v4 =	vperm.xlane v3, v0;
	_ =	sdelay $0x1  }
0xff: {  	v3 =	vperm.xlane v3, v2;
	v4 =	vadd.s32 v1, v4;
	_ =	sdelay $0x1  }
0x100: {  	v3 =	vadd.s32 v1, v3;
	_ =	sdelay $0x2  }
0x101: {  	[tilespmem:s1], [sflag:$0x1] =	stream.indirect_vreg.gather [hbm4b:s3+s2], $0x80, v4, vm0, $0xb8;
	[tilespmem:$0x10600] =	vst v63  }
0x102: {  	_ = 	snop  }
0x103: {  	[tilespmem:s8], [sflag:$0x1] =	stream.indirect_vreg.gather [hbm4b:s3+s2], $0x80, v3, vm0, $0xb8;
	[tilespmem:$0x10600] =	vst v63  }
0x104: {  	v3 =	vld [tilespmem:$0x140];
	_ =	sdelay $0x4  }
0x105: {  	v52 =	vshll.u32 v3, $0x1  }
0x106: {  	v3 =	vand.u32 $0x7, v3;
	v4 =	vand.u32 $0xFFFFFFF0, v52  }
0x107: {  	v3 =	vor.u32 v3, v4  }
0x108: {  	v4 =	vperm.xlane v3, v0;
	_ =	sdelay $0x1  }
0x109: {  	v3 =	vperm.xlane v3, v2;
	v4 =	vadd.s32 v1, v4;
	_ =	sdelay $0x1  }
0x10a: {  	v3 =	vadd.s32 v1, v3;
	_ =	sdelay $0x2  }
0x10b: {  	[tilespmem:s10], [sflag:$0x1] =	stream.indirect_vreg.gather [hbm4b:s3+s2], $0x80, v4, vm0, $0xb8;
	[tilespmem:$0x10600] =	vst v63  }
0x10c: {  	_ = 	snop  }
0x10d: {  	[tilespmem:s11], [sflag:$0x1] =	stream.indirect_vreg.gather [hbm4b:s3+s2], $0x80, v3, vm0, $0xb8;
	[tilespmem:$0x10600] =	vst v63  }
0x10e: {  	v3 =	vld [tilespmem:$0x150];
	_ =	sdelay $0x4  }
0x10f: {  	v53 =	vshll.u32 v3, $0x1  }
0x110: {  	v3 =	vand.u32 $0x7, v3;
	v4 =	vand.u32 $0xFFFFFFF0, v53  }
0x111: {  	v3 =	vor.u32 v3, v4  }
0x112: {  	v4 =	vperm.xlane v3, v0;
	_ =	sdelay $0x1  }
0x113: {  	v3 =	vperm.xlane v3, v2;
	v4 =	vadd.s32 v1, v4;
	_ =	sdelay $0x1  }
0x114: {  	v3 =	vadd.s32 v1, v3;
	_ =	sdelay $0x2  }
0x115: {  	[tilespmem:s12], [sflag:$0x1] =	stream.indirect_vreg.gather [hbm4b:s3+s2], $0x80, v4, vm0, $0xb8;
	[tilespmem:$0x10600] =	vst v63  }
0x116: {  	_ = 	snop  }
0x117: {  	[tilespmem:s13], [sflag:$0x1] =	stream.indirect_vreg.gather [hbm4b:s3+s2], $0x80, v3, vm0, $0xb8;
	[tilespmem:$0x10600] =	vst v63  }
0x118: {  	v3 =	vld [tilespmem:$0x160];
	_ =	sdelay $0x4  }
0x119: {  	v54 =	vshll.u32 v3, $0x1  }
0x11a: {  	v3 =	vand.u32 $0x7, v3;
	v4 =	vand.u32 $0xFFFFFFF0, v54  }
0x11b: {  	v3 =	vor.u32 v3, v4  }
0x11c: {  	v4 =	vperm.xlane v3, v0;
	_ =	sdelay $0x1  }
0x11d: {  	v3 =	vperm.xlane v3, v2;
	v4 =	vadd.s32 v1, v4;
	_ =	sdelay $0x1  }
0x11e: {  	v3 =	vadd.s32 v1, v3;
	_ =	sdelay $0x2  }
0x11f: {  	[tilespmem:s14], [sflag:$0x1] =	stream.indirect_vreg.gather [hbm4b:s3+s2], $0x80, v4, vm0, $0xb8;
	[tilespmem:$0x10600] =	vst v63  }
0x120: {  	_ = 	snop  }
0x121: {  	[tilespmem:s15], [sflag:$0x1] =	stream.indirect_vreg.gather [hbm4b:s3+s2], $0x80, v3, vm0, $0xb8;
	[tilespmem:$0x10600] =	vst v63  }
0x122: {  	v3 =	vld [tilespmem:$0x170];
	_ =	sdelay $0x4  }
0x123: {  	v55 =	vshll.u32 v3, $0x1  }
0x124: {  	v3 =	vand.u32 $0x7, v3;
	v4 =	vand.u32 $0xFFFFFFF0, v55  }
0x125: {  	v3 =	vor.u32 v3, v4  }
0x126: {  	v4 =	vperm.xlane v3, v0;
	_ =	sdelay $0x1  }
0x127: {  	v3 =	vperm.xlane v3, v2;
	v4 =	vadd.s32 v1, v4;
	_ =	sdelay $0x1  }
0x128: {  	v3 =	vadd.s32 v1, v3;
	_ =	sdelay $0x2  }
0x129: {  	[tilespmem:s4], [sflag:$0x1] =	stream.indirect_vreg.gather [hbm4b:s3+s2], $0x80, v4, vm0, $0xb8;
	[tilespmem:$0x10600] =	vst v63  }
0x12a: {  	_ = 	snop  }
0x12b: {  	[tilespmem:s16], [sflag:$0x1] =	stream.indirect_vreg.gather [hbm4b:s3+s2], $0x80, v3, vm0, $0xb8;
	[tilespmem:$0x10600] =	vst v63  }
0x12c: {  	_ =	swait.ge [sflag:s18], $0x8000  }
0x12d: {  	[sflag:s18] =	ssyncset.done $0x0  }
0x12e: {  	s1 =	simm.s32 $0x4;
	s4 =	rddreg [dreg:$0x9];
	[sflag:s18] =	ssyncadd.s32 $0xFFFF8000  }
0x12f: {  	[hbm4b:s4+s2] =	stream.linear.scatter [tilespmem:s6], [sflag:$0x3], $0x8000, $0x38;
	[tilespmem:$0x10600] =	vst v63  }
0x130: {  	_ =	swait.ge [sflag:s1], $0x8000  }
0x131: {  	[sflag:s1] =	ssyncset.done $0x0  }
0x132: {  	[sflag:s1] =	ssyncadd.s32 $0xFFFF8000  }
0x133: {  	v3 =	vld [tilespmem:$0x180];
	_ =	sdelay $0x4  }
0x134: {  	v56 =	vshll.u32 v3, $0x1  }
0x135: {  	v3 =	vand.u32 $0x7, v3;
	v4 =	vand.u32 $0xFFFFFFF0, v56  }
0x136: {  	v3 =	vor.u32 v3, v4  }
0x137: {  	v4 =	vperm.xlane v3, v0;
	_ =	sdelay $0x1  }
0x138: {  	v3 =	vperm.xlane v3, v2;
	v4 =	vadd.s32 v1, v4;
	_ =	sdelay $0x1  }
0x139: {  	v3 =	vadd.s32 v1, v3;
	_ =	sdelay $0x2  }
0x13a: {  	[tilespmem:s7], [sflag:$0x2] =	stream.indirect_vreg.gather [hbm4b:s3+s2], $0x80, v4, vm0, $0xb8;
	[tilespmem:$0x10600] =	vst v63  }
0x13b: {  	s24 =	simm.s32 $0x8C00  }
0x13c: {  	[tilespmem:s24], [sflag:$0x2] =	stream.indirect_vreg.gather [hbm4b:s3+s2], $0x80, v3, vm0, $0xb8;
	[tilespmem:$0x10600] =	vst v63  }
0x13d: {  	v3 =	vld [tilespmem:$0x190];
	_ =	sdelay $0x4  }
0x13e: {  	v57 =	vshll.u32 v3, $0x1  }
0x13f: {  	v3 =	vand.u32 $0x7, v3;
	v4 =	vand.u32 $0xFFFFFFF0, v57  }
0x140: {  	v3 =	vor.u32 v3, v4  }
0x141: {  	v4 =	vperm.xlane v3, v0;
	_ =	sdelay $0x1  }
0x142: {  	v3 =	vperm.xlane v3, v2;
	v4 =	vadd.s32 v1, v4;
	_ =	sdelay $0x1  }
0x143: {  	v3 =	vadd.s32 v1, v3;
	_ =	sdelay $0x2  }
0x144: {  	[tilespmem:s21], [sflag:$0x2] =	stream.indirect_vreg.gather [hbm4b:s3+s2], $0x80, v4, vm0, $0xb8;
	[tilespmem:$0x10600] =	vst v63  }
0x145: {  	s28 =	simm.s32 $0x9C00  }
0x146: {  	[tilespmem:s28], [sflag:$0x2] =	stream.indirect_vreg.gather [hbm4b:s3+s2], $0x80, v3, vm0, $0xb8;
	[tilespmem:$0x10600] =	vst v63  }
0x147: {  	v3 =	vld [tilespmem:$0x1A0];
	_ =	sdelay $0x4  }
0x148: {  	v58 =	vshll.u32 v3, $0x1  }
0x149: {  	v3 =	vand.u32 $0x7, v3;
	v4 =	vand.u32 $0xFFFFFFF0, v58  }
0x14a: {  	v3 =	vor.u32 v3, v4  }
0x14b: {  	v4 =	vperm.xlane v3, v0;
	_ =	sdelay $0x1  }
0x14c: {  	v3 =	vperm.xlane v3, v2;
	v4 =	vadd.s32 v1, v4;
	_ =	sdelay $0x1  }
0x14d: {  	v3 =	vadd.s32 v1, v3;
	_ =	sdelay $0x2  }
0x14e: {  	[tilespmem:s23], [sflag:$0x2] =	stream.indirect_vreg.gather [hbm4b:s3+s2], $0x80, v4, vm0, $0xb8;
	[tilespmem:$0x10600] =	vst v63  }
0x14f: {  	_ = 	snop  }
0x150: {  	[tilespmem:s25], [sflag:$0x2] =	stream.indirect_vreg.gather [hbm4b:s3+s2], $0x80, v3, vm0, $0xb8;
	[tilespmem:$0x10600] =	vst v63  }
0x151: {  	v3 =	vld [tilespmem:$0x1B0];
	_ =	sdelay $0x4  }
0x152: {  	v59 =	vshll.u32 v3, $0x1  }
0x153: {  	v3 =	vand.u32 $0x7, v3;
	v4 =	vand.u32 $0xFFFFFFF0, v59  }
0x154: {  	v3 =	vor.u32 v3, v4  }
0x155: {  	v4 =	vperm.xlane v3, v0;
	_ =	sdelay $0x1  }
0x156: {  	v3 =	vperm.xlane v3, v2;
	v4 =	vadd.s32 v1, v4;
	_ =	sdelay $0x1  }
0x157: {  	v3 =	vadd.s32 v1, v3;
	_ =	sdelay $0x2  }
0x158: {  	[tilespmem:s19], [sflag:$0x2] =	stream.indirect_vreg.gather [hbm4b:s3+s2], $0x80, v4, vm0, $0xb8;
	[tilespmem:$0x10600] =	vst v63  }
0x159: {  	_ = 	snop  }
0x15a: {  	[tilespmem:s20], [sflag:$0x2] =	stream.indirect_vreg.gather [hbm4b:s3+s2], $0x80, v3, vm0, $0xb8;
	[tilespmem:$0x10600] =	vst v63  }
0x15b: {  	v3 =	vld [tilespmem:$0x1C0];
	_ =	sdelay $0x4  }
0x15c: {  	v60 =	vshll.u32 v3, $0x1  }
0x15d: {  	v3 =	vand.u32 $0x7, v3;
	v4 =	vand.u32 $0xFFFFFFF0, v60  }
0x15e: {  	v3 =	vor.u32 v3, v4  }
0x15f: {  	v4 =	vperm.xlane v3, v0;
	_ =	sdelay $0x1  }
0x160: {  	v3 =	vperm.xlane v3, v2;
	v4 =	vadd.s32 v1, v4;
	_ =	sdelay $0x1  }
0x161: {  	v3 =	vadd.s32 v1, v3;
	_ =	sdelay $0x1  }
0x162: {  	s29 =	simm.s32 $0xC400  }
0x163: {  	[tilespmem:s29], [sflag:$0x2] =	stream.indirect_vreg.gather [hbm4b:s3+s2], $0x80, v4, vm0, $0xb8;
	[tilespmem:$0x10600] =	vst v63  }
0x164: {  	s30 =	simm.s32 $0xCC00  }
0x165: {  	[tilespmem:s30], [sflag:$0x2] =	stream.indirect_vreg.gather [hbm4b:s3+s2], $0x80, v3, vm0, $0xb8;
	[tilespmem:$0x10600] =	vst v63  }
0x166: {  	v3 =	vld [tilespmem:$0x1D0];
	_ =	sdelay $0x4  }
0x167: {  	v61 =	vshll.u32 v3, $0x1  }
0x168: {  	v3 =	vand.u32 $0x7, v3;
	v4 =	vand.u32 $0xFFFFFFF0, v61  }
0x169: {  	v3 =	vor.u32 v3, v4  }
0x16a: {  	v4 =	vperm.xlane v3, v0;
	_ =	sdelay $0x1  }
0x16b: {  	v3 =	vperm.xlane v3, v2;
	v4 =	vadd.s32 v1, v4;
	_ =	sdelay $0x1  }
0x16c: {  	v3 =	vadd.s32 v1, v3;
	_ =	sdelay $0x1  }
0x16d: {  	s24 =	simm.s32 $0xD400  }
0x16e: {  	[tilespmem:s24], [sflag:$0x2] =	stream.indirect_vreg.gather [hbm4b:s3+s2], $0x80, v4, vm0, $0xb8;
	[tilespmem:$0x10600] =	vst v63  }
0x16f: {  	s28 =	simm.s32 $0xDC00  }
0x170: {  	[tilespmem:s28], [sflag:$0x2] =	stream.indirect_vreg.gather [hbm4b:s3+s2], $0x80, v3, vm0, $0xb8;
	[tilespmem:$0x10600] =	vst v63  }
0x171: {  	v3 =	vld [tilespmem:$0x1E0];
	_ =	sdelay $0x4  }
0x172: {  	v62 =	vshll.u32 v3, $0x1  }
0x173: {  	v3 =	vand.u32 $0x7, v3;
	v4 =	vand.u32 $0xFFFFFFF0, v62  }
0x174: {  	v3 =	vor.u32 v3, v4  }
0x175: {  	v4 =	vperm.xlane v3, v0;
	_ =	sdelay $0x1  }
0x176: {  	v3 =	vperm.xlane v3, v2;
	v4 =	vadd.s32 v1, v4;
	_ =	sdelay $0x1  }
0x177: {  	v3 =	vadd.s32 v1, v3;
	_ =	sdelay $0x1  }
0x178: {  	s29 =	simm.s32 $0xE400  }
0x179: {  	[tilespmem:s29], [sflag:$0x2] =	stream.indirect_vreg.gather [hbm4b:s3+s2], $0x80, v4, vm0, $0xb8;
	[tilespmem:$0x10600] =	vst v63  }
0x17a: {  	s30 =	simm.s32 $0xEC00  }
0x17b: {  	[tilespmem:s30], [sflag:$0x2] =	stream.indirect_vreg.gather [hbm4b:s3+s2], $0x80, v3, vm0, $0xb8;
	[tilespmem:$0x10600] =	vst v63  }
0x17c: {  	v3 =	vld [tilespmem:$0x1F0];
	_ =	sdelay $0x4  }
0x17d: {  	v63 =	vshll.u32 v3, $0x1  }
0x17e: {  	v3 =	vand.u32 $0x7, v3;
	v4 =	vand.u32 $0xFFFFFFF0, v63  }
0x17f: {  	v3 =	vor.u32 v3, v4  }
0x180: {  	v4 =	vperm.xlane v3, v0;
	_ =	sdelay $0x1  }
0x181: {  	v3 =	vperm.xlane v3, v2;
	v4 =	vadd.s32 v1, v4;
	_ =	sdelay $0x1  }
0x182: {  	v3 =	vadd.s32 v1, v3;
	_ =	sdelay $0x1  }
0x183: {  	s24 =	simm.s32 $0xF400  }
0x184: {  	[tilespmem:s24], [sflag:$0x2] =	stream.indirect_vreg.gather [hbm4b:s3+s2], $0x80, v4, vm0, $0xb8;
	[tilespmem:$0x10600] =	vst v63  }
0x185: {  	s28 =	simm.s32 $0xFC00  }
0x186: {  	[tilespmem:s28], [sflag:$0x2] =	stream.indirect_vreg.gather [hbm4b:s3+s2], $0x80, v3, vm0, $0xb8;
	[tilespmem:$0x10600] =	vst v63  }
0x187: {  	_ =	swait.ge [sflag:s0], $0x8000  }
0x188: {  	[sflag:s0] =	ssyncset.done $0x0  }
0x189: {  	s29 =	rddreg [dreg:$0xa];
	[sflag:s0] =	ssyncadd.s32 $0xFFFF8000  }
0x18a: {  	[hbm4b:s29+s2] =	stream.linear.scatter [tilespmem:s7], [sflag:$0x4], $0x8000, $0x38;
	[tilespmem:$0x10600] =	vst v63  }
0x18b: {  	_ =	swait.ge [sflag:s5], $0x8000  }
0x18c: {  	[sflag:s5] =	ssyncset.done $0x0  }
0x18d: {  	[sflag:s5] =	ssyncadd.s32 $0xFFFF8000  }
0x18e: {  	_ =	swait.ge [sflag:s1], $0x8000  }
0x18f: {  	[sflag:s1] =	ssyncset.done $0x0  }
0x190: {  	s30 =	simm.s32 $0x5;
	[sflag:s1] =	ssyncadd.s32 $0xFFFF8000  }
0x191: {  	_ =	swait.ge [sflag:s30], $0x200  }
0x192: {  	s17 =	sadd.s32 $0xFFFFFFFF, s17;
	[sflag:s30] =	ssyncset.done $0x0  }
0x193: {  	p1 =	sne.s32 s17, $0x0;
	s28 =	simm.s32 @!p0 $0x1;
	[sflag:s30] =	ssyncadd.s32 $0xFFFFFE00  }
0x194: {  	s0 =	simm.s32 @!p0 $0x1C06;
	s29 =	simm.s32 @!p0 $0x20;
	[bflag:$0x0] =	sbarrier.arrive $0xFFFF  }
.Ltmp0:
0x195: {  	s30 =	simm.s32 @!p0 $0x10;
	s24 =	rddreg [dreg:$0xb];
	(pc) =	sbr.rel @p1 .LBB2_1-.Ltmp0, $4  }
0x196: {  	[hbm:s24@s29], [sflag:s0] =	dma.strided @!p0 [spmem:s26@s30], $0x400, s28, $0x10   }
0x197: {  	_ =	swait.ge @!p0 [sflag:s22], $0x400  }
0x198: {  	[sflag:s22] =	ssyncset.done @!p0 $0x0  }
0x199: {  	[sflag:s22] =	ssyncadd.s32 @!p0 $0xFFFFFC00  }
0x19a: {  	_ =	sfence.sel $0x180000  }
0x19b: {  	[bflag:$0x0] =	sbarrier.arrive $0xFFFF  }
0x19c: {  	_ =	strace $0x90000047  }
0x19d: {  	[bflag:$0x2] =	sbarrier.arrive $0xFFFF  }
0x19e: {  	s0 =	rddreg [dreg:$0x4]  }
0x19f: {  	s0 =	sadd.s32 @!p0 $0x100000, s0  }
0x1a0: {  	[sflag:s0] =	ssyncadd.tile.s32 @!p0 $0x1;
	_ =	shalt  }
.Lfunc_end2:
_tile_overlayer_lowered:
.L_overlay_start_2:
0x1a1: {  	(tag) =	ssettag $0x2  }
0x1a2: {  	s0 =	rddreg [dreg:$0x0];
	s2 =	stileid.u32  }
0x1a3: {  	s1 =	rddreg [dreg:$0x1];
	p0 =	sne.s32 s2, $0x0  }
0x1a4: {  	s3 =	rddreg [dreg:$0x2];
	[bflag:$0x3] =	sbarrier.arrive $0xFFFF;
	s2 =	simm.s32 @!p0 $0x1C06  }
0x1a5: {  	[timem:s3], [sflag:s2] =	dma.local @!p0 [hbm:s0], s1  }
0x1a6: {  	s0 =	simm.s32 @!p0 $0x6  }
0x1a7: {  	_ =	swait.ge @!p0 [sflag:s0], s1  }
0x1a8: {  	s1 =	ssub.s32 @!p0 $0x0, s1;
	[sflag:s0] =	ssyncset.done @!p0 $0x0  }
0x1a9: {  	[sflag:s0] =	ssyncadd.s32 @!p0 s1  }
0x1aa: {  	[bflag:$0x3] =	sbarrier.arrive $0xFFFF  }
0x1ab: {  	_ =	shalt  }

</sc_bundles>
